<compile_context>
chip_gen: v7x
topology: tpu7x:2x2x1
jax: 0.10.2.dev20260603
libtpu: 0.0.44.dev20260713+nightly
codegen_flags: <defaults>
</compile_context>

<pallas_src>
import functools

import jax
import jax.numpy as jnp
from jax import lax
from jax.experimental import pallas as pl
from jax.experimental.pallas import tpu as pltpu
from jax.experimental.pallas import tpu_sc as plsc

_B = 16384
_V = 100000
_D = 16
_PAIRS = ((0, 1), (0, 2), (0, 3), (1, 2), (1, 3), (2, 3))

_NC = 2
_NS = 16
_NW = _NC * _NS
_BPW = _B // _NW

_EPS = 1e-3

_TRC = 2048
_VP = 49 * _TRC


def _tr_body(in_ref, out_ref):
    x = in_ref[0]
    y = jnp.swapaxes(x, 0, 1)
    out_ref[0] = jnp.concatenate(
        [y[256 * s:256 * (s + 1), :] for s in range(8)], axis=1)


def _to_row_major(t3):
    p_tables = t3.shape[0]
    out = pl.pallas_call(
        _tr_body,
        grid=(p_tables, _VP // _TRC),
        in_specs=[pl.BlockSpec((1, 16, _TRC), lambda p, i: (p, 0, i))],
        out_specs=pl.BlockSpec((1, _TRC // 8, 128), lambda p, i: (p, i, 0)),
        out_shape=jax.ShapeDtypeStruct((p_tables, _VP // 8, 128),
                                       jnp.float32),
    )(t3)
    return out.reshape(p_tables, _VP, _D)


def _sc_gather_call(t1, t2, t3, t0, emb_single, emb_a, emb_b):
    mesh = plsc.VectorSubcoreMesh(core_axis_name="c", subcore_axis_name="s")

    @functools.partial(
        pl.kernel,
        out_type=jax.ShapeDtypeStruct((16, _B, _D), jnp.float32),
        mesh=mesh,
        compiler_params=pltpu.CompilerParams(use_tc_tiling_on_sc=False,
                                             needs_layout_passes=False),
        scratch_types=[
            pltpu.VMEM((4, _BPW, 1), jnp.int32),
            pltpu.VMEM((4, _BPW), jnp.int32),
            pltpu.VMEM((2, _BPW, _D), jnp.float32),
            pltpu.SemaphoreType.DMA,
            pltpu.SemaphoreType.DMA,
        ],
    )
    def sc_kernel(t1_hbm, t2_hbm, t3_hbm, t0_hbm, single_hbm, a_hbm, b_hbm,
                  out_hbm, tmp_v, idx_v, buf_v, gsem, wsem):
        wid = lax.axis_index("s") * _NC + lax.axis_index("c")
        base = wid * _BPW
        for t, tag in enumerate((t1_hbm, t2_hbm, t3_hbm, t0_hbm)):
            pltpu.sync_copy(tag.at[pl.ds(base, _BPW)], tmp_v.at[t])
        lanes = lax.iota(jnp.int32, 16)
        zeros16 = jnp.zeros((16,), jnp.int32)
        for t in range(4):
            t16 = jnp.full((16,), t, jnp.int32)

            def repack(k, _, t16=t16):
                v = plsc.load_gather(tmp_v, [t16, k * 16 + lanes, zeros16])
                v = ((v & ~jnp.int32(2047)) | ((v & 255) << 3)
                     | ((v >> 8) & 7))
                idx_v[t, pl.ds(k * 16, 16)] = v
                return _

            lax.fori_loop(0, _BPW // 16, repack, 0)

        srcs = [(single_hbm, t) for t in range(4)]
        for p, (i, j) in enumerate(_PAIRS):
            srcs.append((a_hbm.at[p], i))
        for p, (i, j) in enumerate(_PAIRS):
            srcs.append((b_hbm.at[p], j))

        tbl0, row0 = srcs[0]
        prev = pltpu.async_copy(tbl0.at[idx_v.at[row0]], buf_v.at[0], gsem)
        for f in range(16):
            nxt = None
            if f + 1 < 16:
                tbl, row = srcs[f + 1]
                nxt = pltpu.async_copy(
                    tbl.at[idx_v.at[row]], buf_v.at[(f + 1) % 2], gsem
                )
            prev.wait()
            wcopy = pltpu.async_copy(
                buf_v.at[f % 2], out_hbm.at[f, pl.ds(base, _BPW)], wsem
            )
            wcopy.wait()
            prev = nxt

    return sc_kernel(t1, t2, t3, t0, emb_single, emb_a, emb_b)


def _dot(a, b):
    return jnp.dot(a, b, preferred_element_type=jnp.float32,
                   precision=lax.Precision.HIGHEST)


def _mlp_body(feat_ref, w1_ref, m1_ref, b1_ref, g1_ref, be1_ref, a1_ref,
              w2_ref, m2_ref, b2_ref, g2_ref, be2_ref, a2_ref,
              w3_ref, b3_ref, out_ref):
    blk8 = feat_ref.shape[1]
    acc = jnp.zeros((blk8, 320), jnp.float32)
    for f in range(4):
        acc += _dot(feat_ref[f], w1_ref[f])
    for p in range(6):
        acc += _dot(feat_ref[4 + p] * feat_ref[10 + p], w1_ref[4 + p])
    h = acc + b1_ref[...]
    mu = _dot(h, m1_ref[...])
    d = h - mu
    var = _dot(d * d, m1_ref[...])
    h = d * lax.rsqrt(var + _EPS) * g1_ref[...] + be1_ref[...]
    h = jnp.where(h >= 0, h, a1_ref[...] * h)

    h = _dot(h, w2_ref[...]) + b2_ref[...]
    mu = _dot(h, m2_ref[...])
    d = h - mu
    var = _dot(d * d, m2_ref[...])
    h = d * lax.rsqrt(var + _EPS) * g2_ref[...] + be2_ref[...]
    h = jnp.where(h >= 0, h, a2_ref[...] * h)

    logit = _dot(h, w3_ref[...]) + b3_ref[...]
    out_ref[...] = jax.nn.sigmoid(logit)


def _tc_mlp_call(feats8, w1big, m1, b1, g1, be1, a1,
                 w2big, m2, b2, g2, be2, a2, w3big, b3):
    blk8 = 256
    grid = (_B // 8) // blk8
    full = lambda shape: pl.BlockSpec(shape, lambda i: (0,) * len(shape))
    return pl.pallas_call(
        _mlp_body,
        grid=(grid,),
        in_specs=[
            pl.BlockSpec((16, blk8, 128), lambda i: (0, i, 0)),
            full((10, 128, 320)),
            full((320, 320)),
            full((1, 320)), full((1, 320)), full((1, 320)), full((1, 320)),
            full((320, 160)),
            full((160, 160)),
            full((1, 160)), full((1, 160)), full((1, 160)), full((1, 160)),
            full((160, 8)), full((1, 1)),
        ],
        out_specs=pl.BlockSpec((blk8, 8), lambda i: (i, 0)),
        out_shape=jax.ShapeDtypeStruct((_B // 8, 8), jnp.float32),
    )(feats8, w1big, m1, b1, g1, be1, a1, w2big, m2, b2, g2, be2, a2,
      w3big, b3)


def kernel(item_tag1, item_tag2, item_tag3, user_tag0,
           emb_single, emb_pair_a, emb_pair_b,
           W1, b1, g1, beta1, a1,
           W2, b2, g2, beta2, a2,
           W3, b3):
    es = _to_row_major(emb_single.T[None])[0]
    pa = _to_row_major(emb_pair_a.transpose(0, 2, 1))
    pb = _to_row_major(emb_pair_b.transpose(0, 2, 1))
    feats = _sc_gather_call(
        item_tag1, item_tag2, item_tag3, user_tag0,
        es, pa, pb,
    )
    feats8 = feats.reshape(16, _B // 8, 128)

    eye8 = jnp.eye(8, dtype=jnp.float32)
    kron = lambda w: jnp.einsum("ab,do->adbo", eye8, w).reshape(
        8 * w.shape[0], 8 * w.shape[1])
    w1big = jnp.stack([kron(W1.reshape(10, _D, 40)[f]) for f in range(10)])
    m1 = kron(jnp.full((40, 40), 1.0 / 40, jnp.float32))
    m2 = kron(jnp.full((20, 20), 1.0 / 20, jnp.float32))
    w2big = kron(W2)
    w3big = kron(W3)
    tile8 = lambda v: jnp.tile(v, 8).reshape(1, 8 * v.shape[0])

    out8 = _tc_mlp_call(
        feats8,
        w1big, m1,
        tile8(b1), tile8(g1), tile8(beta1), tile8(a1),
        w2big, m2,
        tile8(b2), tile8(g2), tile8(beta2), tile8(a2),
        w3big, b3.reshape(1, 1),
    )
    return out8.reshape(_B, 1)

# --- scband reference (transcript-rebuilt; emitter-appended) ---
"""Pipeline reference for scband-onnlayer-11974368821319 (READ-ONLY COPY).

The authoritative reference and input builder live on the scoring server;
editing this copy changes nothing except your own understanding.
"""

import jax, jax.numpy as jnp
import numpy as np

B = 16384
V = 100000
D = 16
NPAIRS = 6
PAIRS = [(0, 1), (0, 2), (0, 3), (1, 2), (1, 3), (2, 3)]
D_IN = 4 * D + NPAIRS * D


def _layernorm(x, g, b, eps=1e-3):
    mu = jnp.mean(x, axis=-1, keepdims=True)
    var = jnp.mean(jnp.square(x - mu), axis=-1, keepdims=True)
    return (x - mu) / jnp.sqrt(var + eps) * g + b


def _prelu(x, a):
    return jnp.where(x >= 0, x, a * x)


def setup_inputs(seed: int = 0):
    key = jax.random.key(seed)
    ks = jax.random.split(key, 16)
    inp = {}
    names = ["item_tag1", "item_tag2", "item_tag3", "user_tag0"]
    for n, name in enumerate(names):
        inp[name] = jax.random.randint(ks[n], (B, 1), 0, V, dtype=jnp.int32)
    inp["emb_single"] = jax.random.normal(ks[4], (V, D), jnp.float32) * 0.05
    inp["emb_pair_a"] = jax.random.normal(ks[5], (NPAIRS, V, D), jnp.float32) * 0.05
    inp["emb_pair_b"] = jax.random.normal(ks[6], (NPAIRS, V, D), jnp.float32) * 0.05
    inp["W1"] = jax.random.normal(ks[7], (D_IN, 40), jnp.float32) * 0.05
    inp["b1"] = jnp.zeros((40,), jnp.float32)
    inp["g1"] = jnp.ones((40,), jnp.float32)
    inp["beta1"] = jnp.zeros((40,), jnp.float32)
    inp["a1"] = jnp.full((40,), 0.25, jnp.float32)
    inp["W2"] = jax.random.normal(ks[8], (40, 20), jnp.float32) * 0.05
    inp["b2"] = jnp.zeros((20,), jnp.float32)
    inp["g2"] = jnp.ones((20,), jnp.float32)
    inp["beta2"] = jnp.zeros((20,), jnp.float32)
    inp["a2"] = jnp.full((20,), 0.25, jnp.float32)
    inp["W3"] = jax.random.normal(ks[9], (20, 1), jnp.float32) * 0.05
    inp["b3"] = jnp.zeros((1,), jnp.float32)
    return inp


def reference(item_tag1, item_tag2, item_tag3, user_tag0,
              emb_single, emb_pair_a, emb_pair_b,
              W1, b1, g1, beta1, a1,
              W2, b2, g2, beta2, a2,
              W3, b3):
    feats = [item_tag1, item_tag2, item_tag3, user_tag0]
    # single-field embeddings
    X = jnp.concatenate(feats, axis=1)               # [B, 4]
    x_single = jnp.take(emb_single, X, axis=0)       # [B, 4, D]
    x_single = x_single.reshape(x_single.shape[0], -1)
    # field-aware pair embeddings
    pair_outs = []
    for p, (i, j) in enumerate(PAIRS):
        e1 = jnp.take(emb_pair_a[p], feats[i][:, 0], axis=0)  # [B, D]
        e2 = jnp.take(emb_pair_b[p], feats[j][:, 0], axis=0)  # [B, D]
        pair_outs.append(e1 * e2)
    x_pair = jnp.concatenate(pair_outs, axis=1)      # [B, 6*D]
    x_comb = jnp.concatenate([x_single, x_pair], axis=1)  # [B, D_IN]
    # MLP: Dense -> LayerNorm -> PReLU (x2), then Dense(1, sigmoid)
    h = x_comb @ W1 + b1
    h = _prelu(_layernorm(h, g1, beta1), a1)
    h = h @ W2 + b2
    h = _prelu(_layernorm(h, g2, beta2), a2)
    out = jax.nn.sigmoid(h @ W3 + b3)                # [B, 1]
    return out

if __name__ == "__main__":
    import jax
    _d = setup_inputs()
    print(jax.jit(kernel)(*tuple(_d.values())))

</pallas_src>

<mosaic_0001>
#map = affine_map<(d0, d1) -> (0, 0)>
#map1 = affine_map<(d0, d1) -> (0, 0, 0)>
module attributes {stable_mosaic.version = 14 : i64} {
  func.func @sc_kernel(%arg0: i32, %arg1: i32, %arg2: memref<16384x1xi32, #tpu.memory_space<hbm>>, %arg3: memref<16384x1xi32, #tpu.memory_space<hbm>>, %arg4: memref<16384x1xi32, #tpu.memory_space<hbm>>, %arg5: memref<16384x1xi32, #tpu.memory_space<hbm>>, %arg6: memref<100352x16xf32, #tpu.memory_space<hbm>>, %arg7: memref<6x100352x16xf32, #tpu.memory_space<hbm>>, %arg8: memref<6x100352x16xf32, #tpu.memory_space<hbm>>, %arg9: memref<16x16384x16xf32, #tpu.memory_space<hbm>>, %arg10: memref<4x512x1xi32, #tpu.memory_space<vmem>>, %arg11: memref<4x512xi32, #tpu.memory_space<vmem>>, %arg12: memref<2x512x16xf32, #tpu.memory_space<vmem>>, %arg13: memref<!tpu.dma_semaphore, #tpu.memory_space<semaphore_mem>>, %arg14: memref<!tpu.dma_semaphore, #tpu.memory_space<semaphore_mem>>) attributes {dimension_semantics = [#tpu.dimension_semantics<core_parallel>, #tpu.dimension_semantics<subcore_parallel>], iteration_bounds = array<i64: 2, 16>, scalar_prefetch = 0 : i64, scratch_operands = 5 : i64, tpu.core_type = #tpu.core_type<sc_vector_subcore>, window_params = [{transform_indices = #map}, {transform_indices = #map}, {transform_indices = #map}, {transform_indices = #map}, {transform_indices = #map}, {transform_indices = #map1}, {transform_indices = #map1}, {transform_indices = #map1}]} {
    %mul3A = arith.constant 2 : i32
    %mul3A_0 = arith.muli %arg1, %mul3A : i32
    %add3A = arith.addi %mul3A_0, %arg0 : i32
    %mul3A_1 = arith.constant 512 : i32
    %mul3A_2 = arith.muli %add3A, %mul3A_1 : i32
    %run_scoped3A = arith.constant 0 : i32
    "tpu.region"() ({
      %run_scoped3A_1052 = tpu.sem_alloc : memref<!tpu.dma_semaphore, #tpu.memory_space<semaphore_mem>>
      %dma_start3A_1053 = arith.constant 0 : i32
      %dma_start3A_1054 = arith.constant 0 : i32
      %dma_start3A_1055 = tpu.memref_slice %arg10[%run_scoped3A, %dma_start3A_1053, %dma_start3A_1054] : memref<4x512x1xi32, #tpu.memory_space<vmem>> -> memref<1x512x1xi32, #tpu.memory_space<vmem>>
      %dma_start3A_1056 = tpu.memref_squeeze %dma_start3A_1055 : memref<1x512x1xi32, #tpu.memory_space<vmem>> -> memref<512x1xi32, #tpu.memory_space<vmem>>
      %dma_start3A_1057 = arith.constant 0 : i32
      %dma_start3A_1058 = tpu.memref_slice %arg2[%mul3A_2, %dma_start3A_1057] : memref<16384x1xi32, #tpu.memory_space<hbm>> -> memref<512x1xi32, #tpu.memory_space<hbm>>
      %dma_start3A_1059 = arith.constant 0 : i32
      %dma_start3A_1060 = arith.constant 0 : i32
      %dma_start3A_1061 = tpu.memref_slice %arg10[%run_scoped3A, %dma_start3A_1059, %dma_start3A_1060] : memref<4x512x1xi32, #tpu.memory_space<vmem>> -> memref<1x512x1xi32, #tpu.memory_space<vmem>>
      %dma_start3A_1062 = tpu.memref_squeeze %dma_start3A_1061 : memref<1x512x1xi32, #tpu.memory_space<vmem>> -> memref<512x1xi32, #tpu.memory_space<vmem>>
      %dma_start3A_1063 = arith.constant 0 : i32
      %dma_start3A_1064 = tpu.memref_slice %arg2[%mul3A_2, %dma_start3A_1063] : memref<16384x1xi32, #tpu.memory_space<hbm>> -> memref<512x1xi32, #tpu.memory_space<hbm>>
      tpu.enqueue_dma source(%dma_start3A_1064 : memref<512x1xi32, #tpu.memory_space<hbm>>) target(%dma_start3A_1062 : memref<512x1xi32, #tpu.memory_space<vmem>>) target_semaphore(%run_scoped3A_1052 : memref<!tpu.dma_semaphore, #tpu.memory_space<semaphore_mem>>)
      %dma_wait3A_1065 = arith.constant 0 : i32
      %dma_wait3A_1066 = arith.constant 0 : i32
      %dma_wait3A_1067 = tpu.memref_slice %arg10[%run_scoped3A, %dma_wait3A_1065, %dma_wait3A_1066] : memref<4x512x1xi32, #tpu.memory_space<vmem>> -> memref<1x512x1xi32, #tpu.memory_space<vmem>>
      %dma_wait3A_1068 = tpu.memref_squeeze %dma_wait3A_1067 : memref<1x512x1xi32, #tpu.memory_space<vmem>> -> memref<512x1xi32, #tpu.memory_space<vmem>>
      %dma_wait3A_1069 = arith.constant 0 : i32
      %dma_wait3A_1070 = tpu.memref_slice %arg2[%mul3A_2, %dma_wait3A_1069] : memref<16384x1xi32, #tpu.memory_space<hbm>> -> memref<512x1xi32, #tpu.memory_space<hbm>>
      %dma_wait3A_1071 = arith.constant 0 : i32
      %dma_wait3A_1072 = arith.constant 0 : i32
      %dma_wait3A_1073 = tpu.memref_slice %arg10[%run_scoped3A, %dma_wait3A_1071, %dma_wait3A_1072] : memref<4x512x1xi32, #tpu.memory_space<vmem>> -> memref<1x512x1xi32, #tpu.memory_space<vmem>>
      %dma_wait3A_1074 = tpu.memref_squeeze %dma_wait3A_1073 : memref<1x512x1xi32, #tpu.memory_space<vmem>> -> memref<512x1xi32, #tpu.memory_space<vmem>>
      %dma_wait3A_1075 = arith.constant 0 : i32
      %dma_wait3A_1076 = tpu.memref_slice %arg2[%mul3A_2, %dma_wait3A_1075] : memref<16384x1xi32, #tpu.memory_space<hbm>> -> memref<512x1xi32, #tpu.memory_space<hbm>>
      tpu.wait_dma2 semaphore(%run_scoped3A_1052 : memref<!tpu.dma_semaphore, #tpu.memory_space<semaphore_mem>>) src(%dma_wait3A_1076 : memref<512x1xi32, #tpu.memory_space<hbm>>) dst(%dma_wait3A_1074 : memref<512x1xi32, #tpu.memory_space<vmem>>)
      tpu.yield
    }) : () -> ()
    %run_scoped3A_3 = arith.constant 1 : i32
    "tpu.region"() ({
      %run_scoped3A_1052 = tpu.sem_alloc : memref<!tpu.dma_semaphore, #tpu.memory_space<semaphore_mem>>
      %dma_start3A_1053 = arith.constant 0 : i32
      %dma_start3A_1054 = arith.constant 0 : i32
      %dma_start3A_1055 = tpu.memref_slice %arg10[%run_scoped3A_3, %dma_start3A_1053, %dma_start3A_1054] : memref<4x512x1xi32, #tpu.memory_space<vmem>> -> memref<1x512x1xi32, #tpu.memory_space<vmem>>
      %dma_start3A_1056 = tpu.memref_squeeze %dma_start3A_1055 : memref<1x512x1xi32, #tpu.memory_space<vmem>> -> memref<512x1xi32, #tpu.memory_space<vmem>>
      %dma_start3A_1057 = arith.constant 0 : i32
      %dma_start3A_1058 = tpu.memref_slice %arg3[%mul3A_2, %dma_start3A_1057] : memref<16384x1xi32, #tpu.memory_space<hbm>> -> memref<512x1xi32, #tpu.memory_space<hbm>>
      %dma_start3A_1059 = arith.constant 0 : i32
      %dma_start3A_1060 = arith.constant 0 : i32
      %dma_start3A_1061 = tpu.memref_slice %arg10[%run_scoped3A_3, %dma_start3A_1059, %dma_start3A_1060] : memref<4x512x1xi32, #tpu.memory_space<vmem>> -> memref<1x512x1xi32, #tpu.memory_space<vmem>>
      %dma_start3A_1062 = tpu.memref_squeeze %dma_start3A_1061 : memref<1x512x1xi32, #tpu.memory_space<vmem>> -> memref<512x1xi32, #tpu.memory_space<vmem>>
      %dma_start3A_1063 = arith.constant 0 : i32
      %dma_start3A_1064 = tpu.memref_slice %arg3[%mul3A_2, %dma_start3A_1063] : memref<16384x1xi32, #tpu.memory_space<hbm>> -> memref<512x1xi32, #tpu.memory_space<hbm>>
      tpu.enqueue_dma source(%dma_start3A_1064 : memref<512x1xi32, #tpu.memory_space<hbm>>) target(%dma_start3A_1062 : memref<512x1xi32, #tpu.memory_space<vmem>>) target_semaphore(%run_scoped3A_1052 : memref<!tpu.dma_semaphore, #tpu.memory_space<semaphore_mem>>)
      %dma_wait3A_1065 = arith.constant 0 : i32
      %dma_wait3A_1066 = arith.constant 0 : i32
      %dma_wait3A_1067 = tpu.memref_slice %arg10[%run_scoped3A_3, %dma_wait3A_1065, %dma_wait3A_1066] : memref<4x512x1xi32, #tpu.memory_space<vmem>> -> memref<1x512x1xi32, #tpu.memory_space<vmem>>
      %dma_wait3A_1068 = tpu.memref_squeeze %dma_wait3A_1067 : memref<1x512x1xi32, #tpu.memory_space<vmem>> -> memref<512x1xi32, #tpu.memory_space<vmem>>
      %dma_wait3A_1069 = arith.constant 0 : i32
      %dma_wait3A_1070 = tpu.memref_slice %arg3[%mul3A_2, %dma_wait3A_1069] : memref<16384x1xi32, #tpu.memory_space<hbm>> -> memref<512x1xi32, #tpu.memory_space<hbm>>
      %dma_wait3A_1071 = arith.constant 0 : i32
      %dma_wait3A_1072 = arith.constant 0 : i32
      %dma_wait3A_1073 = tpu.memref_slice %arg10[%run_scoped3A_3, %dma_wait3A_1071, %dma_wait3A_1072] : memref<4x512x1xi32, #tpu.memory_space<vmem>> -> memref<1x512x1xi32, #tpu.memory_space<vmem>>
      %dma_wait3A_1074 = tpu.memref_squeeze %dma_wait3A_1073 : memref<1x512x1xi32, #tpu.memory_space<vmem>> -> memref<512x1xi32, #tpu.memory_space<vmem>>
      %dma_wait3A_1075 = arith.constant 0 : i32
      %dma_wait3A_1076 = tpu.memref_slice %arg3[%mul3A_2, %dma_wait3A_1075] : memref<16384x1xi32, #tpu.memory_space<hbm>> -> memref<512x1xi32, #tpu.memory_space<hbm>>
      tpu.wait_dma2 semaphore(%run_scoped3A_1052 : memref<!tpu.dma_semaphore, #tpu.memory_space<semaphore_mem>>) src(%dma_wait3A_1076 : memref<512x1xi32, #tpu.memory_space<hbm>>) dst(%dma_wait3A_1074 : memref<512x1xi32, #tpu.memory_space<vmem>>)
      tpu.yield
    }) : () -> ()
    %run_scoped3A_4 = arith.constant 2 : i32
    "tpu.region"() ({
      %run_scoped3A_1052 = tpu.sem_alloc : memref<!tpu.dma_semaphore, #tpu.memory_space<semaphore_mem>>
      %dma_start3A_1053 = arith.constant 0 : i32
      %dma_start3A_1054 = arith.constant 0 : i32
      %dma_start3A_1055 = tpu.memref_slice %arg10[%run_scoped3A_4, %dma_start3A_1053, %dma_start3A_1054] : memref<4x512x1xi32, #tpu.memory_space<vmem>> -> memref<1x512x1xi32, #tpu.memory_space<vmem>>
      %dma_start3A_1056 = tpu.memref_squeeze %dma_start3A_1055 : memref<1x512x1xi32, #tpu.memory_space<vmem>> -> memref<512x1xi32, #tpu.memory_space<vmem>>
      %dma_start3A_1057 = arith.constant 0 : i32
      %dma_start3A_1058 = tpu.memref_slice %arg4[%mul3A_2, %dma_start3A_1057] : memref<16384x1xi32, #tpu.memory_space<hbm>> -> memref<512x1xi32, #tpu.memory_space<hbm>>
      %dma_start3A_1059 = arith.constant 0 : i32
      %dma_start3A_1060 = arith.constant 0 : i32
      %dma_start3A_1061 = tpu.memref_slice %arg10[%run_scoped3A_4, %dma_start3A_1059, %dma_start3A_1060] : memref<4x512x1xi32, #tpu.memory_space<vmem>> -> memref<1x512x1xi32, #tpu.memory_space<vmem>>
      %dma_start3A_1062 = tpu.memref_squeeze %dma_start3A_1061 : memref<1x512x1xi32, #tpu.memory_space<vmem>> -> memref<512x1xi32, #tpu.memory_space<vmem>>
      %dma_start3A_1063 = arith.constant 0 : i32
      %dma_start3A_1064 = tpu.memref_slice %arg4[%mul3A_2, %dma_start3A_1063] : memref<16384x1xi32, #tpu.memory_space<hbm>> -> memref<512x1xi32, #tpu.memory_space<hbm>>
      tpu.enqueue_dma source(%dma_start3A_1064 : memref<512x1xi32, #tpu.memory_space<hbm>>) target(%dma_start3A_1062 : memref<512x1xi32, #tpu.memory_space<vmem>>) target_semaphore(%run_scoped3A_1052 : memref<!tpu.dma_semaphore, #tpu.memory_space<semaphore_mem>>)
      %dma_wait3A_1065 = arith.constant 0 : i32
      %dma_wait3A_1066 = arith.constant 0 : i32
      %dma_wait3A_1067 = tpu.memref_slice %arg10[%run_scoped3A_4, %dma_wait3A_1065, %dma_wait3A_1066] : memref<4x512x1xi32, #tpu.memory_space<vmem>> -> memref<1x512x1xi32, #tpu.memory_space<vmem>>
      %dma_wait3A_1068 = tpu.memref_squeeze %dma_wait3A_1067 : memref<1x512x1xi32, #tpu.memory_space<vmem>> -> memref<512x1xi32, #tpu.memory_space<vmem>>
      %dma_wait3A_1069 = arith.constant 0 : i32
      %dma_wait3A_1070 = tpu.memref_slice %arg4[%mul3A_2, %dma_wait3A_1069] : memref<16384x1xi32, #tpu.memory_space<hbm>> -> memref<512x1xi32, #tpu.memory_space<hbm>>
      %dma_wait3A_1071 = arith.constant 0 : i32
      %dma_wait3A_1072 = arith.constant 0 : i32
      %dma_wait3A_1073 = tpu.memref_slice %arg10[%run_scoped3A_4, %dma_wait3A_1071, %dma_wait3A_1072] : memref<4x512x1xi32, #tpu.memory_space<vmem>> -> memref<1x512x1xi32, #tpu.memory_space<vmem>>
      %dma_wait3A_1074 = tpu.memref_squeeze %dma_wait3A_1073 : memref<1x512x1xi32, #tpu.memory_space<vmem>> -> memref<512x1xi32, #tpu.memory_space<vmem>>
      %dma_wait3A_1075 = arith.constant 0 : i32
      %dma_wait3A_1076 = tpu.memref_slice %arg4[%mul3A_2, %dma_wait3A_1075] : memref<16384x1xi32, #tpu.memory_space<hbm>> -> memref<512x1xi32, #tpu.memory_space<hbm>>
      tpu.wait_dma2 semaphore(%run_scoped3A_1052 : memref<!tpu.dma_semaphore, #tpu.memory_space<semaphore_mem>>) src(%dma_wait3A_1076 : memref<512x1xi32, #tpu.memory_space<hbm>>) dst(%dma_wait3A_1074 : memref<512x1xi32, #tpu.memory_space<vmem>>)
      tpu.yield
    }) : () -> ()
    %run_scoped3A_5 = arith.constant 3 : i32
    "tpu.region"() ({
      %run_scoped3A_1052 = tpu.sem_alloc : memref<!tpu.dma_semaphore, #tpu.memory_space<semaphore_mem>>
      %dma_start3A_1053 = arith.constant 0 : i32
      %dma_start3A_1054 = arith.constant 0 : i32
      %dma_start3A_1055 = tpu.memref_slice %arg10[%run_scoped3A_5, %dma_start3A_1053, %dma_start3A_1054] : memref<4x512x1xi32, #tpu.memory_space<vmem>> -> memref<1x512x1xi32, #tpu.memory_space<vmem>>
      %dma_start3A_1056 = tpu.memref_squeeze %dma_start3A_1055 : memref<1x512x1xi32, #tpu.memory_space<vmem>> -> memref<512x1xi32, #tpu.memory_space<vmem>>
      %dma_start3A_1057 = arith.constant 0 : i32
      %dma_start3A_1058 = tpu.memref_slice %arg5[%mul3A_2, %dma_start3A_1057] : memref<16384x1xi32, #tpu.memory_space<hbm>> -> memref<512x1xi32, #tpu.memory_space<hbm>>
      %dma_start3A_1059 = arith.constant 0 : i32
      %dma_start3A_1060 = arith.constant 0 : i32
      %dma_start3A_1061 = tpu.memref_slice %arg10[%run_scoped3A_5, %dma_start3A_1059, %dma_start3A_1060] : memref<4x512x1xi32, #tpu.memory_space<vmem>> -> memref<1x512x1xi32, #tpu.memory_space<vmem>>
      %dma_start3A_1062 = tpu.memref_squeeze %dma_start3A_1061 : memref<1x512x1xi32, #tpu.memory_space<vmem>> -> memref<512x1xi32, #tpu.memory_space<vmem>>
      %dma_start3A_1063 = arith.constant 0 : i32
      %dma_start3A_1064 = tpu.memref_slice %arg5[%mul3A_2, %dma_start3A_1063] : memref<16384x1xi32, #tpu.memory_space<hbm>> -> memref<512x1xi32, #tpu.memory_space<hbm>>
      tpu.enqueue_dma source(%dma_start3A_1064 : memref<512x1xi32, #tpu.memory_space<hbm>>) target(%dma_start3A_1062 : memref<512x1xi32, #tpu.memory_space<vmem>>) target_semaphore(%run_scoped3A_1052 : memref<!tpu.dma_semaphore, #tpu.memory_space<semaphore_mem>>)
      %dma_wait3A_1065 = arith.constant 0 : i32
      %dma_wait3A_1066 = arith.constant 0 : i32
      %dma_wait3A_1067 = tpu.memref_slice %arg10[%run_scoped3A_5, %dma_wait3A_1065, %dma_wait3A_1066] : memref<4x512x1xi32, #tpu.memory_space<vmem>> -> memref<1x512x1xi32, #tpu.memory_space<vmem>>
      %dma_wait3A_1068 = tpu.memref_squeeze %dma_wait3A_1067 : memref<1x512x1xi32, #tpu.memory_space<vmem>> -> memref<512x1xi32, #tpu.memory_space<vmem>>
      %dma_wait3A_1069 = arith.constant 0 : i32
      %dma_wait3A_1070 = tpu.memref_slice %arg5[%mul3A_2, %dma_wait3A_1069] : memref<16384x1xi32, #tpu.memory_space<hbm>> -> memref<512x1xi32, #tpu.memory_space<hbm>>
      %dma_wait3A_1071 = arith.constant 0 : i32
      %dma_wait3A_1072 = arith.constant 0 : i32
      %dma_wait3A_1073 = tpu.memref_slice %arg10[%run_scoped3A_5, %dma_wait3A_1071, %dma_wait3A_1072] : memref<4x512x1xi32, #tpu.memory_space<vmem>> -> memref<1x512x1xi32, #tpu.memory_space<vmem>>
      %dma_wait3A_1074 = tpu.memref_squeeze %dma_wait3A_1073 : memref<1x512x1xi32, #tpu.memory_space<vmem>> -> memref<512x1xi32, #tpu.memory_space<vmem>>
      %dma_wait3A_1075 = arith.constant 0 : i32
      %dma_wait3A_1076 = tpu.memref_slice %arg5[%mul3A_2, %dma_wait3A_1075] : memref<16384x1xi32, #tpu.memory_space<hbm>> -> memref<512x1xi32, #tpu.memory_space<hbm>>
      tpu.wait_dma2 semaphore(%run_scoped3A_1052 : memref<!tpu.dma_semaphore, #tpu.memory_space<semaphore_mem>>) src(%dma_wait3A_1076 : memref<512x1xi32, #tpu.memory_space<hbm>>) dst(%dma_wait3A_1074 : memref<512x1xi32, #tpu.memory_space<vmem>>)
      tpu.yield
    }) : () -> ()
    %iota3A = tpu.iota {dimensions = array<i32: 0>} : vector<16xi32>
    %broadcast_in_dim3A = arith.constant 0 : i32
    %broadcast_in_dim3A_6 = vector.broadcast %broadcast_in_dim3A : i32 to vector<16xi32>
    %broadcast_in_dim3A_7 = arith.constant 0 : i32
    %broadcast_in_dim3A_8 = vector.broadcast %broadcast_in_dim3A_7 : i32 to vector<16xi32>
    %scan3A = arith.constant 0 : i32
    %scan3A_9 = arith.constant 0 : i32
    %scan3A_10 = arith.constant 32 : i32
    %scan3A_11 = arith.addi %scan3A_9, %scan3A_10 : i32
    %scan3A_12 = arith.constant 1 : i32
    scf.for %scan3A_1052 = %scan3A_9 to %scan3A_11 step %scan3A_12  : i32 {
      %mul3A_1053 = arith.constant 16 : i32
      %mul3A_1054 = arith.muli %scan3A_1052, %mul3A_1053 : i32
      %add3A_1055 = vector.broadcast %mul3A_1054 : i32 to vector<16xi32>
      %add3A_1056 = arith.addi %add3A_1055, %iota3A : vector<16xi32>
      %gather3A = tpu.vector_load_idx %arg10[%broadcast_in_dim3A_8, %add3A_1056, %broadcast_in_dim3A_6] : memref<4x512x1xi32, #tpu.memory_space<vmem>>[vector<16xi32>, vector<16xi32>, vector<16xi32>], vector<16xi32>,
      %not3A = arith.constant 2047 : i32
      %not3A_1057 = arith.constant -1 : i32
      %not3A_1058 = arith.xori %not3A, %not3A_1057 : i32
      %and3A = vector.broadcast %not3A_1058 : i32 to vector<16xi32>
      %and3A_1059 = arith.andi %gather3A, %and3A : vector<16xi32>
      %and3A_1060 = arith.constant 255 : i32
      %and3A_1061 = vector.broadcast %and3A_1060 : i32 to vector<16xi32>
      %and3A_1062 = arith.andi %gather3A, %and3A_1061 : vector<16xi32>
      %shift_left3A = arith.constant 3 : i32
      %shift_left3A_1063 = vector.broadcast %shift_left3A : i32 to vector<16xi32>
      %shift_left3A_1064 = arith.shli %and3A_1062, %shift_left3A_1063 : vector<16xi32>
      %or3A = arith.ori %and3A_1059, %shift_left3A_1064 : vector<16xi32>
      %shift_right_arithmetic3A = arith.constant 8 : i32
      %shift_right_arithmetic3A_1065 = vector.broadcast %shift_right_arithmetic3A : i32 to vector<16xi32>
      %shift_right_arithmetic3A_1066 = arith.shrsi %gather3A, %shift_right_arithmetic3A_1065 : vector<16xi32>
      %and3A_1067 = arith.constant 7 : i32
      %and3A_1068 = vector.broadcast %and3A_1067 : i32 to vector<16xi32>
      %and3A_1069 = arith.andi %shift_right_arithmetic3A_1066, %and3A_1068 : vector<16xi32>
      %or3A_1070 = arith.ori %or3A, %and3A_1069 : vector<16xi32>
      %mul3A_1071 = arith.constant 16 : i32
      %mul3A_1072 = arith.muli %scan3A_1052, %mul3A_1071 : i32
      %swap3A = arith.constant 0 : i32
      %swap3A_1073 = arith.index_cast %swap3A : i32 to index
      %swap3A_1074 = arith.index_cast %mul3A_1072 : i32 to index
      %swap3A_1075 = tpu.vector_load %arg11[%swap3A_1073, %swap3A_1074] {strides = array<i32>} : memref<4x512xi32, #tpu.memory_space<vmem>>, vector<16xi32>,
      tpu.vector_store %arg11[%swap3A_1073, %swap3A_1074], %or3A_1070 {strides = array<i32>} : memref<4x512xi32, #tpu.memory_space<vmem>>, vector<16xi32>,
    }
    %scan3A_13 = arith.constant 32 : i32
    %broadcast_in_dim3A_14 = arith.constant 1 : i32
    %broadcast_in_dim3A_15 = vector.broadcast %broadcast_in_dim3A_14 : i32 to vector<16xi32>
    %scan3A_16 = arith.constant 0 : i32
    %scan3A_17 = arith.constant 0 : i32
    %scan3A_18 = arith.constant 32 : i32
    %scan3A_19 = arith.addi %scan3A_17, %scan3A_18 : i32
    %scan3A_20 = arith.constant 1 : i32
    scf.for %scan3A_1052 = %scan3A_17 to %scan3A_19 step %scan3A_20  : i32 {
      %mul3A_1053 = arith.constant 16 : i32
      %mul3A_1054 = arith.muli %scan3A_1052, %mul3A_1053 : i32
      %add3A_1055 = vector.broadcast %mul3A_1054 : i32 to vector<16xi32>
      %add3A_1056 = arith.addi %add3A_1055, %iota3A : vector<16xi32>
      %gather3A = tpu.vector_load_idx %arg10[%broadcast_in_dim3A_15, %add3A_1056, %broadcast_in_dim3A_6] : memref<4x512x1xi32, #tpu.memory_space<vmem>>[vector<16xi32>, vector<16xi32>, vector<16xi32>], vector<16xi32>,
      %not3A = arith.constant 2047 : i32
      %not3A_1057 = arith.constant -1 : i32
      %not3A_1058 = arith.xori %not3A, %not3A_1057 : i32
      %and3A = vector.broadcast %not3A_1058 : i32 to vector<16xi32>
      %and3A_1059 = arith.andi %gather3A, %and3A : vector<16xi32>
      %and3A_1060 = arith.constant 255 : i32
      %and3A_1061 = vector.broadcast %and3A_1060 : i32 to vector<16xi32>
      %and3A_1062 = arith.andi %gather3A, %and3A_1061 : vector<16xi32>
      %shift_left3A = arith.constant 3 : i32
      %shift_left3A_1063 = vector.broadcast %shift_left3A : i32 to vector<16xi32>
      %shift_left3A_1064 = arith.shli %and3A_1062, %shift_left3A_1063 : vector<16xi32>
      %or3A = arith.ori %and3A_1059, %shift_left3A_1064 : vector<16xi32>
      %shift_right_arithmetic3A = arith.constant 8 : i32
      %shift_right_arithmetic3A_1065 = vector.broadcast %shift_right_arithmetic3A : i32 to vector<16xi32>
      %shift_right_arithmetic3A_1066 = arith.shrsi %gather3A, %shift_right_arithmetic3A_1065 : vector<16xi32>
      %and3A_1067 = arith.constant 7 : i32
      %and3A_1068 = vector.broadcast %and3A_1067 : i32 to vector<16xi32>
      %and3A_1069 = arith.andi %shift_right_arithmetic3A_1066, %and3A_1068 : vector<16xi32>
      %or3A_1070 = arith.ori %or3A, %and3A_1069 : vector<16xi32>
      %mul3A_1071 = arith.constant 16 : i32
      %mul3A_1072 = arith.muli %scan3A_1052, %mul3A_1071 : i32
      %swap3A = arith.constant 1 : i32
      %swap3A_1073 = arith.index_cast %swap3A : i32 to index
      %swap3A_1074 = arith.index_cast %mul3A_1072 : i32 to index
      %swap3A_1075 = tpu.vector_load %arg11[%swap3A_1073, %swap3A_1074] {strides = array<i32>} : memref<4x512xi32, #tpu.memory_space<vmem>>, vector<16xi32>,
      tpu.vector_store %arg11[%swap3A_1073, %swap3A_1074], %or3A_1070 {strides = array<i32>} : memref<4x512xi32, #tpu.memory_space<vmem>>, vector<16xi32>,
    }
    %scan3A_21 = arith.constant 32 : i32
    %broadcast_in_dim3A_22 = arith.constant 2 : i32
    %broadcast_in_dim3A_23 = vector.broadcast %broadcast_in_dim3A_22 : i32 to vector<16xi32>
    %scan3A_24 = arith.constant 0 : i32
    %scan3A_25 = arith.constant 0 : i32
    %scan3A_26 = arith.constant 32 : i32
    %scan3A_27 = arith.addi %scan3A_25, %scan3A_26 : i32
    %scan3A_28 = arith.constant 1 : i32
    scf.for %scan3A_1052 = %scan3A_25 to %scan3A_27 step %scan3A_28  : i32 {
      %mul3A_1053 = arith.constant 16 : i32
      %mul3A_1054 = arith.muli %scan3A_1052, %mul3A_1053 : i32
      %add3A_1055 = vector.broadcast %mul3A_1054 : i32 to vector<16xi32>
      %add3A_1056 = arith.addi %add3A_1055, %iota3A : vector<16xi32>
      %gather3A = tpu.vector_load_idx %arg10[%broadcast_in_dim3A_23, %add3A_1056, %broadcast_in_dim3A_6] : memref<4x512x1xi32, #tpu.memory_space<vmem>>[vector<16xi32>, vector<16xi32>, vector<16xi32>], vector<16xi32>,
      %not3A = arith.constant 2047 : i32
      %not3A_1057 = arith.constant -1 : i32
      %not3A_1058 = arith.xori %not3A, %not3A_1057 : i32
      %and3A = vector.broadcast %not3A_1058 : i32 to vector<16xi32>
      %and3A_1059 = arith.andi %gather3A, %and3A : vector<16xi32>
      %and3A_1060 = arith.constant 255 : i32
      %and3A_1061 = vector.broadcast %and3A_1060 : i32 to vector<16xi32>
      %and3A_1062 = arith.andi %gather3A, %and3A_1061 : vector<16xi32>
      %shift_left3A = arith.constant 3 : i32
      %shift_left3A_1063 = vector.broadcast %shift_left3A : i32 to vector<16xi32>
      %shift_left3A_1064 = arith.shli %and3A_1062, %shift_left3A_1063 : vector<16xi32>
      %or3A = arith.ori %and3A_1059, %shift_left3A_1064 : vector<16xi32>
      %shift_right_arithmetic3A = arith.constant 8 : i32
      %shift_right_arithmetic3A_1065 = vector.broadcast %shift_right_arithmetic3A : i32 to vector<16xi32>
      %shift_right_arithmetic3A_1066 = arith.shrsi %gather3A, %shift_right_arithmetic3A_1065 : vector<16xi32>
      %and3A_1067 = arith.constant 7 : i32
      %and3A_1068 = vector.broadcast %and3A_1067 : i32 to vector<16xi32>
      %and3A_1069 = arith.andi %shift_right_arithmetic3A_1066, %and3A_1068 : vector<16xi32>
      %or3A_1070 = arith.ori %or3A, %and3A_1069 : vector<16xi32>
      %mul3A_1071 = arith.constant 16 : i32
      %mul3A_1072 = arith.muli %scan3A_1052, %mul3A_1071 : i32
      %swap3A = arith.constant 2 : i32
      %swap3A_1073 = arith.index_cast %swap3A : i32 to index
      %swap3A_1074 = arith.index_cast %mul3A_1072 : i32 to index
      %swap3A_1075 = tpu.vector_load %arg11[%swap3A_1073, %swap3A_1074] {strides = array<i32>} : memref<4x512xi32, #tpu.memory_space<vmem>>, vector<16xi32>,
      tpu.vector_store %arg11[%swap3A_1073, %swap3A_1074], %or3A_1070 {strides = array<i32>} : memref<4x512xi32, #tpu.memory_space<vmem>>, vector<16xi32>,
    }
    %scan3A_29 = arith.constant 32 : i32
    %broadcast_in_dim3A_30 = arith.constant 3 : i32
    %broadcast_in_dim3A_31 = vector.broadcast %broadcast_in_dim3A_30 : i32 to vector<16xi32>
    %scan3A_32 = arith.constant 0 : i32
    %scan3A_33 = arith.constant 0 : i32
    %scan3A_34 = arith.constant 32 : i32
    %scan3A_35 = arith.addi %scan3A_33, %scan3A_34 : i32
    %scan3A_36 = arith.constant 1 : i32
    scf.for %scan3A_1052 = %scan3A_33 to %scan3A_35 step %scan3A_36  : i32 {
      %mul3A_1053 = arith.constant 16 : i32
      %mul3A_1054 = arith.muli %scan3A_1052, %mul3A_1053 : i32
      %add3A_1055 = vector.broadcast %mul3A_1054 : i32 to vector<16xi32>
      %add3A_1056 = arith.addi %add3A_1055, %iota3A : vector<16xi32>
      %gather3A = tpu.vector_load_idx %arg10[%broadcast_in_dim3A_31, %add3A_1056, %broadcast_in_dim3A_6] : memref<4x512x1xi32, #tpu.memory_space<vmem>>[vector<16xi32>, vector<16xi32>, vector<16xi32>], vector<16xi32>,
      %not3A = arith.constant 2047 : i32
      %not3A_1057 = arith.constant -1 : i32
      %not3A_1058 = arith.xori %not3A, %not3A_1057 : i32
      %and3A = vector.broadcast %not3A_1058 : i32 to vector<16xi32>
      %and3A_1059 = arith.andi %gather3A, %and3A : vector<16xi32>
      %and3A_1060 = arith.constant 255 : i32
      %and3A_1061 = vector.broadcast %and3A_1060 : i32 to vector<16xi32>
      %and3A_1062 = arith.andi %gather3A, %and3A_1061 : vector<16xi32>
      %shift_left3A = arith.constant 3 : i32
      %shift_left3A_1063 = vector.broadcast %shift_left3A : i32 to vector<16xi32>
      %shift_left3A_1064 = arith.shli %and3A_1062, %shift_left3A_1063 : vector<16xi32>
      %or3A = arith.ori %and3A_1059, %shift_left3A_1064 : vector<16xi32>
      %shift_right_arithmetic3A = arith.constant 8 : i32
      %shift_right_arithmetic3A_1065 = vector.broadcast %shift_right_arithmetic3A : i32 to vector<16xi32>
      %shift_right_arithmetic3A_1066 = arith.shrsi %gather3A, %shift_right_arithmetic3A_1065 : vector<16xi32>
      %and3A_1067 = arith.constant 7 : i32
      %and3A_1068 = vector.broadcast %and3A_1067 : i32 to vector<16xi32>
      %and3A_1069 = arith.andi %shift_right_arithmetic3A_1066, %and3A_1068 : vector<16xi32>
      %or3A_1070 = arith.ori %or3A, %and3A_1069 : vector<16xi32>
      %mul3A_1071 = arith.constant 16 : i32
      %mul3A_1072 = arith.muli %scan3A_1052, %mul3A_1071 : i32
      %swap3A = arith.constant 3 : i32
      %swap3A_1073 = arith.index_cast %swap3A : i32 to index
      %swap3A_1074 = arith.index_cast %mul3A_1072 : i32 to index
      %swap3A_1075 = tpu.vector_load %arg11[%swap3A_1073, %swap3A_1074] {strides = array<i32>} : memref<4x512xi32, #tpu.memory_space<vmem>>, vector<16xi32>,
      tpu.vector_store %arg11[%swap3A_1073, %swap3A_1074], %or3A_1070 {strides = array<i32>} : memref<4x512xi32, #tpu.memory_space<vmem>>, vector<16xi32>,
    }
    %scan3A_37 = arith.constant 32 : i32
    %dma_start3A = arith.constant 0 : i32
    %dma_start3A_38 = arith.constant 0 : i32
    %dma_start3A_39 = arith.constant 0 : i32
    %dma_start3A_40 = arith.constant 0 : i32
    %dma_start3A_41 = tpu.memref_slice %arg12[%dma_start3A_38, %dma_start3A_39, %dma_start3A_40] : memref<2x512x16xf32, #tpu.memory_space<vmem>> -> memref<1x512x16xf32, #tpu.memory_space<vmem>>
    %dma_start3A_42 = tpu.memref_squeeze %dma_start3A_41 : memref<1x512x16xf32, #tpu.memory_space<vmem>> -> memref<512x16xf32, #tpu.memory_space<vmem>>
    %dma_start3A_43 = arith.constant 0 : i32
    %dma_start3A_44 = tpu.memref_slice %arg11[%dma_start3A, %dma_start3A_43] : memref<4x512xi32, #tpu.memory_space<vmem>> -> memref<1x512xi32, #tpu.memory_space<vmem>>
    %dma_start3A_45 = tpu.memref_squeeze %dma_start3A_44 : memref<1x512xi32, #tpu.memory_space<vmem>> -> memref<512xi32, #tpu.memory_space<vmem>>
    %dma_start3A_46 = arith.constant 0 : i32
    %dma_start3A_47 = arith.constant 0 : i32
    %dma_start3A_48 = tpu.memref_slice %arg6[%dma_start3A_46, %dma_start3A_47] : memref<100352x16xf32, #tpu.memory_space<hbm>> -> memref<100352x16xf32, #tpu.memory_space<hbm>>
    tpu.enqueue_indirect_dma source(%dma_start3A_48 : memref<100352x16xf32, #tpu.memory_space<hbm>>) target(%dma_start3A_42 : memref<512x16xf32, #tpu.memory_space<vmem>>) offsets(%dma_start3A_45 : memref<512xi32, #tpu.memory_space<vmem>>) semaphore(%arg13 : memref<!tpu.dma_semaphore, #tpu.memory_space<semaphore_mem>>)
    %dma_start3A_49 = arith.constant 1 : i32
    %dma_start3A_50 = arith.constant 1 : i32
    %dma_start3A_51 = arith.constant 0 : i32
    %dma_start3A_52 = arith.constant 0 : i32
    %dma_start3A_53 = tpu.memref_slice %arg12[%dma_start3A_50, %dma_start3A_51, %dma_start3A_52] : memref<2x512x16xf32, #tpu.memory_space<vmem>> -> memref<1x512x16xf32, #tpu.memory_space<vmem>>
    %dma_start3A_54 = tpu.memref_squeeze %dma_start3A_53 : memref<1x512x16xf32, #tpu.memory_space<vmem>> -> memref<512x16xf32, #tpu.memory_space<vmem>>
    %dma_start3A_55 = arith.constant 0 : i32
    %dma_start3A_56 = tpu.memref_slice %arg11[%dma_start3A_49, %dma_start3A_55] : memref<4x512xi32, #tpu.memory_space<vmem>> -> memref<1x512xi32, #tpu.memory_space<vmem>>
    %dma_start3A_57 = tpu.memref_squeeze %dma_start3A_56 : memref<1x512xi32, #tpu.memory_space<vmem>> -> memref<512xi32, #tpu.memory_space<vmem>>
    %dma_start3A_58 = arith.constant 0 : i32
    %dma_start3A_59 = arith.constant 0 : i32
    %dma_start3A_60 = tpu.memref_slice %arg6[%dma_start3A_58, %dma_start3A_59] : memref<100352x16xf32, #tpu.memory_space<hbm>> -> memref<100352x16xf32, #tpu.memory_space<hbm>>
    tpu.enqueue_indirect_dma source(%dma_start3A_60 : memref<100352x16xf32, #tpu.memory_space<hbm>>) target(%dma_start3A_54 : memref<512x16xf32, #tpu.memory_space<vmem>>) offsets(%dma_start3A_57 : memref<512xi32, #tpu.memory_space<vmem>>) semaphore(%arg13 : memref<!tpu.dma_semaphore, #tpu.memory_space<semaphore_mem>>)
    %dma_wait3A = arith.constant 0 : i32
    %dma_wait3A_61 = arith.constant 0 : i32
    %dma_wait3A_62 = arith.constant 0 : i32
    %dma_wait3A_63 = arith.constant 0 : i32
    %dma_wait3A_64 = tpu.memref_slice %arg12[%dma_wait3A_61, %dma_wait3A_62, %dma_wait3A_63] : memref<2x512x16xf32, #tpu.memory_space<vmem>> -> memref<1x512x16xf32, #tpu.memory_space<vmem>>
    %dma_wait3A_65 = tpu.memref_squeeze %dma_wait3A_64 : memref<1x512x16xf32, #tpu.memory_space<vmem>> -> memref<512x16xf32, #tpu.memory_space<vmem>>
    %dma_wait3A_66 = arith.constant 0 : i32
    %dma_wait3A_67 = tpu.memref_slice %arg11[%dma_wait3A, %dma_wait3A_66] : memref<4x512xi32, #tpu.memory_space<vmem>> -> memref<1x512xi32, #tpu.memory_space<vmem>>
    %dma_wait3A_68 = tpu.memref_squeeze %dma_wait3A_67 : memref<1x512xi32, #tpu.memory_space<vmem>> -> memref<512xi32, #tpu.memory_space<vmem>>
    %dma_wait3A_69 = arith.constant 0 : i32
    %dma_wait3A_70 = arith.constant 0 : i32
    %dma_wait3A_71 = tpu.memref_slice %arg6[%dma_wait3A_69, %dma_wait3A_70] : memref<100352x16xf32, #tpu.memory_space<hbm>> -> memref<100352x16xf32, #tpu.memory_space<hbm>>
    tpu.wait_indirect_dma semaphore(%arg13 : memref<!tpu.dma_semaphore, #tpu.memory_space<semaphore_mem>>) src(%dma_wait3A_71 : memref<100352x16xf32, #tpu.memory_space<hbm>>) dst(%dma_wait3A_65 : memref<512x16xf32, #tpu.memory_space<vmem>>)
    %dma_start3A_72 = arith.constant 0 : i32
    %dma_start3A_73 = arith.constant 0 : i32
    %dma_start3A_74 = arith.constant 0 : i32
    %dma_start3A_75 = arith.constant 0 : i32
    %dma_start3A_76 = tpu.memref_slice %arg12[%dma_start3A_72, %dma_start3A_74, %dma_start3A_75] : memref<2x512x16xf32, #tpu.memory_space<vmem>> -> memref<1x512x16xf32, #tpu.memory_space<vmem>>
    %dma_start3A_77 = tpu.memref_squeeze %dma_start3A_76 : memref<1x512x16xf32, #tpu.memory_space<vmem>> -> memref<512x16xf32, #tpu.memory_space<vmem>>
    %dma_start3A_78 = arith.constant 0 : i32
    %dma_start3A_79 = tpu.memref_slice %arg9[%dma_start3A_73, %mul3A_2, %dma_start3A_78] : memref<16x16384x16xf32, #tpu.memory_space<hbm>> -> memref<1x512x16xf32, #tpu.memory_space<hbm>>
    %dma_start3A_80 = tpu.memref_squeeze %dma_start3A_79 : memref<1x512x16xf32, #tpu.memory_space<hbm>> -> memref<512x16xf32, #tpu.memory_space<hbm>>
    %dma_start3A_81 = arith.constant 0 : i32
    %dma_start3A_82 = tpu.memref_slice %arg9[%dma_start3A_73, %mul3A_2, %dma_start3A_81] : memref<16x16384x16xf32, #tpu.memory_space<hbm>> -> memref<1x512x16xf32, #tpu.memory_space<hbm>>
    %dma_start3A_83 = tpu.memref_squeeze %dma_start3A_82 : memref<1x512x16xf32, #tpu.memory_space<hbm>> -> memref<512x16xf32, #tpu.memory_space<hbm>>
    %dma_start3A_84 = arith.constant 0 : i32
    %dma_start3A_85 = arith.constant 0 : i32
    %dma_start3A_86 = tpu.memref_slice %arg12[%dma_start3A_72, %dma_start3A_84, %dma_start3A_85] : memref<2x512x16xf32, #tpu.memory_space<vmem>> -> memref<1x512x16xf32, #tpu.memory_space<vmem>>
    %dma_start3A_87 = tpu.memref_squeeze %dma_start3A_86 : memref<1x512x16xf32, #tpu.memory_space<vmem>> -> memref<512x16xf32, #tpu.memory_space<vmem>>
    tpu.enqueue_dma source(%dma_start3A_87 : memref<512x16xf32, #tpu.memory_space<vmem>>) target(%dma_start3A_83 : memref<512x16xf32, #tpu.memory_space<hbm>>) target_semaphore(%arg14 : memref<!tpu.dma_semaphore, #tpu.memory_space<semaphore_mem>>)
    %dma_wait3A_88 = arith.constant 0 : i32
    %dma_wait3A_89 = arith.constant 0 : i32
    %dma_wait3A_90 = arith.constant 0 : i32
    %dma_wait3A_91 = arith.constant 0 : i32
    %dma_wait3A_92 = tpu.memref_slice %arg12[%dma_wait3A_88, %dma_wait3A_90, %dma_wait3A_91] : memref<2x512x16xf32, #tpu.memory_space<vmem>> -> memref<1x512x16xf32, #tpu.memory_space<vmem>>
    %dma_wait3A_93 = tpu.memref_squeeze %dma_wait3A_92 : memref<1x512x16xf32, #tpu.memory_space<vmem>> -> memref<512x16xf32, #tpu.memory_space<vmem>>
    %dma_wait3A_94 = arith.constant 0 : i32
    %dma_wait3A_95 = tpu.memref_slice %arg9[%dma_wait3A_89, %mul3A_2, %dma_wait3A_94] : memref<16x16384x16xf32, #tpu.memory_space<hbm>> -> memref<1x512x16xf32, #tpu.memory_space<hbm>>
    %dma_wait3A_96 = tpu.memref_squeeze %dma_wait3A_95 : memref<1x512x16xf32, #tpu.memory_space<hbm>> -> memref<512x16xf32, #tpu.memory_space<hbm>>
    %dma_wait3A_97 = arith.constant 0 : i32
    %dma_wait3A_98 = tpu.memref_slice %arg9[%dma_wait3A_89, %mul3A_2, %dma_wait3A_97] : memref<16x16384x16xf32, #tpu.memory_space<hbm>> -> memref<1x512x16xf32, #tpu.memory_space<hbm>>
    %dma_wait3A_99 = tpu.memref_squeeze %dma_wait3A_98 : memref<1x512x16xf32, #tpu.memory_space<hbm>> -> memref<512x16xf32, #tpu.memory_space<hbm>>
    %dma_wait3A_100 = arith.constant 0 : i32
    %dma_wait3A_101 = arith.constant 0 : i32
    %dma_wait3A_102 = tpu.memref_slice %arg12[%dma_wait3A_88, %dma_wait3A_100, %dma_wait3A_101] : memref<2x512x16xf32, #tpu.memory_space<vmem>> -> memref<1x512x16xf32, #tpu.memory_space<vmem>>
    %dma_wait3A_103 = tpu.memref_squeeze %dma_wait3A_102 : memref<1x512x16xf32, #tpu.memory_space<vmem>> -> memref<512x16xf32, #tpu.memory_space<vmem>>
    tpu.wait_dma2 semaphore(%arg14 : memref<!tpu.dma_semaphore, #tpu.memory_space<semaphore_mem>>) src(%dma_wait3A_103 : memref<512x16xf32, #tpu.memory_space<vmem>>) dst(%dma_wait3A_99 : memref<512x16xf32, #tpu.memory_space<hbm>>)
    %dma_start3A_104 = arith.constant 2 : i32
    %dma_start3A_105 = arith.constant 0 : i32
    %dma_start3A_106 = arith.constant 0 : i32
    %dma_start3A_107 = arith.constant 0 : i32
    %dma_start3A_108 = tpu.memref_slice %arg12[%dma_start3A_105, %dma_start3A_106, %dma_start3A_107] : memref<2x512x16xf32, #tpu.memory_space<vmem>> -> memref<1x512x16xf32, #tpu.memory_space<vmem>>
    %dma_start3A_109 = tpu.memref_squeeze %dma_start3A_108 : memref<1x512x16xf32, #tpu.memory_space<vmem>> -> memref<512x16xf32, #tpu.memory_space<vmem>>
    %dma_start3A_110 = arith.constant 0 : i32
    %dma_start3A_111 = tpu.memref_slice %arg11[%dma_start3A_104, %dma_start3A_110] : memref<4x512xi32, #tpu.memory_space<vmem>> -> memref<1x512xi32, #tpu.memory_space<vmem>>
    %dma_start3A_112 = tpu.memref_squeeze %dma_start3A_111 : memref<1x512xi32, #tpu.memory_space<vmem>> -> memref<512xi32, #tpu.memory_space<vmem>>
    %dma_start3A_113 = arith.constant 0 : i32
    %dma_start3A_114 = arith.constant 0 : i32
    %dma_start3A_115 = tpu.memref_slice %arg6[%dma_start3A_113, %dma_start3A_114] : memref<100352x16xf32, #tpu.memory_space<hbm>> -> memref<100352x16xf32, #tpu.memory_space<hbm>>
    tpu.enqueue_indirect_dma source(%dma_start3A_115 : memref<100352x16xf32, #tpu.memory_space<hbm>>) target(%dma_start3A_109 : memref<512x16xf32, #tpu.memory_space<vmem>>) offsets(%dma_start3A_112 : memref<512xi32, #tpu.memory_space<vmem>>) semaphore(%arg13 : memref<!tpu.dma_semaphore, #tpu.memory_space<semaphore_mem>>)
    %dma_wait3A_116 = arith.constant 1 : i32
    %dma_wait3A_117 = arith.constant 1 : i32
    %dma_wait3A_118 = arith.constant 0 : i32
    %dma_wait3A_119 = arith.constant 0 : i32
    %dma_wait3A_120 = tpu.memref_slice %arg12[%dma_wait3A_117, %dma_wait3A_118, %dma_wait3A_119] : memref<2x512x16xf32, #tpu.memory_space<vmem>> -> memref<1x512x16xf32, #tpu.memory_space<vmem>>
    %dma_wait3A_121 = tpu.memref_squeeze %dma_wait3A_120 : memref<1x512x16xf32, #tpu.memory_space<vmem>> -> memref<512x16xf32, #tpu.memory_space<vmem>>
    %dma_wait3A_122 = arith.constant 0 : i32
    %dma_wait3A_123 = tpu.memref_slice %arg11[%dma_wait3A_116, %dma_wait3A_122] : memref<4x512xi32, #tpu.memory_space<vmem>> -> memref<1x512xi32, #tpu.memory_space<vmem>>
    %dma_wait3A_124 = tpu.memref_squeeze %dma_wait3A_123 : memref<1x512xi32, #tpu.memory_space<vmem>> -> memref<512xi32, #tpu.memory_space<vmem>>
    %dma_wait3A_125 = arith.constant 0 : i32
    %dma_wait3A_126 = arith.constant 0 : i32
    %dma_wait3A_127 = tpu.memref_slice %arg6[%dma_wait3A_125, %dma_wait3A_126] : memref<100352x16xf32, #tpu.memory_space<hbm>> -> memref<100352x16xf32, #tpu.memory_space<hbm>>
    tpu.wait_indirect_dma semaphore(%arg13 : memref<!tpu.dma_semaphore, #tpu.memory_space<semaphore_mem>>) src(%dma_wait3A_127 : memref<100352x16xf32, #tpu.memory_space<hbm>>) dst(%dma_wait3A_121 : memref<512x16xf32, #tpu.memory_space<vmem>>)
    %dma_start3A_128 = arith.constant 1 : i32
    %dma_start3A_129 = arith.constant 1 : i32
    %dma_start3A_130 = arith.constant 0 : i32
    %dma_start3A_131 = arith.constant 0 : i32
    %dma_start3A_132 = tpu.memref_slice %arg12[%dma_start3A_128, %dma_start3A_130, %dma_start3A_131] : memref<2x512x16xf32, #tpu.memory_space<vmem>> -> memref<1x512x16xf32, #tpu.memory_space<vmem>>
    %dma_start3A_133 = tpu.memref_squeeze %dma_start3A_132 : memref<1x512x16xf32, #tpu.memory_space<vmem>> -> memref<512x16xf32, #tpu.memory_space<vmem>>
    %dma_start3A_134 = arith.constant 0 : i32
    %dma_start3A_135 = tpu.memref_slice %arg9[%dma_start3A_129, %mul3A_2, %dma_start3A_134] : memref<16x16384x16xf32, #tpu.memory_space<hbm>> -> memref<1x512x16xf32, #tpu.memory_space<hbm>>
    %dma_start3A_136 = tpu.memref_squeeze %dma_start3A_135 : memref<1x512x16xf32, #tpu.memory_space<hbm>> -> memref<512x16xf32, #tpu.memory_space<hbm>>
    %dma_start3A_137 = arith.constant 0 : i32
    %dma_start3A_138 = tpu.memref_slice %arg9[%dma_start3A_129, %mul3A_2, %dma_start3A_137] : memref<16x16384x16xf32, #tpu.memory_space<hbm>> -> memref<1x512x16xf32, #tpu.memory_space<hbm>>
    %dma_start3A_139 = tpu.memref_squeeze %dma_start3A_138 : memref<1x512x16xf32, #tpu.memory_space<hbm>> -> memref<512x16xf32, #tpu.memory_space<hbm>>
    %dma_start3A_140 = arith.constant 0 : i32
    %dma_start3A_141 = arith.constant 0 : i32
    %dma_start3A_142 = tpu.memref_slice %arg12[%dma_start3A_128, %dma_start3A_140, %dma_start3A_141] : memref<2x512x16xf32, #tpu.memory_space<vmem>> -> memref<1x512x16xf32, #tpu.memory_space<vmem>>
    %dma_start3A_143 = tpu.memref_squeeze %dma_start3A_142 : memref<1x512x16xf32, #tpu.memory_space<vmem>> -> memref<512x16xf32, #tpu.memory_space<vmem>>
    tpu.enqueue_dma source(%dma_start3A_143 : memref<512x16xf32, #tpu.memory_space<vmem>>) target(%dma_start3A_139 : memref<512x16xf32, #tpu.memory_space<hbm>>) target_semaphore(%arg14 : memref<!tpu.dma_semaphore, #tpu.memory_space<semaphore_mem>>)
    %dma_wait3A_144 = arith.constant 1 : i32
    %dma_wait3A_145 = arith.constant 1 : i32
    %dma_wait3A_146 = arith.constant 0 : i32
    %dma_wait3A_147 = arith.constant 0 : i32
    %dma_wait3A_148 = tpu.memref_slice %arg12[%dma_wait3A_144, %dma_wait3A_146, %dma_wait3A_147] : memref<2x512x16xf32, #tpu.memory_space<vmem>> -> memref<1x512x16xf32, #tpu.memory_space<vmem>>
    %dma_wait3A_149 = tpu.memref_squeeze %dma_wait3A_148 : memref<1x512x16xf32, #tpu.memory_space<vmem>> -> memref<512x16xf32, #tpu.memory_space<vmem>>
    %dma_wait3A_150 = arith.constant 0 : i32
    %dma_wait3A_151 = tpu.memref_slice %arg9[%dma_wait3A_145, %mul3A_2, %dma_wait3A_150] : memref<16x16384x16xf32, #tpu.memory_space<hbm>> -> memref<1x512x16xf32, #tpu.memory_space<hbm>>
    %dma_wait3A_152 = tpu.memref_squeeze %dma_wait3A_151 : memref<1x512x16xf32, #tpu.memory_space<hbm>> -> memref<512x16xf32, #tpu.memory_space<hbm>>
    %dma_wait3A_153 = arith.constant 0 : i32
    %dma_wait3A_154 = tpu.memref_slice %arg9[%dma_wait3A_145, %mul3A_2, %dma_wait3A_153] : memref<16x16384x16xf32, #tpu.memory_space<hbm>> -> memref<1x512x16xf32, #tpu.memory_space<hbm>>
    %dma_wait3A_155 = tpu.memref_squeeze %dma_wait3A_154 : memref<1x512x16xf32, #tpu.memory_space<hbm>> -> memref<512x16xf32, #tpu.memory_space<hbm>>
    %dma_wait3A_156 = arith.constant 0 : i32
    %dma_wait3A_157 = arith.constant 0 : i32
    %dma_wait3A_158 = tpu.memref_slice %arg12[%dma_wait3A_144, %dma_wait3A_156, %dma_wait3A_157] : memref<2x512x16xf32, #tpu.memory_space<vmem>> -> memref<1x512x16xf32, #tpu.memory_space<vmem>>
    %dma_wait3A_159 = tpu.memref_squeeze %dma_wait3A_158 : memref<1x512x16xf32, #tpu.memory_space<vmem>> -> memref<512x16xf32, #tpu.memory_space<vmem>>
    tpu.wait_dma2 semaphore(%arg14 : memref<!tpu.dma_semaphore, #tpu.memory_space<semaphore_mem>>) src(%dma_wait3A_159 : memref<512x16xf32, #tpu.memory_space<vmem>>) dst(%dma_wait3A_155 : memref<512x16xf32, #tpu.memory_space<hbm>>)
    %dma_start3A_160 = arith.constant 3 : i32
    %dma_start3A_161 = arith.constant 1 : i32
    %dma_start3A_162 = arith.constant 0 : i32
    %dma_start3A_163 = arith.constant 0 : i32
    %dma_start3A_164 = tpu.memref_slice %arg12[%dma_start3A_161, %dma_start3A_162, %dma_start3A_163] : memref<2x512x16xf32, #tpu.memory_space<vmem>> -> memref<1x512x16xf32, #tpu.memory_space<vmem>>
    %dma_start3A_165 = tpu.memref_squeeze %dma_start3A_164 : memref<1x512x16xf32, #tpu.memory_space<vmem>> -> memref<512x16xf32, #tpu.memory_space<vmem>>
    %dma_start3A_166 = arith.constant 0 : i32
    %dma_start3A_167 = tpu.memref_slice %arg11[%dma_start3A_160, %dma_start3A_166] : memref<4x512xi32, #tpu.memory_space<vmem>> -> memref<1x512xi32, #tpu.memory_space<vmem>>
    %dma_start3A_168 = tpu.memref_squeeze %dma_start3A_167 : memref<1x512xi32, #tpu.memory_space<vmem>> -> memref<512xi32, #tpu.memory_space<vmem>>
    %dma_start3A_169 = arith.constant 0 : i32
    %dma_start3A_170 = arith.constant 0 : i32
    %dma_start3A_171 = tpu.memref_slice %arg6[%dma_start3A_169, %dma_start3A_170] : memref<100352x16xf32, #tpu.memory_space<hbm>> -> memref<100352x16xf32, #tpu.memory_space<hbm>>
    tpu.enqueue_indirect_dma source(%dma_start3A_171 : memref<100352x16xf32, #tpu.memory_space<hbm>>) target(%dma_start3A_165 : memref<512x16xf32, #tpu.memory_space<vmem>>) offsets(%dma_start3A_168 : memref<512xi32, #tpu.memory_space<vmem>>) semaphore(%arg13 : memref<!tpu.dma_semaphore, #tpu.memory_space<semaphore_mem>>)
    %dma_wait3A_172 = arith.constant 2 : i32
    %dma_wait3A_173 = arith.constant 0 : i32
    %dma_wait3A_174 = arith.constant 0 : i32
    %dma_wait3A_175 = arith.constant 0 : i32
    %dma_wait3A_176 = tpu.memref_slice %arg12[%dma_wait3A_173, %dma_wait3A_174, %dma_wait3A_175] : memref<2x512x16xf32, #tpu.memory_space<vmem>> -> memref<1x512x16xf32, #tpu.memory_space<vmem>>
    %dma_wait3A_177 = tpu.memref_squeeze %dma_wait3A_176 : memref<1x512x16xf32, #tpu.memory_space<vmem>> -> memref<512x16xf32, #tpu.memory_space<vmem>>
    %dma_wait3A_178 = arith.constant 0 : i32
    %dma_wait3A_179 = tpu.memref_slice %arg11[%dma_wait3A_172, %dma_wait3A_178] : memref<4x512xi32, #tpu.memory_space<vmem>> -> memref<1x512xi32, #tpu.memory_space<vmem>>
    %dma_wait3A_180 = tpu.memref_squeeze %dma_wait3A_179 : memref<1x512xi32, #tpu.memory_space<vmem>> -> memref<512xi32, #tpu.memory_space<vmem>>
    %dma_wait3A_181 = arith.constant 0 : i32
    %dma_wait3A_182 = arith.constant 0 : i32
    %dma_wait3A_183 = tpu.memref_slice %arg6[%dma_wait3A_181, %dma_wait3A_182] : memref<100352x16xf32, #tpu.memory_space<hbm>> -> memref<100352x16xf32, #tpu.memory_space<hbm>>
    tpu.wait_indirect_dma semaphore(%arg13 : memref<!tpu.dma_semaphore, #tpu.memory_space<semaphore_mem>>) src(%dma_wait3A_183 : memref<100352x16xf32, #tpu.memory_space<hbm>>) dst(%dma_wait3A_177 : memref<512x16xf32, #tpu.memory_space<vmem>>)
    %dma_start3A_184 = arith.constant 0 : i32
    %dma_start3A_185 = arith.constant 2 : i32
    %dma_start3A_186 = arith.constant 0 : i32
    %dma_start3A_187 = arith.constant 0 : i32
    %dma_start3A_188 = tpu.memref_slice %arg12[%dma_start3A_184, %dma_start3A_186, %dma_start3A_187] : memref<2x512x16xf32, #tpu.memory_space<vmem>> -> memref<1x512x16xf32, #tpu.memory_space<vmem>>
    %dma_start3A_189 = tpu.memref_squeeze %dma_start3A_188 : memref<1x512x16xf32, #tpu.memory_space<vmem>> -> memref<512x16xf32, #tpu.memory_space<vmem>>
    %dma_start3A_190 = arith.constant 0 : i32
    %dma_start3A_191 = tpu.memref_slice %arg9[%dma_start3A_185, %mul3A_2, %dma_start3A_190] : memref<16x16384x16xf32, #tpu.memory_space<hbm>> -> memref<1x512x16xf32, #tpu.memory_space<hbm>>
    %dma_start3A_192 = tpu.memref_squeeze %dma_start3A_191 : memref<1x512x16xf32, #tpu.memory_space<hbm>> -> memref<512x16xf32, #tpu.memory_space<hbm>>
    %dma_start3A_193 = arith.constant 0 : i32
    %dma_start3A_194 = tpu.memref_slice %arg9[%dma_start3A_185, %mul3A_2, %dma_start3A_193] : memref<16x16384x16xf32, #tpu.memory_space<hbm>> -> memref<1x512x16xf32, #tpu.memory_space<hbm>>
    %dma_start3A_195 = tpu.memref_squeeze %dma_start3A_194 : memref<1x512x16xf32, #tpu.memory_space<hbm>> -> memref<512x16xf32, #tpu.memory_space<hbm>>
    %dma_start3A_196 = arith.constant 0 : i32
    %dma_start3A_197 = arith.constant 0 : i32
    %dma_start3A_198 = tpu.memref_slice %arg12[%dma_start3A_184, %dma_start3A_196, %dma_start3A_197] : memref<2x512x16xf32, #tpu.memory_space<vmem>> -> memref<1x512x16xf32, #tpu.memory_space<vmem>>
    %dma_start3A_199 = tpu.memref_squeeze %dma_start3A_198 : memref<1x512x16xf32, #tpu.memory_space<vmem>> -> memref<512x16xf32, #tpu.memory_space<vmem>>
    tpu.enqueue_dma source(%dma_start3A_199 : memref<512x16xf32, #tpu.memory_space<vmem>>) target(%dma_start3A_195 : memref<512x16xf32, #tpu.memory_space<hbm>>) target_semaphore(%arg14 : memref<!tpu.dma_semaphore, #tpu.memory_space<semaphore_mem>>)
    %dma_wait3A_200 = arith.constant 0 : i32
    %dma_wait3A_201 = arith.constant 2 : i32
    %dma_wait3A_202 = arith.constant 0 : i32
    %dma_wait3A_203 = arith.constant 0 : i32
    %dma_wait3A_204 = tpu.memref_slice %arg12[%dma_wait3A_200, %dma_wait3A_202, %dma_wait3A_203] : memref<2x512x16xf32, #tpu.memory_space<vmem>> -> memref<1x512x16xf32, #tpu.memory_space<vmem>>
    %dma_wait3A_205 = tpu.memref_squeeze %dma_wait3A_204 : memref<1x512x16xf32, #tpu.memory_space<vmem>> -> memref<512x16xf32, #tpu.memory_space<vmem>>
    %dma_wait3A_206 = arith.constant 0 : i32
    %dma_wait3A_207 = tpu.memref_slice %arg9[%dma_wait3A_201, %mul3A_2, %dma_wait3A_206] : memref<16x16384x16xf32, #tpu.memory_space<hbm>> -> memref<1x512x16xf32, #tpu.memory_space<hbm>>
    %dma_wait3A_208 = tpu.memref_squeeze %dma_wait3A_207 : memref<1x512x16xf32, #tpu.memory_space<hbm>> -> memref<512x16xf32, #tpu.memory_space<hbm>>
    %dma_wait3A_209 = arith.constant 0 : i32
    %dma_wait3A_210 = tpu.memref_slice %arg9[%dma_wait3A_201, %mul3A_2, %dma_wait3A_209] : memref<16x16384x16xf32, #tpu.memory_space<hbm>> -> memref<1x512x16xf32, #tpu.memory_space<hbm>>
    %dma_wait3A_211 = tpu.memref_squeeze %dma_wait3A_210 : memref<1x512x16xf32, #tpu.memory_space<hbm>> -> memref<512x16xf32, #tpu.memory_space<hbm>>
    %dma_wait3A_212 = arith.constant 0 : i32
    %dma_wait3A_213 = arith.constant 0 : i32
    %dma_wait3A_214 = tpu.memref_slice %arg12[%dma_wait3A_200, %dma_wait3A_212, %dma_wait3A_213] : memref<2x512x16xf32, #tpu.memory_space<vmem>> -> memref<1x512x16xf32, #tpu.memory_space<vmem>>
    %dma_wait3A_215 = tpu.memref_squeeze %dma_wait3A_214 : memref<1x512x16xf32, #tpu.memory_space<vmem>> -> memref<512x16xf32, #tpu.memory_space<vmem>>
    tpu.wait_dma2 semaphore(%arg14 : memref<!tpu.dma_semaphore, #tpu.memory_space<semaphore_mem>>) src(%dma_wait3A_215 : memref<512x16xf32, #tpu.memory_space<vmem>>) dst(%dma_wait3A_211 : memref<512x16xf32, #tpu.memory_space<hbm>>)
    %dma_start3A_216 = arith.constant 0 : i32
    %dma_start3A_217 = arith.constant 0 : i32
    %dma_start3A_218 = arith.constant 0 : i32
    %dma_start3A_219 = arith.constant 0 : i32
    %dma_start3A_220 = arith.constant 0 : i32
    %dma_start3A_221 = tpu.memref_slice %arg12[%dma_start3A_218, %dma_start3A_219, %dma_start3A_220] : memref<2x512x16xf32, #tpu.memory_space<vmem>> -> memref<1x512x16xf32, #tpu.memory_space<vmem>>
    %dma_start3A_222 = tpu.memref_squeeze %dma_start3A_221 : memref<1x512x16xf32, #tpu.memory_space<vmem>> -> memref<512x16xf32, #tpu.memory_space<vmem>>
    %dma_start3A_223 = arith.constant 0 : i32
    %dma_start3A_224 = tpu.memref_slice %arg11[%dma_start3A_217, %dma_start3A_223] : memref<4x512xi32, #tpu.memory_space<vmem>> -> memref<1x512xi32, #tpu.memory_space<vmem>>
    %dma_start3A_225 = tpu.memref_squeeze %dma_start3A_224 : memref<1x512xi32, #tpu.memory_space<vmem>> -> memref<512xi32, #tpu.memory_space<vmem>>
    %dma_start3A_226 = arith.constant 0 : i32
    %dma_start3A_227 = arith.constant 0 : i32
    %dma_start3A_228 = tpu.memref_slice %arg7[%dma_start3A_216, %dma_start3A_226, %dma_start3A_227] : memref<6x100352x16xf32, #tpu.memory_space<hbm>> -> memref<1x100352x16xf32, #tpu.memory_space<hbm>>
    %dma_start3A_229 = tpu.memref_squeeze %dma_start3A_228 : memref<1x100352x16xf32, #tpu.memory_space<hbm>> -> memref<100352x16xf32, #tpu.memory_space<hbm>>
    %dma_start3A_230 = arith.constant 0 : i32
    %dma_start3A_231 = arith.constant 0 : i32
    %dma_start3A_232 = tpu.memref_slice %dma_start3A_229[%dma_start3A_230, %dma_start3A_231] : memref<100352x16xf32, #tpu.memory_space<hbm>> -> memref<100352x16xf32, #tpu.memory_space<hbm>>
    tpu.enqueue_indirect_dma source(%dma_start3A_232 : memref<100352x16xf32, #tpu.memory_space<hbm>>) target(%dma_start3A_222 : memref<512x16xf32, #tpu.memory_space<vmem>>) offsets(%dma_start3A_225 : memref<512xi32, #tpu.memory_space<vmem>>) semaphore(%arg13 : memref<!tpu.dma_semaphore, #tpu.memory_space<semaphore_mem>>)
    %dma_wait3A_233 = arith.constant 3 : i32
    %dma_wait3A_234 = arith.constant 1 : i32
    %dma_wait3A_235 = arith.constant 0 : i32
    %dma_wait3A_236 = arith.constant 0 : i32
    %dma_wait3A_237 = tpu.memref_slice %arg12[%dma_wait3A_234, %dma_wait3A_235, %dma_wait3A_236] : memref<2x512x16xf32, #tpu.memory_space<vmem>> -> memref<1x512x16xf32, #tpu.memory_space<vmem>>
    %dma_wait3A_238 = tpu.memref_squeeze %dma_wait3A_237 : memref<1x512x16xf32, #tpu.memory_space<vmem>> -> memref<512x16xf32, #tpu.memory_space<vmem>>
    %dma_wait3A_239 = arith.constant 0 : i32
    %dma_wait3A_240 = tpu.memref_slice %arg11[%dma_wait3A_233, %dma_wait3A_239] : memref<4x512xi32, #tpu.memory_space<vmem>> -> memref<1x512xi32, #tpu.memory_space<vmem>>
    %dma_wait3A_241 = tpu.memref_squeeze %dma_wait3A_240 : memref<1x512xi32, #tpu.memory_space<vmem>> -> memref<512xi32, #tpu.memory_space<vmem>>
    %dma_wait3A_242 = arith.constant 0 : i32
    %dma_wait3A_243 = arith.constant 0 : i32
    %dma_wait3A_244 = tpu.memref_slice %arg6[%dma_wait3A_242, %dma_wait3A_243] : memref<100352x16xf32, #tpu.memory_space<hbm>> -> memref<100352x16xf32, #tpu.memory_space<hbm>>
    tpu.wait_indirect_dma semaphore(%arg13 : memref<!tpu.dma_semaphore, #tpu.memory_space<semaphore_mem>>) src(%dma_wait3A_244 : memref<100352x16xf32, #tpu.memory_space<hbm>>) dst(%dma_wait3A_238 : memref<512x16xf32, #tpu.memory_space<vmem>>)
    %dma_start3A_245 = arith.constant 1 : i32
    %dma_start3A_246 = arith.constant 3 : i32
    %dma_start3A_247 = arith.constant 0 : i32
    %dma_start3A_248 = arith.constant 0 : i32
    %dma_start3A_249 = tpu.memref_slice %arg12[%dma_start3A_245, %dma_start3A_247, %dma_start3A_248] : memref<2x512x16xf32, #tpu.memory_space<vmem>> -> memref<1x512x16xf32, #tpu.memory_space<vmem>>
    %dma_start3A_250 = tpu.memref_squeeze %dma_start3A_249 : memref<1x512x16xf32, #tpu.memory_space<vmem>> -> memref<512x16xf32, #tpu.memory_space<vmem>>
    %dma_start3A_251 = arith.constant 0 : i32
    %dma_start3A_252 = tpu.memref_slice %arg9[%dma_start3A_246, %mul3A_2, %dma_start3A_251] : memref<16x16384x16xf32, #tpu.memory_space<hbm>> -> memref<1x512x16xf32, #tpu.memory_space<hbm>>
    %dma_start3A_253 = tpu.memref_squeeze %dma_start3A_252 : memref<1x512x16xf32, #tpu.memory_space<hbm>> -> memref<512x16xf32, #tpu.memory_space<hbm>>
    %dma_start3A_254 = arith.constant 0 : i32
    %dma_start3A_255 = tpu.memref_slice %arg9[%dma_start3A_246, %mul3A_2, %dma_start3A_254] : memref<16x16384x16xf32, #tpu.memory_space<hbm>> -> memref<1x512x16xf32, #tpu.memory_space<hbm>>
    %dma_start3A_256 = tpu.memref_squeeze %dma_start3A_255 : memref<1x512x16xf32, #tpu.memory_space<hbm>> -> memref<512x16xf32, #tpu.memory_space<hbm>>
    %dma_start3A_257 = arith.constant 0 : i32
    %dma_start3A_258 = arith.constant 0 : i32
    %dma_start3A_259 = tpu.memref_slice %arg12[%dma_start3A_245, %dma_start3A_257, %dma_start3A_258] : memref<2x512x16xf32, #tpu.memory_space<vmem>> -> memref<1x512x16xf32, #tpu.memory_space<vmem>>
    %dma_start3A_260 = tpu.memref_squeeze %dma_start3A_259 : memref<1x512x16xf32, #tpu.memory_space<vmem>> -> memref<512x16xf32, #tpu.memory_space<vmem>>
    tpu.enqueue_dma source(%dma_start3A_260 : memref<512x16xf32, #tpu.memory_space<vmem>>) target(%dma_start3A_256 : memref<512x16xf32, #tpu.memory_space<hbm>>) target_semaphore(%arg14 : memref<!tpu.dma_semaphore, #tpu.memory_space<semaphore_mem>>)
    %dma_wait3A_261 = arith.constant 1 : i32
    %dma_wait3A_262 = arith.constant 3 : i32
    %dma_wait3A_263 = arith.constant 0 : i32
    %dma_wait3A_264 = arith.constant 0 : i32
    %dma_wait3A_265 = tpu.memref_slice %arg12[%dma_wait3A_261, %dma_wait3A_263, %dma_wait3A_264] : memref<2x512x16xf32, #tpu.memory_space<vmem>> -> memref<1x512x16xf32, #tpu.memory_space<vmem>>
    %dma_wait3A_266 = tpu.memref_squeeze %dma_wait3A_265 : memref<1x512x16xf32, #tpu.memory_space<vmem>> -> memref<512x16xf32, #tpu.memory_space<vmem>>
    %dma_wait3A_267 = arith.constant 0 : i32
    %dma_wait3A_268 = tpu.memref_slice %arg9[%dma_wait3A_262, %mul3A_2, %dma_wait3A_267] : memref<16x16384x16xf32, #tpu.memory_space<hbm>> -> memref<1x512x16xf32, #tpu.memory_space<hbm>>
    %dma_wait3A_269 = tpu.memref_squeeze %dma_wait3A_268 : memref<1x512x16xf32, #tpu.memory_space<hbm>> -> memref<512x16xf32, #tpu.memory_space<hbm>>
    %dma_wait3A_270 = arith.constant 0 : i32
    %dma_wait3A_271 = tpu.memref_slice %arg9[%dma_wait3A_262, %mul3A_2, %dma_wait3A_270] : memref<16x16384x16xf32, #tpu.memory_space<hbm>> -> memref<1x512x16xf32, #tpu.memory_space<hbm>>
    %dma_wait3A_272 = tpu.memref_squeeze %dma_wait3A_271 : memref<1x512x16xf32, #tpu.memory_space<hbm>> -> memref<512x16xf32, #tpu.memory_space<hbm>>
    %dma_wait3A_273 = arith.constant 0 : i32
    %dma_wait3A_274 = arith.constant 0 : i32
    %dma_wait3A_275 = tpu.memref_slice %arg12[%dma_wait3A_261, %dma_wait3A_273, %dma_wait3A_274] : memref<2x512x16xf32, #tpu.memory_space<vmem>> -> memref<1x512x16xf32, #tpu.memory_space<vmem>>
    %dma_wait3A_276 = tpu.memref_squeeze %dma_wait3A_275 : memref<1x512x16xf32, #tpu.memory_space<vmem>> -> memref<512x16xf32, #tpu.memory_space<vmem>>
    tpu.wait_dma2 semaphore(%arg14 : memref<!tpu.dma_semaphore, #tpu.memory_space<semaphore_mem>>) src(%dma_wait3A_276 : memref<512x16xf32, #tpu.memory_space<vmem>>) dst(%dma_wait3A_272 : memref<512x16xf32, #tpu.memory_space<hbm>>)
    %dma_start3A_277 = arith.constant 1 : i32
    %dma_start3A_278 = arith.constant 0 : i32
    %dma_start3A_279 = arith.constant 1 : i32
    %dma_start3A_280 = arith.constant 0 : i32
    %dma_start3A_281 = arith.constant 0 : i32
    %dma_start3A_282 = tpu.memref_slice %arg12[%dma_start3A_279, %dma_start3A_280, %dma_start3A_281] : memref<2x512x16xf32, #tpu.memory_space<vmem>> -> memref<1x512x16xf32, #tpu.memory_space<vmem>>
    %dma_start3A_283 = tpu.memref_squeeze %dma_start3A_282 : memref<1x512x16xf32, #tpu.memory_space<vmem>> -> memref<512x16xf32, #tpu.memory_space<vmem>>
    %dma_start3A_284 = arith.constant 0 : i32
    %dma_start3A_285 = tpu.memref_slice %arg11[%dma_start3A_278, %dma_start3A_284] : memref<4x512xi32, #tpu.memory_space<vmem>> -> memref<1x512xi32, #tpu.memory_space<vmem>>
    %dma_start3A_286 = tpu.memref_squeeze %dma_start3A_285 : memref<1x512xi32, #tpu.memory_space<vmem>> -> memref<512xi32, #tpu.memory_space<vmem>>
    %dma_start3A_287 = arith.constant 0 : i32
    %dma_start3A_288 = arith.constant 0 : i32
    %dma_start3A_289 = tpu.memref_slice %arg7[%dma_start3A_277, %dma_start3A_287, %dma_start3A_288] : memref<6x100352x16xf32, #tpu.memory_space<hbm>> -> memref<1x100352x16xf32, #tpu.memory_space<hbm>>
    %dma_start3A_290 = tpu.memref_squeeze %dma_start3A_289 : memref<1x100352x16xf32, #tpu.memory_space<hbm>> -> memref<100352x16xf32, #tpu.memory_space<hbm>>
    %dma_start3A_291 = arith.constant 0 : i32
    %dma_start3A_292 = arith.constant 0 : i32
    %dma_start3A_293 = tpu.memref_slice %dma_start3A_290[%dma_start3A_291, %dma_start3A_292] : memref<100352x16xf32, #tpu.memory_space<hbm>> -> memref<100352x16xf32, #tpu.memory_space<hbm>>
    tpu.enqueue_indirect_dma source(%dma_start3A_293 : memref<100352x16xf32, #tpu.memory_space<hbm>>) target(%dma_start3A_283 : memref<512x16xf32, #tpu.memory_space<vmem>>) offsets(%dma_start3A_286 : memref<512xi32, #tpu.memory_space<vmem>>) semaphore(%arg13 : memref<!tpu.dma_semaphore, #tpu.memory_space<semaphore_mem>>)
    %dma_wait3A_294 = arith.constant 0 : i32
    %dma_wait3A_295 = arith.constant 0 : i32
    %dma_wait3A_296 = arith.constant 0 : i32
    %dma_wait3A_297 = arith.constant 0 : i32
    %dma_wait3A_298 = arith.constant 0 : i32
    %dma_wait3A_299 = tpu.memref_slice %arg12[%dma_wait3A_296, %dma_wait3A_297, %dma_wait3A_298] : memref<2x512x16xf32, #tpu.memory_space<vmem>> -> memref<1x512x16xf32, #tpu.memory_space<vmem>>
    %dma_wait3A_300 = tpu.memref_squeeze %dma_wait3A_299 : memref<1x512x16xf32, #tpu.memory_space<vmem>> -> memref<512x16xf32, #tpu.memory_space<vmem>>
    %dma_wait3A_301 = arith.constant 0 : i32
    %dma_wait3A_302 = tpu.memref_slice %arg11[%dma_wait3A_295, %dma_wait3A_301] : memref<4x512xi32, #tpu.memory_space<vmem>> -> memref<1x512xi32, #tpu.memory_space<vmem>>
    %dma_wait3A_303 = tpu.memref_squeeze %dma_wait3A_302 : memref<1x512xi32, #tpu.memory_space<vmem>> -> memref<512xi32, #tpu.memory_space<vmem>>
    %dma_wait3A_304 = arith.constant 0 : i32
    %dma_wait3A_305 = arith.constant 0 : i32
    %dma_wait3A_306 = tpu.memref_slice %arg7[%dma_wait3A_294, %dma_wait3A_304, %dma_wait3A_305] : memref<6x100352x16xf32, #tpu.memory_space<hbm>> -> memref<1x100352x16xf32, #tpu.memory_space<hbm>>
    %dma_wait3A_307 = tpu.memref_squeeze %dma_wait3A_306 : memref<1x100352x16xf32, #tpu.memory_space<hbm>> -> memref<100352x16xf32, #tpu.memory_space<hbm>>
    %dma_wait3A_308 = arith.constant 0 : i32
    %dma_wait3A_309 = arith.constant 0 : i32
    %dma_wait3A_310 = tpu.memref_slice %dma_wait3A_307[%dma_wait3A_308, %dma_wait3A_309] : memref<100352x16xf32, #tpu.memory_space<hbm>> -> memref<100352x16xf32, #tpu.memory_space<hbm>>
    tpu.wait_indirect_dma semaphore(%arg13 : memref<!tpu.dma_semaphore, #tpu.memory_space<semaphore_mem>>) src(%dma_wait3A_310 : memref<100352x16xf32, #tpu.memory_space<hbm>>) dst(%dma_wait3A_300 : memref<512x16xf32, #tpu.memory_space<vmem>>)
    %dma_start3A_311 = arith.constant 0 : i32
    %dma_start3A_312 = arith.constant 4 : i32
    %dma_start3A_313 = arith.constant 0 : i32
    %dma_start3A_314 = arith.constant 0 : i32
    %dma_start3A_315 = tpu.memref_slice %arg12[%dma_start3A_311, %dma_start3A_313, %dma_start3A_314] : memref<2x512x16xf32, #tpu.memory_space<vmem>> -> memref<1x512x16xf32, #tpu.memory_space<vmem>>
    %dma_start3A_316 = tpu.memref_squeeze %dma_start3A_315 : memref<1x512x16xf32, #tpu.memory_space<vmem>> -> memref<512x16xf32, #tpu.memory_space<vmem>>
    %dma_start3A_317 = arith.constant 0 : i32
    %dma_start3A_318 = tpu.memref_slice %arg9[%dma_start3A_312, %mul3A_2, %dma_start3A_317] : memref<16x16384x16xf32, #tpu.memory_space<hbm>> -> memref<1x512x16xf32, #tpu.memory_space<hbm>>
    %dma_start3A_319 = tpu.memref_squeeze %dma_start3A_318 : memref<1x512x16xf32, #tpu.memory_space<hbm>> -> memref<512x16xf32, #tpu.memory_space<hbm>>
    %dma_start3A_320 = arith.constant 0 : i32
    %dma_start3A_321 = tpu.memref_slice %arg9[%dma_start3A_312, %mul3A_2, %dma_start3A_320] : memref<16x16384x16xf32, #tpu.memory_space<hbm>> -> memref<1x512x16xf32, #tpu.memory_space<hbm>>
    %dma_start3A_322 = tpu.memref_squeeze %dma_start3A_321 : memref<1x512x16xf32, #tpu.memory_space<hbm>> -> memref<512x16xf32, #tpu.memory_space<hbm>>
    %dma_start3A_323 = arith.constant 0 : i32
    %dma_start3A_324 = arith.constant 0 : i32
    %dma_start3A_325 = tpu.memref_slice %arg12[%dma_start3A_311, %dma_start3A_323, %dma_start3A_324] : memref<2x512x16xf32, #tpu.memory_space<vmem>> -> memref<1x512x16xf32, #tpu.memory_space<vmem>>
    %dma_start3A_326 = tpu.memref_squeeze %dma_start3A_325 : memref<1x512x16xf32, #tpu.memory_space<vmem>> -> memref<512x16xf32, #tpu.memory_space<vmem>>
    tpu.enqueue_dma source(%dma_start3A_326 : memref<512x16xf32, #tpu.memory_space<vmem>>) target(%dma_start3A_322 : memref<512x16xf32, #tpu.memory_space<hbm>>) target_semaphore(%arg14 : memref<!tpu.dma_semaphore, #tpu.memory_space<semaphore_mem>>)
    %dma_wait3A_327 = arith.constant 0 : i32
    %dma_wait3A_328 = arith.constant 4 : i32
    %dma_wait3A_329 = arith.constant 0 : i32
    %dma_wait3A_330 = arith.constant 0 : i32
    %dma_wait3A_331 = tpu.memref_slice %arg12[%dma_wait3A_327, %dma_wait3A_329, %dma_wait3A_330] : memref<2x512x16xf32, #tpu.memory_space<vmem>> -> memref<1x512x16xf32, #tpu.memory_space<vmem>>
    %dma_wait3A_332 = tpu.memref_squeeze %dma_wait3A_331 : memref<1x512x16xf32, #tpu.memory_space<vmem>> -> memref<512x16xf32, #tpu.memory_space<vmem>>
    %dma_wait3A_333 = arith.constant 0 : i32
    %dma_wait3A_334 = tpu.memref_slice %arg9[%dma_wait3A_328, %mul3A_2, %dma_wait3A_333] : memref<16x16384x16xf32, #tpu.memory_space<hbm>> -> memref<1x512x16xf32, #tpu.memory_space<hbm>>
    %dma_wait3A_335 = tpu.memref_squeeze %dma_wait3A_334 : memref<1x512x16xf32, #tpu.memory_space<hbm>> -> memref<512x16xf32, #tpu.memory_space<hbm>>
    %dma_wait3A_336 = arith.constant 0 : i32
    %dma_wait3A_337 = tpu.memref_slice %arg9[%dma_wait3A_328, %mul3A_2, %dma_wait3A_336] : memref<16x16384x16xf32, #tpu.memory_space<hbm>> -> memref<1x512x16xf32, #tpu.memory_space<hbm>>
    %dma_wait3A_338 = tpu.memref_squeeze %dma_wait3A_337 : memref<1x512x16xf32, #tpu.memory_space<hbm>> -> memref<512x16xf32, #tpu.memory_space<hbm>>
    %dma_wait3A_339 = arith.constant 0 : i32
    %dma_wait3A_340 = arith.constant 0 : i32
    %dma_wait3A_341 = tpu.memref_slice %arg12[%dma_wait3A_327, %dma_wait3A_339, %dma_wait3A_340] : memref<2x512x16xf32, #tpu.memory_space<vmem>> -> memref<1x512x16xf32, #tpu.memory_space<vmem>>
    %dma_wait3A_342 = tpu.memref_squeeze %dma_wait3A_341 : memref<1x512x16xf32, #tpu.memory_space<vmem>> -> memref<512x16xf32, #tpu.memory_space<vmem>>
    tpu.wait_dma2 semaphore(%arg14 : memref<!tpu.dma_semaphore, #tpu.memory_space<semaphore_mem>>) src(%dma_wait3A_342 : memref<512x16xf32, #tpu.memory_space<vmem>>) dst(%dma_wait3A_338 : memref<512x16xf32, #tpu.memory_space<hbm>>)
    %dma_start3A_343 = arith.constant 2 : i32
    %dma_start3A_344 = arith.constant 0 : i32
    %dma_start3A_345 = arith.constant 0 : i32
    %dma_start3A_346 = arith.constant 0 : i32
    %dma_start3A_347 = arith.constant 0 : i32
    %dma_start3A_348 = tpu.memref_slice %arg12[%dma_start3A_345, %dma_start3A_346, %dma_start3A_347] : memref<2x512x16xf32, #tpu.memory_space<vmem>> -> memref<1x512x16xf32, #tpu.memory_space<vmem>>
    %dma_start3A_349 = tpu.memref_squeeze %dma_start3A_348 : memref<1x512x16xf32, #tpu.memory_space<vmem>> -> memref<512x16xf32, #tpu.memory_space<vmem>>
    %dma_start3A_350 = arith.constant 0 : i32
    %dma_start3A_351 = tpu.memref_slice %arg11[%dma_start3A_344, %dma_start3A_350] : memref<4x512xi32, #tpu.memory_space<vmem>> -> memref<1x512xi32, #tpu.memory_space<vmem>>
    %dma_start3A_352 = tpu.memref_squeeze %dma_start3A_351 : memref<1x512xi32, #tpu.memory_space<vmem>> -> memref<512xi32, #tpu.memory_space<vmem>>
    %dma_start3A_353 = arith.constant 0 : i32
    %dma_start3A_354 = arith.constant 0 : i32
    %dma_start3A_355 = tpu.memref_slice %arg7[%dma_start3A_343, %dma_start3A_353, %dma_start3A_354] : memref<6x100352x16xf32, #tpu.memory_space<hbm>> -> memref<1x100352x16xf32, #tpu.memory_space<hbm>>
    %dma_start3A_356 = tpu.memref_squeeze %dma_start3A_355 : memref<1x100352x16xf32, #tpu.memory_space<hbm>> -> memref<100352x16xf32, #tpu.memory_space<hbm>>
    %dma_start3A_357 = arith.constant 0 : i32
    %dma_start3A_358 = arith.constant 0 : i32
    %dma_start3A_359 = tpu.memref_slice %dma_start3A_356[%dma_start3A_357, %dma_start3A_358] : memref<100352x16xf32, #tpu.memory_space<hbm>> -> memref<100352x16xf32, #tpu.memory_space<hbm>>
    tpu.enqueue_indirect_dma source(%dma_start3A_359 : memref<100352x16xf32, #tpu.memory_space<hbm>>) target(%dma_start3A_349 : memref<512x16xf32, #tpu.memory_space<vmem>>) offsets(%dma_start3A_352 : memref<512xi32, #tpu.memory_space<vmem>>) semaphore(%arg13 : memref<!tpu.dma_semaphore, #tpu.memory_space<semaphore_mem>>)
    %dma_wait3A_360 = arith.constant 1 : i32
    %dma_wait3A_361 = arith.constant 0 : i32
    %dma_wait3A_362 = arith.constant 1 : i32
    %dma_wait3A_363 = arith.constant 0 : i32
    %dma_wait3A_364 = arith.constant 0 : i32
    %dma_wait3A_365 = tpu.memref_slice %arg12[%dma_wait3A_362, %dma_wait3A_363, %dma_wait3A_364] : memref<2x512x16xf32, #tpu.memory_space<vmem>> -> memref<1x512x16xf32, #tpu.memory_space<vmem>>
    %dma_wait3A_366 = tpu.memref_squeeze %dma_wait3A_365 : memref<1x512x16xf32, #tpu.memory_space<vmem>> -> memref<512x16xf32, #tpu.memory_space<vmem>>
    %dma_wait3A_367 = arith.constant 0 : i32
    %dma_wait3A_368 = tpu.memref_slice %arg11[%dma_wait3A_361, %dma_wait3A_367] : memref<4x512xi32, #tpu.memory_space<vmem>> -> memref<1x512xi32, #tpu.memory_space<vmem>>
    %dma_wait3A_369 = tpu.memref_squeeze %dma_wait3A_368 : memref<1x512xi32, #tpu.memory_space<vmem>> -> memref<512xi32, #tpu.memory_space<vmem>>
    %dma_wait3A_370 = arith.constant 0 : i32
    %dma_wait3A_371 = arith.constant 0 : i32
    %dma_wait3A_372 = tpu.memref_slice %arg7[%dma_wait3A_360, %dma_wait3A_370, %dma_wait3A_371] : memref<6x100352x16xf32, #tpu.memory_space<hbm>> -> memref<1x100352x16xf32, #tpu.memory_space<hbm>>
    %dma_wait3A_373 = tpu.memref_squeeze %dma_wait3A_372 : memref<1x100352x16xf32, #tpu.memory_space<hbm>> -> memref<100352x16xf32, #tpu.memory_space<hbm>>
    %dma_wait3A_374 = arith.constant 0 : i32
    %dma_wait3A_375 = arith.constant 0 : i32
    %dma_wait3A_376 = tpu.memref_slice %dma_wait3A_373[%dma_wait3A_374, %dma_wait3A_375] : memref<100352x16xf32, #tpu.memory_space<hbm>> -> memref<100352x16xf32, #tpu.memory_space<hbm>>
    tpu.wait_indirect_dma semaphore(%arg13 : memref<!tpu.dma_semaphore, #tpu.memory_space<semaphore_mem>>) src(%dma_wait3A_376 : memref<100352x16xf32, #tpu.memory_space<hbm>>) dst(%dma_wait3A_366 : memref<512x16xf32, #tpu.memory_space<vmem>>)
    %dma_start3A_377 = arith.constant 1 : i32
    %dma_start3A_378 = arith.constant 5 : i32
    %dma_start3A_379 = arith.constant 0 : i32
    %dma_start3A_380 = arith.constant 0 : i32
    %dma_start3A_381 = tpu.memref_slice %arg12[%dma_start3A_377, %dma_start3A_379, %dma_start3A_380] : memref<2x512x16xf32, #tpu.memory_space<vmem>> -> memref<1x512x16xf32, #tpu.memory_space<vmem>>
    %dma_start3A_382 = tpu.memref_squeeze %dma_start3A_381 : memref<1x512x16xf32, #tpu.memory_space<vmem>> -> memref<512x16xf32, #tpu.memory_space<vmem>>
    %dma_start3A_383 = arith.constant 0 : i32
    %dma_start3A_384 = tpu.memref_slice %arg9[%dma_start3A_378, %mul3A_2, %dma_start3A_383] : memref<16x16384x16xf32, #tpu.memory_space<hbm>> -> memref<1x512x16xf32, #tpu.memory_space<hbm>>
    %dma_start3A_385 = tpu.memref_squeeze %dma_start3A_384 : memref<1x512x16xf32, #tpu.memory_space<hbm>> -> memref<512x16xf32, #tpu.memory_space<hbm>>
    %dma_start3A_386 = arith.constant 0 : i32
    %dma_start3A_387 = tpu.memref_slice %arg9[%dma_start3A_378, %mul3A_2, %dma_start3A_386] : memref<16x16384x16xf32, #tpu.memory_space<hbm>> -> memref<1x512x16xf32, #tpu.memory_space<hbm>>
    %dma_start3A_388 = tpu.memref_squeeze %dma_start3A_387 : memref<1x512x16xf32, #tpu.memory_space<hbm>> -> memref<512x16xf32, #tpu.memory_space<hbm>>
    %dma_start3A_389 = arith.constant 0 : i32
    %dma_start3A_390 = arith.constant 0 : i32
    %dma_start3A_391 = tpu.memref_slice %arg12[%dma_start3A_377, %dma_start3A_389, %dma_start3A_390] : memref<2x512x16xf32, #tpu.memory_space<vmem>> -> memref<1x512x16xf32, #tpu.memory_space<vmem>>
    %dma_start3A_392 = tpu.memref_squeeze %dma_start3A_391 : memref<1x512x16xf32, #tpu.memory_space<vmem>> -> memref<512x16xf32, #tpu.memory_space<vmem>>
    tpu.enqueue_dma source(%dma_start3A_392 : memref<512x16xf32, #tpu.memory_space<vmem>>) target(%dma_start3A_388 : memref<512x16xf32, #tpu.memory_space<hbm>>) target_semaphore(%arg14 : memref<!tpu.dma_semaphore, #tpu.memory_space<semaphore_mem>>)
    %dma_wait3A_393 = arith.constant 1 : i32
    %dma_wait3A_394 = arith.constant 5 : i32
    %dma_wait3A_395 = arith.constant 0 : i32
    %dma_wait3A_396 = arith.constant 0 : i32
    %dma_wait3A_397 = tpu.memref_slice %arg12[%dma_wait3A_393, %dma_wait3A_395, %dma_wait3A_396] : memref<2x512x16xf32, #tpu.memory_space<vmem>> -> memref<1x512x16xf32, #tpu.memory_space<vmem>>
    %dma_wait3A_398 = tpu.memref_squeeze %dma_wait3A_397 : memref<1x512x16xf32, #tpu.memory_space<vmem>> -> memref<512x16xf32, #tpu.memory_space<vmem>>
    %dma_wait3A_399 = arith.constant 0 : i32
    %dma_wait3A_400 = tpu.memref_slice %arg9[%dma_wait3A_394, %mul3A_2, %dma_wait3A_399] : memref<16x16384x16xf32, #tpu.memory_space<hbm>> -> memref<1x512x16xf32, #tpu.memory_space<hbm>>
    %dma_wait3A_401 = tpu.memref_squeeze %dma_wait3A_400 : memref<1x512x16xf32, #tpu.memory_space<hbm>> -> memref<512x16xf32, #tpu.memory_space<hbm>>
    %dma_wait3A_402 = arith.constant 0 : i32
    %dma_wait3A_403 = tpu.memref_slice %arg9[%dma_wait3A_394, %mul3A_2, %dma_wait3A_402] : memref<16x16384x16xf32, #tpu.memory_space<hbm>> -> memref<1x512x16xf32, #tpu.memory_space<hbm>>
    %dma_wait3A_404 = tpu.memref_squeeze %dma_wait3A_403 : memref<1x512x16xf32, #tpu.memory_space<hbm>> -> memref<512x16xf32, #tpu.memory_space<hbm>>
    %dma_wait3A_405 = arith.constant 0 : i32
    %dma_wait3A_406 = arith.constant 0 : i32
    %dma_wait3A_407 = tpu.memref_slice %arg12[%dma_wait3A_393, %dma_wait3A_405, %dma_wait3A_406] : memref<2x512x16xf32, #tpu.memory_space<vmem>> -> memref<1x512x16xf32, #tpu.memory_space<vmem>>
    %dma_wait3A_408 = tpu.memref_squeeze %dma_wait3A_407 : memref<1x512x16xf32, #tpu.memory_space<vmem>> -> memref<512x16xf32, #tpu.memory_space<vmem>>
    tpu.wait_dma2 semaphore(%arg14 : memref<!tpu.dma_semaphore, #tpu.memory_space<semaphore_mem>>) src(%dma_wait3A_408 : memref<512x16xf32, #tpu.memory_space<vmem>>) dst(%dma_wait3A_404 : memref<512x16xf32, #tpu.memory_space<hbm>>)
    %dma_start3A_409 = arith.constant 3 : i32
    %dma_start3A_410 = arith.constant 1 : i32
    %dma_start3A_411 = arith.constant 1 : i32
    %dma_start3A_412 = arith.constant 0 : i32
    %dma_start3A_413 = arith.constant 0 : i32
    %dma_start3A_414 = tpu.memref_slice %arg12[%dma_start3A_411, %dma_start3A_412, %dma_start3A_413] : memref<2x512x16xf32, #tpu.memory_space<vmem>> -> memref<1x512x16xf32, #tpu.memory_space<vmem>>
    %dma_start3A_415 = tpu.memref_squeeze %dma_start3A_414 : memref<1x512x16xf32, #tpu.memory_space<vmem>> -> memref<512x16xf32, #tpu.memory_space<vmem>>
    %dma_start3A_416 = arith.constant 0 : i32
    %dma_start3A_417 = tpu.memref_slice %arg11[%dma_start3A_410, %dma_start3A_416] : memref<4x512xi32, #tpu.memory_space<vmem>> -> memref<1x512xi32, #tpu.memory_space<vmem>>
    %dma_start3A_418 = tpu.memref_squeeze %dma_start3A_417 : memref<1x512xi32, #tpu.memory_space<vmem>> -> memref<512xi32, #tpu.memory_space<vmem>>
    %dma_start3A_419 = arith.constant 0 : i32
    %dma_start3A_420 = arith.constant 0 : i32
    %dma_start3A_421 = tpu.memref_slice %arg7[%dma_start3A_409, %dma_start3A_419, %dma_start3A_420] : memref<6x100352x16xf32, #tpu.memory_space<hbm>> -> memref<1x100352x16xf32, #tpu.memory_space<hbm>>
    %dma_start3A_422 = tpu.memref_squeeze %dma_start3A_421 : memref<1x100352x16xf32, #tpu.memory_space<hbm>> -> memref<100352x16xf32, #tpu.memory_space<hbm>>
    %dma_start3A_423 = arith.constant 0 : i32
    %dma_start3A_424 = arith.constant 0 : i32
    %dma_start3A_425 = tpu.memref_slice %dma_start3A_422[%dma_start3A_423, %dma_start3A_424] : memref<100352x16xf32, #tpu.memory_space<hbm>> -> memref<100352x16xf32, #tpu.memory_space<hbm>>
    tpu.enqueue_indirect_dma source(%dma_start3A_425 : memref<100352x16xf32, #tpu.memory_space<hbm>>) target(%dma_start3A_415 : memref<512x16xf32, #tpu.memory_space<vmem>>) offsets(%dma_start3A_418 : memref<512xi32, #tpu.memory_space<vmem>>) semaphore(%arg13 : memref<!tpu.dma_semaphore, #tpu.memory_space<semaphore_mem>>)
    %dma_wait3A_426 = arith.constant 2 : i32
    %dma_wait3A_427 = arith.constant 0 : i32
    %dma_wait3A_428 = arith.constant 0 : i32
    %dma_wait3A_429 = arith.constant 0 : i32
    %dma_wait3A_430 = arith.constant 0 : i32
    %dma_wait3A_431 = tpu.memref_slice %arg12[%dma_wait3A_428, %dma_wait3A_429, %dma_wait3A_430] : memref<2x512x16xf32, #tpu.memory_space<vmem>> -> memref<1x512x16xf32, #tpu.memory_space<vmem>>
    %dma_wait3A_432 = tpu.memref_squeeze %dma_wait3A_431 : memref<1x512x16xf32, #tpu.memory_space<vmem>> -> memref<512x16xf32, #tpu.memory_space<vmem>>
    %dma_wait3A_433 = arith.constant 0 : i32
    %dma_wait3A_434 = tpu.memref_slice %arg11[%dma_wait3A_427, %dma_wait3A_433] : memref<4x512xi32, #tpu.memory_space<vmem>> -> memref<1x512xi32, #tpu.memory_space<vmem>>
    %dma_wait3A_435 = tpu.memref_squeeze %dma_wait3A_434 : memref<1x512xi32, #tpu.memory_space<vmem>> -> memref<512xi32, #tpu.memory_space<vmem>>
    %dma_wait3A_436 = arith.constant 0 : i32
    %dma_wait3A_437 = arith.constant 0 : i32
    %dma_wait3A_438 = tpu.memref_slice %arg7[%dma_wait3A_426, %dma_wait3A_436, %dma_wait3A_437] : memref<6x100352x16xf32, #tpu.memory_space<hbm>> -> memref<1x100352x16xf32, #tpu.memory_space<hbm>>
    %dma_wait3A_439 = tpu.memref_squeeze %dma_wait3A_438 : memref<1x100352x16xf32, #tpu.memory_space<hbm>> -> memref<100352x16xf32, #tpu.memory_space<hbm>>
    %dma_wait3A_440 = arith.constant 0 : i32
    %dma_wait3A_441 = arith.constant 0 : i32
    %dma_wait3A_442 = tpu.memref_slice %dma_wait3A_439[%dma_wait3A_440, %dma_wait3A_441] : memref<100352x16xf32, #tpu.memory_space<hbm>> -> memref<100352x16xf32, #tpu.memory_space<hbm>>
    tpu.wait_indirect_dma semaphore(%arg13 : memref<!tpu.dma_semaphore, #tpu.memory_space<semaphore_mem>>) src(%dma_wait3A_442 : memref<100352x16xf32, #tpu.memory_space<hbm>>) dst(%dma_wait3A_432 : memref<512x16xf32, #tpu.memory_space<vmem>>)
    %dma_start3A_443 = arith.constant 0 : i32
    %dma_start3A_444 = arith.constant 6 : i32
    %dma_start3A_445 = arith.constant 0 : i32
    %dma_start3A_446 = arith.constant 0 : i32
    %dma_start3A_447 = tpu.memref_slice %arg12[%dma_start3A_443, %dma_start3A_445, %dma_start3A_446] : memref<2x512x16xf32, #tpu.memory_space<vmem>> -> memref<1x512x16xf32, #tpu.memory_space<vmem>>
    %dma_start3A_448 = tpu.memref_squeeze %dma_start3A_447 : memref<1x512x16xf32, #tpu.memory_space<vmem>> -> memref<512x16xf32, #tpu.memory_space<vmem>>
    %dma_start3A_449 = arith.constant 0 : i32
    %dma_start3A_450 = tpu.memref_slice %arg9[%dma_start3A_444, %mul3A_2, %dma_start3A_449] : memref<16x16384x16xf32, #tpu.memory_space<hbm>> -> memref<1x512x16xf32, #tpu.memory_space<hbm>>
    %dma_start3A_451 = tpu.memref_squeeze %dma_start3A_450 : memref<1x512x16xf32, #tpu.memory_space<hbm>> -> memref<512x16xf32, #tpu.memory_space<hbm>>
    %dma_start3A_452 = arith.constant 0 : i32
    %dma_start3A_453 = tpu.memref_slice %arg9[%dma_start3A_444, %mul3A_2, %dma_start3A_452] : memref<16x16384x16xf32, #tpu.memory_space<hbm>> -> memref<1x512x16xf32, #tpu.memory_space<hbm>>
    %dma_start3A_454 = tpu.memref_squeeze %dma_start3A_453 : memref<1x512x16xf32, #tpu.memory_space<hbm>> -> memref<512x16xf32, #tpu.memory_space<hbm>>
    %dma_start3A_455 = arith.constant 0 : i32
    %dma_start3A_456 = arith.constant 0 : i32
    %dma_start3A_457 = tpu.memref_slice %arg12[%dma_start3A_443, %dma_start3A_455, %dma_start3A_456] : memref<2x512x16xf32, #tpu.memory_space<vmem>> -> memref<1x512x16xf32, #tpu.memory_space<vmem>>
    %dma_start3A_458 = tpu.memref_squeeze %dma_start3A_457 : memref<1x512x16xf32, #tpu.memory_space<vmem>> -> memref<512x16xf32, #tpu.memory_space<vmem>>
    tpu.enqueue_dma source(%dma_start3A_458 : memref<512x16xf32, #tpu.memory_space<vmem>>) target(%dma_start3A_454 : memref<512x16xf32, #tpu.memory_space<hbm>>) target_semaphore(%arg14 : memref<!tpu.dma_semaphore, #tpu.memory_space<semaphore_mem>>)
    %dma_wait3A_459 = arith.constant 0 : i32
    %dma_wait3A_460 = arith.constant 6 : i32
    %dma_wait3A_461 = arith.constant 0 : i32
    %dma_wait3A_462 = arith.constant 0 : i32
    %dma_wait3A_463 = tpu.memref_slice %arg12[%dma_wait3A_459, %dma_wait3A_461, %dma_wait3A_462] : memref<2x512x16xf32, #tpu.memory_space<vmem>> -> memref<1x512x16xf32, #tpu.memory_space<vmem>>
    %dma_wait3A_464 = tpu.memref_squeeze %dma_wait3A_463 : memref<1x512x16xf32, #tpu.memory_space<vmem>> -> memref<512x16xf32, #tpu.memory_space<vmem>>
    %dma_wait3A_465 = arith.constant 0 : i32
    %dma_wait3A_466 = tpu.memref_slice %arg9[%dma_wait3A_460, %mul3A_2, %dma_wait3A_465] : memref<16x16384x16xf32, #tpu.memory_space<hbm>> -> memref<1x512x16xf32, #tpu.memory_space<hbm>>
    %dma_wait3A_467 = tpu.memref_squeeze %dma_wait3A_466 : memref<1x512x16xf32, #tpu.memory_space<hbm>> -> memref<512x16xf32, #tpu.memory_space<hbm>>
    %dma_wait3A_468 = arith.constant 0 : i32
    %dma_wait3A_469 = tpu.memref_slice %arg9[%dma_wait3A_460, %mul3A_2, %dma_wait3A_468] : memref<16x16384x16xf32, #tpu.memory_space<hbm>> -> memref<1x512x16xf32, #tpu.memory_space<hbm>>
    %dma_wait3A_470 = tpu.memref_squeeze %dma_wait3A_469 : memref<1x512x16xf32, #tpu.memory_space<hbm>> -> memref<512x16xf32, #tpu.memory_space<hbm>>
    %dma_wait3A_471 = arith.constant 0 : i32
    %dma_wait3A_472 = arith.constant 0 : i32
    %dma_wait3A_473 = tpu.memref_slice %arg12[%dma_wait3A_459, %dma_wait3A_471, %dma_wait3A_472] : memref<2x512x16xf32, #tpu.memory_space<vmem>> -> memref<1x512x16xf32, #tpu.memory_space<vmem>>
    %dma_wait3A_474 = tpu.memref_squeeze %dma_wait3A_473 : memref<1x512x16xf32, #tpu.memory_space<vmem>> -> memref<512x16xf32, #tpu.memory_space<vmem>>
    tpu.wait_dma2 semaphore(%arg14 : memref<!tpu.dma_semaphore, #tpu.memory_space<semaphore_mem>>) src(%dma_wait3A_474 : memref<512x16xf32, #tpu.memory_space<vmem>>) dst(%dma_wait3A_470 : memref<512x16xf32, #tpu.memory_space<hbm>>)
    %dma_start3A_475 = arith.constant 4 : i32
    %dma_start3A_476 = arith.constant 1 : i32
    %dma_start3A_477 = arith.constant 0 : i32
    %dma_start3A_478 = arith.constant 0 : i32
    %dma_start3A_479 = arith.constant 0 : i32
    %dma_start3A_480 = tpu.memref_slice %arg12[%dma_start3A_477, %dma_start3A_478, %dma_start3A_479] : memref<2x512x16xf32, #tpu.memory_space<vmem>> -> memref<1x512x16xf32, #tpu.memory_space<vmem>>
    %dma_start3A_481 = tpu.memref_squeeze %dma_start3A_480 : memref<1x512x16xf32, #tpu.memory_space<vmem>> -> memref<512x16xf32, #tpu.memory_space<vmem>>
    %dma_start3A_482 = arith.constant 0 : i32
    %dma_start3A_483 = tpu.memref_slice %arg11[%dma_start3A_476, %dma_start3A_482] : memref<4x512xi32, #tpu.memory_space<vmem>> -> memref<1x512xi32, #tpu.memory_space<vmem>>
    %dma_start3A_484 = tpu.memref_squeeze %dma_start3A_483 : memref<1x512xi32, #tpu.memory_space<vmem>> -> memref<512xi32, #tpu.memory_space<vmem>>
    %dma_start3A_485 = arith.constant 0 : i32
    %dma_start3A_486 = arith.constant 0 : i32
    %dma_start3A_487 = tpu.memref_slice %arg7[%dma_start3A_475, %dma_start3A_485, %dma_start3A_486] : memref<6x100352x16xf32, #tpu.memory_space<hbm>> -> memref<1x100352x16xf32, #tpu.memory_space<hbm>>
    %dma_start3A_488 = tpu.memref_squeeze %dma_start3A_487 : memref<1x100352x16xf32, #tpu.memory_space<hbm>> -> memref<100352x16xf32, #tpu.memory_space<hbm>>
    %dma_start3A_489 = arith.constant 0 : i32
    %dma_start3A_490 = arith.constant 0 : i32
    %dma_start3A_491 = tpu.memref_slice %dma_start3A_488[%dma_start3A_489, %dma_start3A_490] : memref<100352x16xf32, #tpu.memory_space<hbm>> -> memref<100352x16xf32, #tpu.memory_space<hbm>>
    tpu.enqueue_indirect_dma source(%dma_start3A_491 : memref<100352x16xf32, #tpu.memory_space<hbm>>) target(%dma_start3A_481 : memref<512x16xf32, #tpu.memory_space<vmem>>) offsets(%dma_start3A_484 : memref<512xi32, #tpu.memory_space<vmem>>) semaphore(%arg13 : memref<!tpu.dma_semaphore, #tpu.memory_space<semaphore_mem>>)
    %dma_wait3A_492 = arith.constant 3 : i32
    %dma_wait3A_493 = arith.constant 1 : i32
    %dma_wait3A_494 = arith.constant 1 : i32
    %dma_wait3A_495 = arith.constant 0 : i32
    %dma_wait3A_496 = arith.constant 0 : i32
    %dma_wait3A_497 = tpu.memref_slice %arg12[%dma_wait3A_494, %dma_wait3A_495, %dma_wait3A_496] : memref<2x512x16xf32, #tpu.memory_space<vmem>> -> memref<1x512x16xf32, #tpu.memory_space<vmem>>
    %dma_wait3A_498 = tpu.memref_squeeze %dma_wait3A_497 : memref<1x512x16xf32, #tpu.memory_space<vmem>> -> memref<512x16xf32, #tpu.memory_space<vmem>>
    %dma_wait3A_499 = arith.constant 0 : i32
    %dma_wait3A_500 = tpu.memref_slice %arg11[%dma_wait3A_493, %dma_wait3A_499] : memref<4x512xi32, #tpu.memory_space<vmem>> -> memref<1x512xi32, #tpu.memory_space<vmem>>
    %dma_wait3A_501 = tpu.memref_squeeze %dma_wait3A_500 : memref<1x512xi32, #tpu.memory_space<vmem>> -> memref<512xi32, #tpu.memory_space<vmem>>
    %dma_wait3A_502 = arith.constant 0 : i32
    %dma_wait3A_503 = arith.constant 0 : i32
    %dma_wait3A_504 = tpu.memref_slice %arg7[%dma_wait3A_492, %dma_wait3A_502, %dma_wait3A_503] : memref<6x100352x16xf32, #tpu.memory_space<hbm>> -> memref<1x100352x16xf32, #tpu.memory_space<hbm>>
    %dma_wait3A_505 = tpu.memref_squeeze %dma_wait3A_504 : memref<1x100352x16xf32, #tpu.memory_space<hbm>> -> memref<100352x16xf32, #tpu.memory_space<hbm>>
    %dma_wait3A_506 = arith.constant 0 : i32
    %dma_wait3A_507 = arith.constant 0 : i32
    %dma_wait3A_508 = tpu.memref_slice %dma_wait3A_505[%dma_wait3A_506, %dma_wait3A_507] : memref<100352x16xf32, #tpu.memory_space<hbm>> -> memref<100352x16xf32, #tpu.memory_space<hbm>>
    tpu.wait_indirect_dma semaphore(%arg13 : memref<!tpu.dma_semaphore, #tpu.memory_space<semaphore_mem>>) src(%dma_wait3A_508 : memref<100352x16xf32, #tpu.memory_space<hbm>>) dst(%dma_wait3A_498 : memref<512x16xf32, #tpu.memory_space<vmem>>)
    %dma_start3A_509 = arith.constant 1 : i32
    %dma_start3A_510 = arith.constant 7 : i32
    %dma_start3A_511 = arith.constant 0 : i32
    %dma_start3A_512 = arith.constant 0 : i32
    %dma_start3A_513 = tpu.memref_slice %arg12[%dma_start3A_509, %dma_start3A_511, %dma_start3A_512] : memref<2x512x16xf32, #tpu.memory_space<vmem>> -> memref<1x512x16xf32, #tpu.memory_space<vmem>>
    %dma_start3A_514 = tpu.memref_squeeze %dma_start3A_513 : memref<1x512x16xf32, #tpu.memory_space<vmem>> -> memref<512x16xf32, #tpu.memory_space<vmem>>
    %dma_start3A_515 = arith.constant 0 : i32
    %dma_start3A_516 = tpu.memref_slice %arg9[%dma_start3A_510, %mul3A_2, %dma_start3A_515] : memref<16x16384x16xf32, #tpu.memory_space<hbm>> -> memref<1x512x16xf32, #tpu.memory_space<hbm>>
    %dma_start3A_517 = tpu.memref_squeeze %dma_start3A_516 : memref<1x512x16xf32, #tpu.memory_space<hbm>> -> memref<512x16xf32, #tpu.memory_space<hbm>>
    %dma_start3A_518 = arith.constant 0 : i32
    %dma_start3A_519 = tpu.memref_slice %arg9[%dma_start3A_510, %mul3A_2, %dma_start3A_518] : memref<16x16384x16xf32, #tpu.memory_space<hbm>> -> memref<1x512x16xf32, #tpu.memory_space<hbm>>
    %dma_start3A_520 = tpu.memref_squeeze %dma_start3A_519 : memref<1x512x16xf32, #tpu.memory_space<hbm>> -> memref<512x16xf32, #tpu.memory_space<hbm>>
    %dma_start3A_521 = arith.constant 0 : i32
    %dma_start3A_522 = arith.constant 0 : i32
    %dma_start3A_523 = tpu.memref_slice %arg12[%dma_start3A_509, %dma_start3A_521, %dma_start3A_522] : memref<2x512x16xf32, #tpu.memory_space<vmem>> -> memref<1x512x16xf32, #tpu.memory_space<vmem>>
    %dma_start3A_524 = tpu.memref_squeeze %dma_start3A_523 : memref<1x512x16xf32, #tpu.memory_space<vmem>> -> memref<512x16xf32, #tpu.memory_space<vmem>>
    tpu.enqueue_dma source(%dma_start3A_524 : memref<512x16xf32, #tpu.memory_space<vmem>>) target(%dma_start3A_520 : memref<512x16xf32, #tpu.memory_space<hbm>>) target_semaphore(%arg14 : memref<!tpu.dma_semaphore, #tpu.memory_space<semaphore_mem>>)
    %dma_wait3A_525 = arith.constant 1 : i32
    %dma_wait3A_526 = arith.constant 7 : i32
    %dma_wait3A_527 = arith.constant 0 : i32
    %dma_wait3A_528 = arith.constant 0 : i32
    %dma_wait3A_529 = tpu.memref_slice %arg12[%dma_wait3A_525, %dma_wait3A_527, %dma_wait3A_528] : memref<2x512x16xf32, #tpu.memory_space<vmem>> -> memref<1x512x16xf32, #tpu.memory_space<vmem>>
    %dma_wait3A_530 = tpu.memref_squeeze %dma_wait3A_529 : memref<1x512x16xf32, #tpu.memory_space<vmem>> -> memref<512x16xf32, #tpu.memory_space<vmem>>
    %dma_wait3A_531 = arith.constant 0 : i32
    %dma_wait3A_532 = tpu.memref_slice %arg9[%dma_wait3A_526, %mul3A_2, %dma_wait3A_531] : memref<16x16384x16xf32, #tpu.memory_space<hbm>> -> memref<1x512x16xf32, #tpu.memory_space<hbm>>
    %dma_wait3A_533 = tpu.memref_squeeze %dma_wait3A_532 : memref<1x512x16xf32, #tpu.memory_space<hbm>> -> memref<512x16xf32, #tpu.memory_space<hbm>>
    %dma_wait3A_534 = arith.constant 0 : i32
    %dma_wait3A_535 = tpu.memref_slice %arg9[%dma_wait3A_526, %mul3A_2, %dma_wait3A_534] : memref<16x16384x16xf32, #tpu.memory_space<hbm>> -> memref<1x512x16xf32, #tpu.memory_space<hbm>>
    %dma_wait3A_536 = tpu.memref_squeeze %dma_wait3A_535 : memref<1x512x16xf32, #tpu.memory_space<hbm>> -> memref<512x16xf32, #tpu.memory_space<hbm>>
    %dma_wait3A_537 = arith.constant 0 : i32
    %dma_wait3A_538 = arith.constant 0 : i32
    %dma_wait3A_539 = tpu.memref_slice %arg12[%dma_wait3A_525, %dma_wait3A_537, %dma_wait3A_538] : memref<2x512x16xf32, #tpu.memory_space<vmem>> -> memref<1x512x16xf32, #tpu.memory_space<vmem>>
    %dma_wait3A_540 = tpu.memref_squeeze %dma_wait3A_539 : memref<1x512x16xf32, #tpu.memory_space<vmem>> -> memref<512x16xf32, #tpu.memory_space<vmem>>
    tpu.wait_dma2 semaphore(%arg14 : memref<!tpu.dma_semaphore, #tpu.memory_space<semaphore_mem>>) src(%dma_wait3A_540 : memref<512x16xf32, #tpu.memory_space<vmem>>) dst(%dma_wait3A_536 : memref<512x16xf32, #tpu.memory_space<hbm>>)
    %dma_start3A_541 = arith.constant 5 : i32
    %dma_start3A_542 = arith.constant 2 : i32
    %dma_start3A_543 = arith.constant 1 : i32
    %dma_start3A_544 = arith.constant 0 : i32
    %dma_start3A_545 = arith.constant 0 : i32
    %dma_start3A_546 = tpu.memref_slice %arg12[%dma_start3A_543, %dma_start3A_544, %dma_start3A_545] : memref<2x512x16xf32, #tpu.memory_space<vmem>> -> memref<1x512x16xf32, #tpu.memory_space<vmem>>
    %dma_start3A_547 = tpu.memref_squeeze %dma_start3A_546 : memref<1x512x16xf32, #tpu.memory_space<vmem>> -> memref<512x16xf32, #tpu.memory_space<vmem>>
    %dma_start3A_548 = arith.constant 0 : i32
    %dma_start3A_549 = tpu.memref_slice %arg11[%dma_start3A_542, %dma_start3A_548] : memref<4x512xi32, #tpu.memory_space<vmem>> -> memref<1x512xi32, #tpu.memory_space<vmem>>
    %dma_start3A_550 = tpu.memref_squeeze %dma_start3A_549 : memref<1x512xi32, #tpu.memory_space<vmem>> -> memref<512xi32, #tpu.memory_space<vmem>>
    %dma_start3A_551 = arith.constant 0 : i32
    %dma_start3A_552 = arith.constant 0 : i32
    %dma_start3A_553 = tpu.memref_slice %arg7[%dma_start3A_541, %dma_start3A_551, %dma_start3A_552] : memref<6x100352x16xf32, #tpu.memory_space<hbm>> -> memref<1x100352x16xf32, #tpu.memory_space<hbm>>
    %dma_start3A_554 = tpu.memref_squeeze %dma_start3A_553 : memref<1x100352x16xf32, #tpu.memory_space<hbm>> -> memref<100352x16xf32, #tpu.memory_space<hbm>>
    %dma_start3A_555 = arith.constant 0 : i32
    %dma_start3A_556 = arith.constant 0 : i32
    %dma_start3A_557 = tpu.memref_slice %dma_start3A_554[%dma_start3A_555, %dma_start3A_556] : memref<100352x16xf32, #tpu.memory_space<hbm>> -> memref<100352x16xf32, #tpu.memory_space<hbm>>
    tpu.enqueue_indirect_dma source(%dma_start3A_557 : memref<100352x16xf32, #tpu.memory_space<hbm>>) target(%dma_start3A_547 : memref<512x16xf32, #tpu.memory_space<vmem>>) offsets(%dma_start3A_550 : memref<512xi32, #tpu.memory_space<vmem>>) semaphore(%arg13 : memref<!tpu.dma_semaphore, #tpu.memory_space<semaphore_mem>>)
    %dma_wait3A_558 = arith.constant 4 : i32
    %dma_wait3A_559 = arith.constant 1 : i32
    %dma_wait3A_560 = arith.constant 0 : i32
    %dma_wait3A_561 = arith.constant 0 : i32
    %dma_wait3A_562 = arith.constant 0 : i32
    %dma_wait3A_563 = tpu.memref_slice %arg12[%dma_wait3A_560, %dma_wait3A_561, %dma_wait3A_562] : memref<2x512x16xf32, #tpu.memory_space<vmem>> -> memref<1x512x16xf32, #tpu.memory_space<vmem>>
    %dma_wait3A_564 = tpu.memref_squeeze %dma_wait3A_563 : memref<1x512x16xf32, #tpu.memory_space<vmem>> -> memref<512x16xf32, #tpu.memory_space<vmem>>
    %dma_wait3A_565 = arith.constant 0 : i32
    %dma_wait3A_566 = tpu.memref_slice %arg11[%dma_wait3A_559, %dma_wait3A_565] : memref<4x512xi32, #tpu.memory_space<vmem>> -> memref<1x512xi32, #tpu.memory_space<vmem>>
    %dma_wait3A_567 = tpu.memref_squeeze %dma_wait3A_566 : memref<1x512xi32, #tpu.memory_space<vmem>> -> memref<512xi32, #tpu.memory_space<vmem>>
    %dma_wait3A_568 = arith.constant 0 : i32
    %dma_wait3A_569 = arith.constant 0 : i32
    %dma_wait3A_570 = tpu.memref_slice %arg7[%dma_wait3A_558, %dma_wait3A_568, %dma_wait3A_569] : memref<6x100352x16xf32, #tpu.memory_space<hbm>> -> memref<1x100352x16xf32, #tpu.memory_space<hbm>>
    %dma_wait3A_571 = tpu.memref_squeeze %dma_wait3A_570 : memref<1x100352x16xf32, #tpu.memory_space<hbm>> -> memref<100352x16xf32, #tpu.memory_space<hbm>>
    %dma_wait3A_572 = arith.constant 0 : i32
    %dma_wait3A_573 = arith.constant 0 : i32
    %dma_wait3A_574 = tpu.memref_slice %dma_wait3A_571[%dma_wait3A_572, %dma_wait3A_573] : memref<100352x16xf32, #tpu.memory_space<hbm>> -> memref<100352x16xf32, #tpu.memory_space<hbm>>
    tpu.wait_indirect_dma semaphore(%arg13 : memref<!tpu.dma_semaphore, #tpu.memory_space<semaphore_mem>>) src(%dma_wait3A_574 : memref<100352x16xf32, #tpu.memory_space<hbm>>) dst(%dma_wait3A_564 : memref<512x16xf32, #tpu.memory_space<vmem>>)
    %dma_start3A_575 = arith.constant 0 : i32
    %dma_start3A_576 = arith.constant 8 : i32
    %dma_start3A_577 = arith.constant 0 : i32
    %dma_start3A_578 = arith.constant 0 : i32
    %dma_start3A_579 = tpu.memref_slice %arg12[%dma_start3A_575, %dma_start3A_577, %dma_start3A_578] : memref<2x512x16xf32, #tpu.memory_space<vmem>> -> memref<1x512x16xf32, #tpu.memory_space<vmem>>
    %dma_start3A_580 = tpu.memref_squeeze %dma_start3A_579 : memref<1x512x16xf32, #tpu.memory_space<vmem>> -> memref<512x16xf32, #tpu.memory_space<vmem>>
    %dma_start3A_581 = arith.constant 0 : i32
    %dma_start3A_582 = tpu.memref_slice %arg9[%dma_start3A_576, %mul3A_2, %dma_start3A_581] : memref<16x16384x16xf32, #tpu.memory_space<hbm>> -> memref<1x512x16xf32, #tpu.memory_space<hbm>>
    %dma_start3A_583 = tpu.memref_squeeze %dma_start3A_582 : memref<1x512x16xf32, #tpu.memory_space<hbm>> -> memref<512x16xf32, #tpu.memory_space<hbm>>
    %dma_start3A_584 = arith.constant 0 : i32
    %dma_start3A_585 = tpu.memref_slice %arg9[%dma_start3A_576, %mul3A_2, %dma_start3A_584] : memref<16x16384x16xf32, #tpu.memory_space<hbm>> -> memref<1x512x16xf32, #tpu.memory_space<hbm>>
    %dma_start3A_586 = tpu.memref_squeeze %dma_start3A_585 : memref<1x512x16xf32, #tpu.memory_space<hbm>> -> memref<512x16xf32, #tpu.memory_space<hbm>>
    %dma_start3A_587 = arith.constant 0 : i32
    %dma_start3A_588 = arith.constant 0 : i32
    %dma_start3A_589 = tpu.memref_slice %arg12[%dma_start3A_575, %dma_start3A_587, %dma_start3A_588] : memref<2x512x16xf32, #tpu.memory_space<vmem>> -> memref<1x512x16xf32, #tpu.memory_space<vmem>>
    %dma_start3A_590 = tpu.memref_squeeze %dma_start3A_589 : memref<1x512x16xf32, #tpu.memory_space<vmem>> -> memref<512x16xf32, #tpu.memory_space<vmem>>
    tpu.enqueue_dma source(%dma_start3A_590 : memref<512x16xf32, #tpu.memory_space<vmem>>) target(%dma_start3A_586 : memref<512x16xf32, #tpu.memory_space<hbm>>) target_semaphore(%arg14 : memref<!tpu.dma_semaphore, #tpu.memory_space<semaphore_mem>>)
    %dma_wait3A_591 = arith.constant 0 : i32
    %dma_wait3A_592 = arith.constant 8 : i32
    %dma_wait3A_593 = arith.constant 0 : i32
    %dma_wait3A_594 = arith.constant 0 : i32
    %dma_wait3A_595 = tpu.memref_slice %arg12[%dma_wait3A_591, %dma_wait3A_593, %dma_wait3A_594] : memref<2x512x16xf32, #tpu.memory_space<vmem>> -> memref<1x512x16xf32, #tpu.memory_space<vmem>>
    %dma_wait3A_596 = tpu.memref_squeeze %dma_wait3A_595 : memref<1x512x16xf32, #tpu.memory_space<vmem>> -> memref<512x16xf32, #tpu.memory_space<vmem>>
    %dma_wait3A_597 = arith.constant 0 : i32
    %dma_wait3A_598 = tpu.memref_slice %arg9[%dma_wait3A_592, %mul3A_2, %dma_wait3A_597] : memref<16x16384x16xf32, #tpu.memory_space<hbm>> -> memref<1x512x16xf32, #tpu.memory_space<hbm>>
    %dma_wait3A_599 = tpu.memref_squeeze %dma_wait3A_598 : memref<1x512x16xf32, #tpu.memory_space<hbm>> -> memref<512x16xf32, #tpu.memory_space<hbm>>
    %dma_wait3A_600 = arith.constant 0 : i32
    %dma_wait3A_601 = tpu.memref_slice %arg9[%dma_wait3A_592, %mul3A_2, %dma_wait3A_600] : memref<16x16384x16xf32, #tpu.memory_space<hbm>> -> memref<1x512x16xf32, #tpu.memory_space<hbm>>
    %dma_wait3A_602 = tpu.memref_squeeze %dma_wait3A_601 : memref<1x512x16xf32, #tpu.memory_space<hbm>> -> memref<512x16xf32, #tpu.memory_space<hbm>>
    %dma_wait3A_603 = arith.constant 0 : i32
    %dma_wait3A_604 = arith.constant 0 : i32
    %dma_wait3A_605 = tpu.memref_slice %arg12[%dma_wait3A_591, %dma_wait3A_603, %dma_wait3A_604] : memref<2x512x16xf32, #tpu.memory_space<vmem>> -> memref<1x512x16xf32, #tpu.memory_space<vmem>>
    %dma_wait3A_606 = tpu.memref_squeeze %dma_wait3A_605 : memref<1x512x16xf32, #tpu.memory_space<vmem>> -> memref<512x16xf32, #tpu.memory_space<vmem>>
    tpu.wait_dma2 semaphore(%arg14 : memref<!tpu.dma_semaphore, #tpu.memory_space<semaphore_mem>>) src(%dma_wait3A_606 : memref<512x16xf32, #tpu.memory_space<vmem>>) dst(%dma_wait3A_602 : memref<512x16xf32, #tpu.memory_space<hbm>>)
    %dma_start3A_607 = arith.constant 0 : i32
    %dma_start3A_608 = arith.constant 1 : i32
    %dma_start3A_609 = arith.constant 0 : i32
    %dma_start3A_610 = arith.constant 0 : i32
    %dma_start3A_611 = arith.constant 0 : i32
    %dma_start3A_612 = tpu.memref_slice %arg12[%dma_start3A_609, %dma_start3A_610, %dma_start3A_611] : memref<2x512x16xf32, #tpu.memory_space<vmem>> -> memref<1x512x16xf32, #tpu.memory_space<vmem>>
    %dma_start3A_613 = tpu.memref_squeeze %dma_start3A_612 : memref<1x512x16xf32, #tpu.memory_space<vmem>> -> memref<512x16xf32, #tpu.memory_space<vmem>>
    %dma_start3A_614 = arith.constant 0 : i32
    %dma_start3A_615 = tpu.memref_slice %arg11[%dma_start3A_608, %dma_start3A_614] : memref<4x512xi32, #tpu.memory_space<vmem>> -> memref<1x512xi32, #tpu.memory_space<vmem>>
    %dma_start3A_616 = tpu.memref_squeeze %dma_start3A_615 : memref<1x512xi32, #tpu.memory_space<vmem>> -> memref<512xi32, #tpu.memory_space<vmem>>
    %dma_start3A_617 = arith.constant 0 : i32
    %dma_start3A_618 = arith.constant 0 : i32
    %dma_start3A_619 = tpu.memref_slice %arg8[%dma_start3A_607, %dma_start3A_617, %dma_start3A_618] : memref<6x100352x16xf32, #tpu.memory_space<hbm>> -> memref<1x100352x16xf32, #tpu.memory_space<hbm>>
    %dma_start3A_620 = tpu.memref_squeeze %dma_start3A_619 : memref<1x100352x16xf32, #tpu.memory_space<hbm>> -> memref<100352x16xf32, #tpu.memory_space<hbm>>
    %dma_start3A_621 = arith.constant 0 : i32
    %dma_start3A_622 = arith.constant 0 : i32
    %dma_start3A_623 = tpu.memref_slice %dma_start3A_620[%dma_start3A_621, %dma_start3A_622] : memref<100352x16xf32, #tpu.memory_space<hbm>> -> memref<100352x16xf32, #tpu.memory_space<hbm>>
    tpu.enqueue_indirect_dma source(%dma_start3A_623 : memref<100352x16xf32, #tpu.memory_space<hbm>>) target(%dma_start3A_613 : memref<512x16xf32, #tpu.memory_space<vmem>>) offsets(%dma_start3A_616 : memref<512xi32, #tpu.memory_space<vmem>>) semaphore(%arg13 : memref<!tpu.dma_semaphore, #tpu.memory_space<semaphore_mem>>)
    %dma_wait3A_624 = arith.constant 5 : i32
    %dma_wait3A_625 = arith.constant 2 : i32
    %dma_wait3A_626 = arith.constant 1 : i32
    %dma_wait3A_627 = arith.constant 0 : i32
    %dma_wait3A_628 = arith.constant 0 : i32
    %dma_wait3A_629 = tpu.memref_slice %arg12[%dma_wait3A_626, %dma_wait3A_627, %dma_wait3A_628] : memref<2x512x16xf32, #tpu.memory_space<vmem>> -> memref<1x512x16xf32, #tpu.memory_space<vmem>>
    %dma_wait3A_630 = tpu.memref_squeeze %dma_wait3A_629 : memref<1x512x16xf32, #tpu.memory_space<vmem>> -> memref<512x16xf32, #tpu.memory_space<vmem>>
    %dma_wait3A_631 = arith.constant 0 : i32
    %dma_wait3A_632 = tpu.memref_slice %arg11[%dma_wait3A_625, %dma_wait3A_631] : memref<4x512xi32, #tpu.memory_space<vmem>> -> memref<1x512xi32, #tpu.memory_space<vmem>>
    %dma_wait3A_633 = tpu.memref_squeeze %dma_wait3A_632 : memref<1x512xi32, #tpu.memory_space<vmem>> -> memref<512xi32, #tpu.memory_space<vmem>>
    %dma_wait3A_634 = arith.constant 0 : i32
    %dma_wait3A_635 = arith.constant 0 : i32
    %dma_wait3A_636 = tpu.memref_slice %arg7[%dma_wait3A_624, %dma_wait3A_634, %dma_wait3A_635] : memref<6x100352x16xf32, #tpu.memory_space<hbm>> -> memref<1x100352x16xf32, #tpu.memory_space<hbm>>
    %dma_wait3A_637 = tpu.memref_squeeze %dma_wait3A_636 : memref<1x100352x16xf32, #tpu.memory_space<hbm>> -> memref<100352x16xf32, #tpu.memory_space<hbm>>
    %dma_wait3A_638 = arith.constant 0 : i32
    %dma_wait3A_639 = arith.constant 0 : i32
    %dma_wait3A_640 = tpu.memref_slice %dma_wait3A_637[%dma_wait3A_638, %dma_wait3A_639] : memref<100352x16xf32, #tpu.memory_space<hbm>> -> memref<100352x16xf32, #tpu.memory_space<hbm>>
    tpu.wait_indirect_dma semaphore(%arg13 : memref<!tpu.dma_semaphore, #tpu.memory_space<semaphore_mem>>) src(%dma_wait3A_640 : memref<100352x16xf32, #tpu.memory_space<hbm>>) dst(%dma_wait3A_630 : memref<512x16xf32, #tpu.memory_space<vmem>>)
    %dma_start3A_641 = arith.constant 1 : i32
    %dma_start3A_642 = arith.constant 9 : i32
    %dma_start3A_643 = arith.constant 0 : i32
    %dma_start3A_644 = arith.constant 0 : i32
    %dma_start3A_645 = tpu.memref_slice %arg12[%dma_start3A_641, %dma_start3A_643, %dma_start3A_644] : memref<2x512x16xf32, #tpu.memory_space<vmem>> -> memref<1x512x16xf32, #tpu.memory_space<vmem>>
    %dma_start3A_646 = tpu.memref_squeeze %dma_start3A_645 : memref<1x512x16xf32, #tpu.memory_space<vmem>> -> memref<512x16xf32, #tpu.memory_space<vmem>>
    %dma_start3A_647 = arith.constant 0 : i32
    %dma_start3A_648 = tpu.memref_slice %arg9[%dma_start3A_642, %mul3A_2, %dma_start3A_647] : memref<16x16384x16xf32, #tpu.memory_space<hbm>> -> memref<1x512x16xf32, #tpu.memory_space<hbm>>
    %dma_start3A_649 = tpu.memref_squeeze %dma_start3A_648 : memref<1x512x16xf32, #tpu.memory_space<hbm>> -> memref<512x16xf32, #tpu.memory_space<hbm>>
    %dma_start3A_650 = arith.constant 0 : i32
    %dma_start3A_651 = tpu.memref_slice %arg9[%dma_start3A_642, %mul3A_2, %dma_start3A_650] : memref<16x16384x16xf32, #tpu.memory_space<hbm>> -> memref<1x512x16xf32, #tpu.memory_space<hbm>>
    %dma_start3A_652 = tpu.memref_squeeze %dma_start3A_651 : memref<1x512x16xf32, #tpu.memory_space<hbm>> -> memref<512x16xf32, #tpu.memory_space<hbm>>
    %dma_start3A_653 = arith.constant 0 : i32
    %dma_start3A_654 = arith.constant 0 : i32
    %dma_start3A_655 = tpu.memref_slice %arg12[%dma_start3A_641, %dma_start3A_653, %dma_start3A_654] : memref<2x512x16xf32, #tpu.memory_space<vmem>> -> memref<1x512x16xf32, #tpu.memory_space<vmem>>
    %dma_start3A_656 = tpu.memref_squeeze %dma_start3A_655 : memref<1x512x16xf32, #tpu.memory_space<vmem>> -> memref<512x16xf32, #tpu.memory_space<vmem>>
    tpu.enqueue_dma source(%dma_start3A_656 : memref<512x16xf32, #tpu.memory_space<vmem>>) target(%dma_start3A_652 : memref<512x16xf32, #tpu.memory_space<hbm>>) target_semaphore(%arg14 : memref<!tpu.dma_semaphore, #tpu.memory_space<semaphore_mem>>)
    %dma_wait3A_657 = arith.constant 1 : i32
    %dma_wait3A_658 = arith.constant 9 : i32
    %dma_wait3A_659 = arith.constant 0 : i32
    %dma_wait3A_660 = arith.constant 0 : i32
    %dma_wait3A_661 = tpu.memref_slice %arg12[%dma_wait3A_657, %dma_wait3A_659, %dma_wait3A_660] : memref<2x512x16xf32, #tpu.memory_space<vmem>> -> memref<1x512x16xf32, #tpu.memory_space<vmem>>
    %dma_wait3A_662 = tpu.memref_squeeze %dma_wait3A_661 : memref<1x512x16xf32, #tpu.memory_space<vmem>> -> memref<512x16xf32, #tpu.memory_space<vmem>>
    %dma_wait3A_663 = arith.constant 0 : i32
    %dma_wait3A_664 = tpu.memref_slice %arg9[%dma_wait3A_658, %mul3A_2, %dma_wait3A_663] : memref<16x16384x16xf32, #tpu.memory_space<hbm>> -> memref<1x512x16xf32, #tpu.memory_space<hbm>>
    %dma_wait3A_665 = tpu.memref_squeeze %dma_wait3A_664 : memref<1x512x16xf32, #tpu.memory_space<hbm>> -> memref<512x16xf32, #tpu.memory_space<hbm>>
    %dma_wait3A_666 = arith.constant 0 : i32
    %dma_wait3A_667 = tpu.memref_slice %arg9[%dma_wait3A_658, %mul3A_2, %dma_wait3A_666] : memref<16x16384x16xf32, #tpu.memory_space<hbm>> -> memref<1x512x16xf32, #tpu.memory_space<hbm>>
    %dma_wait3A_668 = tpu.memref_squeeze %dma_wait3A_667 : memref<1x512x16xf32, #tpu.memory_space<hbm>> -> memref<512x16xf32, #tpu.memory_space<hbm>>
    %dma_wait3A_669 = arith.constant 0 : i32
    %dma_wait3A_670 = arith.constant 0 : i32
    %dma_wait3A_671 = tpu.memref_slice %arg12[%dma_wait3A_657, %dma_wait3A_669, %dma_wait3A_670] : memref<2x512x16xf32, #tpu.memory_space<vmem>> -> memref<1x512x16xf32, #tpu.memory_space<vmem>>
    %dma_wait3A_672 = tpu.memref_squeeze %dma_wait3A_671 : memref<1x512x16xf32, #tpu.memory_space<vmem>> -> memref<512x16xf32, #tpu.memory_space<vmem>>
    tpu.wait_dma2 semaphore(%arg14 : memref<!tpu.dma_semaphore, #tpu.memory_space<semaphore_mem>>) src(%dma_wait3A_672 : memref<512x16xf32, #tpu.memory_space<vmem>>) dst(%dma_wait3A_668 : memref<512x16xf32, #tpu.memory_space<hbm>>)
    %dma_start3A_673 = arith.constant 1 : i32
    %dma_start3A_674 = arith.constant 2 : i32
    %dma_start3A_675 = arith.constant 1 : i32
    %dma_start3A_676 = arith.constant 0 : i32
    %dma_start3A_677 = arith.constant 0 : i32
    %dma_start3A_678 = tpu.memref_slice %arg12[%dma_start3A_675, %dma_start3A_676, %dma_start3A_677] : memref<2x512x16xf32, #tpu.memory_space<vmem>> -> memref<1x512x16xf32, #tpu.memory_space<vmem>>
    %dma_start3A_679 = tpu.memref_squeeze %dma_start3A_678 : memref<1x512x16xf32, #tpu.memory_space<vmem>> -> memref<512x16xf32, #tpu.memory_space<vmem>>
    %dma_start3A_680 = arith.constant 0 : i32
    %dma_start3A_681 = tpu.memref_slice %arg11[%dma_start3A_674, %dma_start3A_680] : memref<4x512xi32, #tpu.memory_space<vmem>> -> memref<1x512xi32, #tpu.memory_space<vmem>>
    %dma_start3A_682 = tpu.memref_squeeze %dma_start3A_681 : memref<1x512xi32, #tpu.memory_space<vmem>> -> memref<512xi32, #tpu.memory_space<vmem>>
    %dma_start3A_683 = arith.constant 0 : i32
    %dma_start3A_684 = arith.constant 0 : i32
    %dma_start3A_685 = tpu.memref_slice %arg8[%dma_start3A_673, %dma_start3A_683, %dma_start3A_684] : memref<6x100352x16xf32, #tpu.memory_space<hbm>> -> memref<1x100352x16xf32, #tpu.memory_space<hbm>>
    %dma_start3A_686 = tpu.memref_squeeze %dma_start3A_685 : memref<1x100352x16xf32, #tpu.memory_space<hbm>> -> memref<100352x16xf32, #tpu.memory_space<hbm>>
    %dma_start3A_687 = arith.constant 0 : i32
    %dma_start3A_688 = arith.constant 0 : i32
    %dma_start3A_689 = tpu.memref_slice %dma_start3A_686[%dma_start3A_687, %dma_start3A_688] : memref<100352x16xf32, #tpu.memory_space<hbm>> -> memref<100352x16xf32, #tpu.memory_space<hbm>>
    tpu.enqueue_indirect_dma source(%dma_start3A_689 : memref<100352x16xf32, #tpu.memory_space<hbm>>) target(%dma_start3A_679 : memref<512x16xf32, #tpu.memory_space<vmem>>) offsets(%dma_start3A_682 : memref<512xi32, #tpu.memory_space<vmem>>) semaphore(%arg13 : memref<!tpu.dma_semaphore, #tpu.memory_space<semaphore_mem>>)
    %dma_wait3A_690 = arith.constant 0 : i32
    %dma_wait3A_691 = arith.constant 1 : i32
    %dma_wait3A_692 = arith.constant 0 : i32
    %dma_wait3A_693 = arith.constant 0 : i32
    %dma_wait3A_694 = arith.constant 0 : i32
    %dma_wait3A_695 = tpu.memref_slice %arg12[%dma_wait3A_692, %dma_wait3A_693, %dma_wait3A_694] : memref<2x512x16xf32, #tpu.memory_space<vmem>> -> memref<1x512x16xf32, #tpu.memory_space<vmem>>
    %dma_wait3A_696 = tpu.memref_squeeze %dma_wait3A_695 : memref<1x512x16xf32, #tpu.memory_space<vmem>> -> memref<512x16xf32, #tpu.memory_space<vmem>>
    %dma_wait3A_697 = arith.constant 0 : i32
    %dma_wait3A_698 = tpu.memref_slice %arg11[%dma_wait3A_691, %dma_wait3A_697] : memref<4x512xi32, #tpu.memory_space<vmem>> -> memref<1x512xi32, #tpu.memory_space<vmem>>
    %dma_wait3A_699 = tpu.memref_squeeze %dma_wait3A_698 : memref<1x512xi32, #tpu.memory_space<vmem>> -> memref<512xi32, #tpu.memory_space<vmem>>
    %dma_wait3A_700 = arith.constant 0 : i32
    %dma_wait3A_701 = arith.constant 0 : i32
    %dma_wait3A_702 = tpu.memref_slice %arg8[%dma_wait3A_690, %dma_wait3A_700, %dma_wait3A_701] : memref<6x100352x16xf32, #tpu.memory_space<hbm>> -> memref<1x100352x16xf32, #tpu.memory_space<hbm>>
    %dma_wait3A_703 = tpu.memref_squeeze %dma_wait3A_702 : memref<1x100352x16xf32, #tpu.memory_space<hbm>> -> memref<100352x16xf32, #tpu.memory_space<hbm>>
    %dma_wait3A_704 = arith.constant 0 : i32
    %dma_wait3A_705 = arith.constant 0 : i32
    %dma_wait3A_706 = tpu.memref_slice %dma_wait3A_703[%dma_wait3A_704, %dma_wait3A_705] : memref<100352x16xf32, #tpu.memory_space<hbm>> -> memref<100352x16xf32, #tpu.memory_space<hbm>>
    tpu.wait_indirect_dma semaphore(%arg13 : memref<!tpu.dma_semaphore, #tpu.memory_space<semaphore_mem>>) src(%dma_wait3A_706 : memref<100352x16xf32, #tpu.memory_space<hbm>>) dst(%dma_wait3A_696 : memref<512x16xf32, #tpu.memory_space<vmem>>)
    %dma_start3A_707 = arith.constant 0 : i32
    %dma_start3A_708 = arith.constant 10 : i32
    %dma_start3A_709 = arith.constant 0 : i32
    %dma_start3A_710 = arith.constant 0 : i32
    %dma_start3A_711 = tpu.memref_slice %arg12[%dma_start3A_707, %dma_start3A_709, %dma_start3A_710] : memref<2x512x16xf32, #tpu.memory_space<vmem>> -> memref<1x512x16xf32, #tpu.memory_space<vmem>>
    %dma_start3A_712 = tpu.memref_squeeze %dma_start3A_711 : memref<1x512x16xf32, #tpu.memory_space<vmem>> -> memref<512x16xf32, #tpu.memory_space<vmem>>
    %dma_start3A_713 = arith.constant 0 : i32
    %dma_start3A_714 = tpu.memref_slice %arg9[%dma_start3A_708, %mul3A_2, %dma_start3A_713] : memref<16x16384x16xf32, #tpu.memory_space<hbm>> -> memref<1x512x16xf32, #tpu.memory_space<hbm>>
    %dma_start3A_715 = tpu.memref_squeeze %dma_start3A_714 : memref<1x512x16xf32, #tpu.memory_space<hbm>> -> memref<512x16xf32, #tpu.memory_space<hbm>>
    %dma_start3A_716 = arith.constant 0 : i32
    %dma_start3A_717 = tpu.memref_slice %arg9[%dma_start3A_708, %mul3A_2, %dma_start3A_716] : memref<16x16384x16xf32, #tpu.memory_space<hbm>> -> memref<1x512x16xf32, #tpu.memory_space<hbm>>
    %dma_start3A_718 = tpu.memref_squeeze %dma_start3A_717 : memref<1x512x16xf32, #tpu.memory_space<hbm>> -> memref<512x16xf32, #tpu.memory_space<hbm>>
    %dma_start3A_719 = arith.constant 0 : i32
    %dma_start3A_720 = arith.constant 0 : i32
    %dma_start3A_721 = tpu.memref_slice %arg12[%dma_start3A_707, %dma_start3A_719, %dma_start3A_720] : memref<2x512x16xf32, #tpu.memory_space<vmem>> -> memref<1x512x16xf32, #tpu.memory_space<vmem>>
    %dma_start3A_722 = tpu.memref_squeeze %dma_start3A_721 : memref<1x512x16xf32, #tpu.memory_space<vmem>> -> memref<512x16xf32, #tpu.memory_space<vmem>>
    tpu.enqueue_dma source(%dma_start3A_722 : memref<512x16xf32, #tpu.memory_space<vmem>>) target(%dma_start3A_718 : memref<512x16xf32, #tpu.memory_space<hbm>>) target_semaphore(%arg14 : memref<!tpu.dma_semaphore, #tpu.memory_space<semaphore_mem>>)
    %dma_wait3A_723 = arith.constant 0 : i32
    %dma_wait3A_724 = arith.constant 10 : i32
    %dma_wait3A_725 = arith.constant 0 : i32
    %dma_wait3A_726 = arith.constant 0 : i32
    %dma_wait3A_727 = tpu.memref_slice %arg12[%dma_wait3A_723, %dma_wait3A_725, %dma_wait3A_726] : memref<2x512x16xf32, #tpu.memory_space<vmem>> -> memref<1x512x16xf32, #tpu.memory_space<vmem>>
    %dma_wait3A_728 = tpu.memref_squeeze %dma_wait3A_727 : memref<1x512x16xf32, #tpu.memory_space<vmem>> -> memref<512x16xf32, #tpu.memory_space<vmem>>
    %dma_wait3A_729 = arith.constant 0 : i32
    %dma_wait3A_730 = tpu.memref_slice %arg9[%dma_wait3A_724, %mul3A_2, %dma_wait3A_729] : memref<16x16384x16xf32, #tpu.memory_space<hbm>> -> memref<1x512x16xf32, #tpu.memory_space<hbm>>
    %dma_wait3A_731 = tpu.memref_squeeze %dma_wait3A_730 : memref<1x512x16xf32, #tpu.memory_space<hbm>> -> memref<512x16xf32, #tpu.memory_space<hbm>>
    %dma_wait3A_732 = arith.constant 0 : i32
    %dma_wait3A_733 = tpu.memref_slice %arg9[%dma_wait3A_724, %mul3A_2, %dma_wait3A_732] : memref<16x16384x16xf32, #tpu.memory_space<hbm>> -> memref<1x512x16xf32, #tpu.memory_space<hbm>>
    %dma_wait3A_734 = tpu.memref_squeeze %dma_wait3A_733 : memref<1x512x16xf32, #tpu.memory_space<hbm>> -> memref<512x16xf32, #tpu.memory_space<hbm>>
    %dma_wait3A_735 = arith.constant 0 : i32
    %dma_wait3A_736 = arith.constant 0 : i32
    %dma_wait3A_737 = tpu.memref_slice %arg12[%dma_wait3A_723, %dma_wait3A_735, %dma_wait3A_736] : memref<2x512x16xf32, #tpu.memory_space<vmem>> -> memref<1x512x16xf32, #tpu.memory_space<vmem>>
    %dma_wait3A_738 = tpu.memref_squeeze %dma_wait3A_737 : memref<1x512x16xf32, #tpu.memory_space<vmem>> -> memref<512x16xf32, #tpu.memory_space<vmem>>
    tpu.wait_dma2 semaphore(%arg14 : memref<!tpu.dma_semaphore, #tpu.memory_space<semaphore_mem>>) src(%dma_wait3A_738 : memref<512x16xf32, #tpu.memory_space<vmem>>) dst(%dma_wait3A_734 : memref<512x16xf32, #tpu.memory_space<hbm>>)
    %dma_start3A_739 = arith.constant 2 : i32
    %dma_start3A_740 = arith.constant 3 : i32
    %dma_start3A_741 = arith.constant 0 : i32
    %dma_start3A_742 = arith.constant 0 : i32
    %dma_start3A_743 = arith.constant 0 : i32
    %dma_start3A_744 = tpu.memref_slice %arg12[%dma_start3A_741, %dma_start3A_742, %dma_start3A_743] : memref<2x512x16xf32, #tpu.memory_space<vmem>> -> memref<1x512x16xf32, #tpu.memory_space<vmem>>
    %dma_start3A_745 = tpu.memref_squeeze %dma_start3A_744 : memref<1x512x16xf32, #tpu.memory_space<vmem>> -> memref<512x16xf32, #tpu.memory_space<vmem>>
    %dma_start3A_746 = arith.constant 0 : i32
    %dma_start3A_747 = tpu.memref_slice %arg11[%dma_start3A_740, %dma_start3A_746] : memref<4x512xi32, #tpu.memory_space<vmem>> -> memref<1x512xi32, #tpu.memory_space<vmem>>
    %dma_start3A_748 = tpu.memref_squeeze %dma_start3A_747 : memref<1x512xi32, #tpu.memory_space<vmem>> -> memref<512xi32, #tpu.memory_space<vmem>>
    %dma_start3A_749 = arith.constant 0 : i32
    %dma_start3A_750 = arith.constant 0 : i32
    %dma_start3A_751 = tpu.memref_slice %arg8[%dma_start3A_739, %dma_start3A_749, %dma_start3A_750] : memref<6x100352x16xf32, #tpu.memory_space<hbm>> -> memref<1x100352x16xf32, #tpu.memory_space<hbm>>
    %dma_start3A_752 = tpu.memref_squeeze %dma_start3A_751 : memref<1x100352x16xf32, #tpu.memory_space<hbm>> -> memref<100352x16xf32, #tpu.memory_space<hbm>>
    %dma_start3A_753 = arith.constant 0 : i32
    %dma_start3A_754 = arith.constant 0 : i32
    %dma_start3A_755 = tpu.memref_slice %dma_start3A_752[%dma_start3A_753, %dma_start3A_754] : memref<100352x16xf32, #tpu.memory_space<hbm>> -> memref<100352x16xf32, #tpu.memory_space<hbm>>
    tpu.enqueue_indirect_dma source(%dma_start3A_755 : memref<100352x16xf32, #tpu.memory_space<hbm>>) target(%dma_start3A_745 : memref<512x16xf32, #tpu.memory_space<vmem>>) offsets(%dma_start3A_748 : memref<512xi32, #tpu.memory_space<vmem>>) semaphore(%arg13 : memref<!tpu.dma_semaphore, #tpu.memory_space<semaphore_mem>>)
    %dma_wait3A_756 = arith.constant 1 : i32
    %dma_wait3A_757 = arith.constant 2 : i32
    %dma_wait3A_758 = arith.constant 1 : i32
    %dma_wait3A_759 = arith.constant 0 : i32
    %dma_wait3A_760 = arith.constant 0 : i32
    %dma_wait3A_761 = tpu.memref_slice %arg12[%dma_wait3A_758, %dma_wait3A_759, %dma_wait3A_760] : memref<2x512x16xf32, #tpu.memory_space<vmem>> -> memref<1x512x16xf32, #tpu.memory_space<vmem>>
    %dma_wait3A_762 = tpu.memref_squeeze %dma_wait3A_761 : memref<1x512x16xf32, #tpu.memory_space<vmem>> -> memref<512x16xf32, #tpu.memory_space<vmem>>
    %dma_wait3A_763 = arith.constant 0 : i32
    %dma_wait3A_764 = tpu.memref_slice %arg11[%dma_wait3A_757, %dma_wait3A_763] : memref<4x512xi32, #tpu.memory_space<vmem>> -> memref<1x512xi32, #tpu.memory_space<vmem>>
    %dma_wait3A_765 = tpu.memref_squeeze %dma_wait3A_764 : memref<1x512xi32, #tpu.memory_space<vmem>> -> memref<512xi32, #tpu.memory_space<vmem>>
    %dma_wait3A_766 = arith.constant 0 : i32
    %dma_wait3A_767 = arith.constant 0 : i32
    %dma_wait3A_768 = tpu.memref_slice %arg8[%dma_wait3A_756, %dma_wait3A_766, %dma_wait3A_767] : memref<6x100352x16xf32, #tpu.memory_space<hbm>> -> memref<1x100352x16xf32, #tpu.memory_space<hbm>>
    %dma_wait3A_769 = tpu.memref_squeeze %dma_wait3A_768 : memref<1x100352x16xf32, #tpu.memory_space<hbm>> -> memref<100352x16xf32, #tpu.memory_space<hbm>>
    %dma_wait3A_770 = arith.constant 0 : i32
    %dma_wait3A_771 = arith.constant 0 : i32
    %dma_wait3A_772 = tpu.memref_slice %dma_wait3A_769[%dma_wait3A_770, %dma_wait3A_771] : memref<100352x16xf32, #tpu.memory_space<hbm>> -> memref<100352x16xf32, #tpu.memory_space<hbm>>
    tpu.wait_indirect_dma semaphore(%arg13 : memref<!tpu.dma_semaphore, #tpu.memory_space<semaphore_mem>>) src(%dma_wait3A_772 : memref<100352x16xf32, #tpu.memory_space<hbm>>) dst(%dma_wait3A_762 : memref<512x16xf32, #tpu.memory_space<vmem>>)
    %dma_start3A_773 = arith.constant 1 : i32
    %dma_start3A_774 = arith.constant 11 : i32
    %dma_start3A_775 = arith.constant 0 : i32
    %dma_start3A_776 = arith.constant 0 : i32
    %dma_start3A_777 = tpu.memref_slice %arg12[%dma_start3A_773, %dma_start3A_775, %dma_start3A_776] : memref<2x512x16xf32, #tpu.memory_space<vmem>> -> memref<1x512x16xf32, #tpu.memory_space<vmem>>
    %dma_start3A_778 = tpu.memref_squeeze %dma_start3A_777 : memref<1x512x16xf32, #tpu.memory_space<vmem>> -> memref<512x16xf32, #tpu.memory_space<vmem>>
    %dma_start3A_779 = arith.constant 0 : i32
    %dma_start3A_780 = tpu.memref_slice %arg9[%dma_start3A_774, %mul3A_2, %dma_start3A_779] : memref<16x16384x16xf32, #tpu.memory_space<hbm>> -> memref<1x512x16xf32, #tpu.memory_space<hbm>>
    %dma_start3A_781 = tpu.memref_squeeze %dma_start3A_780 : memref<1x512x16xf32, #tpu.memory_space<hbm>> -> memref<512x16xf32, #tpu.memory_space<hbm>>
    %dma_start3A_782 = arith.constant 0 : i32
    %dma_start3A_783 = tpu.memref_slice %arg9[%dma_start3A_774, %mul3A_2, %dma_start3A_782] : memref<16x16384x16xf32, #tpu.memory_space<hbm>> -> memref<1x512x16xf32, #tpu.memory_space<hbm>>
    %dma_start3A_784 = tpu.memref_squeeze %dma_start3A_783 : memref<1x512x16xf32, #tpu.memory_space<hbm>> -> memref<512x16xf32, #tpu.memory_space<hbm>>
    %dma_start3A_785 = arith.constant 0 : i32
    %dma_start3A_786 = arith.constant 0 : i32
    %dma_start3A_787 = tpu.memref_slice %arg12[%dma_start3A_773, %dma_start3A_785, %dma_start3A_786] : memref<2x512x16xf32, #tpu.memory_space<vmem>> -> memref<1x512x16xf32, #tpu.memory_space<vmem>>
    %dma_start3A_788 = tpu.memref_squeeze %dma_start3A_787 : memref<1x512x16xf32, #tpu.memory_space<vmem>> -> memref<512x16xf32, #tpu.memory_space<vmem>>
    tpu.enqueue_dma source(%dma_start3A_788 : memref<512x16xf32, #tpu.memory_space<vmem>>) target(%dma_start3A_784 : memref<512x16xf32, #tpu.memory_space<hbm>>) target_semaphore(%arg14 : memref<!tpu.dma_semaphore, #tpu.memory_space<semaphore_mem>>)
    %dma_wait3A_789 = arith.constant 1 : i32
    %dma_wait3A_790 = arith.constant 11 : i32
    %dma_wait3A_791 = arith.constant 0 : i32
    %dma_wait3A_792 = arith.constant 0 : i32
    %dma_wait3A_793 = tpu.memref_slice %arg12[%dma_wait3A_789, %dma_wait3A_791, %dma_wait3A_792] : memref<2x512x16xf32, #tpu.memory_space<vmem>> -> memref<1x512x16xf32, #tpu.memory_space<vmem>>
    %dma_wait3A_794 = tpu.memref_squeeze %dma_wait3A_793 : memref<1x512x16xf32, #tpu.memory_space<vmem>> -> memref<512x16xf32, #tpu.memory_space<vmem>>
    %dma_wait3A_795 = arith.constant 0 : i32
    %dma_wait3A_796 = tpu.memref_slice %arg9[%dma_wait3A_790, %mul3A_2, %dma_wait3A_795] : memref<16x16384x16xf32, #tpu.memory_space<hbm>> -> memref<1x512x16xf32, #tpu.memory_space<hbm>>
    %dma_wait3A_797 = tpu.memref_squeeze %dma_wait3A_796 : memref<1x512x16xf32, #tpu.memory_space<hbm>> -> memref<512x16xf32, #tpu.memory_space<hbm>>
    %dma_wait3A_798 = arith.constant 0 : i32
    %dma_wait3A_799 = tpu.memref_slice %arg9[%dma_wait3A_790, %mul3A_2, %dma_wait3A_798] : memref<16x16384x16xf32, #tpu.memory_space<hbm>> -> memref<1x512x16xf32, #tpu.memory_space<hbm>>
    %dma_wait3A_800 = tpu.memref_squeeze %dma_wait3A_799 : memref<1x512x16xf32, #tpu.memory_space<hbm>> -> memref<512x16xf32, #tpu.memory_space<hbm>>
    %dma_wait3A_801 = arith.constant 0 : i32
    %dma_wait3A_802 = arith.constant 0 : i32
    %dma_wait3A_803 = tpu.memref_slice %arg12[%dma_wait3A_789, %dma_wait3A_801, %dma_wait3A_802] : memref<2x512x16xf32, #tpu.memory_space<vmem>> -> memref<1x512x16xf32, #tpu.memory_space<vmem>>
    %dma_wait3A_804 = tpu.memref_squeeze %dma_wait3A_803 : memref<1x512x16xf32, #tpu.memory_space<vmem>> -> memref<512x16xf32, #tpu.memory_space<vmem>>
    tpu.wait_dma2 semaphore(%arg14 : memref<!tpu.dma_semaphore, #tpu.memory_space<semaphore_mem>>) src(%dma_wait3A_804 : memref<512x16xf32, #tpu.memory_space<vmem>>) dst(%dma_wait3A_800 : memref<512x16xf32, #tpu.memory_space<hbm>>)
    %dma_start3A_805 = arith.constant 3 : i32
    %dma_start3A_806 = arith.constant 2 : i32
    %dma_start3A_807 = arith.constant 1 : i32
    %dma_start3A_808 = arith.constant 0 : i32
    %dma_start3A_809 = arith.constant 0 : i32
    %dma_start3A_810 = tpu.memref_slice %arg12[%dma_start3A_807, %dma_start3A_808, %dma_start3A_809] : memref<2x512x16xf32, #tpu.memory_space<vmem>> -> memref<1x512x16xf32, #tpu.memory_space<vmem>>
    %dma_start3A_811 = tpu.memref_squeeze %dma_start3A_810 : memref<1x512x16xf32, #tpu.memory_space<vmem>> -> memref<512x16xf32, #tpu.memory_space<vmem>>
    %dma_start3A_812 = arith.constant 0 : i32
    %dma_start3A_813 = tpu.memref_slice %arg11[%dma_start3A_806, %dma_start3A_812] : memref<4x512xi32, #tpu.memory_space<vmem>> -> memref<1x512xi32, #tpu.memory_space<vmem>>
    %dma_start3A_814 = tpu.memref_squeeze %dma_start3A_813 : memref<1x512xi32, #tpu.memory_space<vmem>> -> memref<512xi32, #tpu.memory_space<vmem>>
    %dma_start3A_815 = arith.constant 0 : i32
    %dma_start3A_816 = arith.constant 0 : i32
    %dma_start3A_817 = tpu.memref_slice %arg8[%dma_start3A_805, %dma_start3A_815, %dma_start3A_816] : memref<6x100352x16xf32, #tpu.memory_space<hbm>> -> memref<1x100352x16xf32, #tpu.memory_space<hbm>>
    %dma_start3A_818 = tpu.memref_squeeze %dma_start3A_817 : memref<1x100352x16xf32, #tpu.memory_space<hbm>> -> memref<100352x16xf32, #tpu.memory_space<hbm>>
    %dma_start3A_819 = arith.constant 0 : i32
    %dma_start3A_820 = arith.constant 0 : i32
    %dma_start3A_821 = tpu.memref_slice %dma_start3A_818[%dma_start3A_819, %dma_start3A_820] : memref<100352x16xf32, #tpu.memory_space<hbm>> -> memref<100352x16xf32, #tpu.memory_space<hbm>>
    tpu.enqueue_indirect_dma source(%dma_start3A_821 : memref<100352x16xf32, #tpu.memory_space<hbm>>) target(%dma_start3A_811 : memref<512x16xf32, #tpu.memory_space<vmem>>) offsets(%dma_start3A_814 : memref<512xi32, #tpu.memory_space<vmem>>) semaphore(%arg13 : memref<!tpu.dma_semaphore, #tpu.memory_space<semaphore_mem>>)
    %dma_wait3A_822 = arith.constant 2 : i32
    %dma_wait3A_823 = arith.constant 3 : i32
    %dma_wait3A_824 = arith.constant 0 : i32
    %dma_wait3A_825 = arith.constant 0 : i32
    %dma_wait3A_826 = arith.constant 0 : i32
    %dma_wait3A_827 = tpu.memref_slice %arg12[%dma_wait3A_824, %dma_wait3A_825, %dma_wait3A_826] : memref<2x512x16xf32, #tpu.memory_space<vmem>> -> memref<1x512x16xf32, #tpu.memory_space<vmem>>
    %dma_wait3A_828 = tpu.memref_squeeze %dma_wait3A_827 : memref<1x512x16xf32, #tpu.memory_space<vmem>> -> memref<512x16xf32, #tpu.memory_space<vmem>>
    %dma_wait3A_829 = arith.constant 0 : i32
    %dma_wait3A_830 = tpu.memref_slice %arg11[%dma_wait3A_823, %dma_wait3A_829] : memref<4x512xi32, #tpu.memory_space<vmem>> -> memref<1x512xi32, #tpu.memory_space<vmem>>
    %dma_wait3A_831 = tpu.memref_squeeze %dma_wait3A_830 : memref<1x512xi32, #tpu.memory_space<vmem>> -> memref<512xi32, #tpu.memory_space<vmem>>
    %dma_wait3A_832 = arith.constant 0 : i32
    %dma_wait3A_833 = arith.constant 0 : i32
    %dma_wait3A_834 = tpu.memref_slice %arg8[%dma_wait3A_822, %dma_wait3A_832, %dma_wait3A_833] : memref<6x100352x16xf32, #tpu.memory_space<hbm>> -> memref<1x100352x16xf32, #tpu.memory_space<hbm>>
    %dma_wait3A_835 = tpu.memref_squeeze %dma_wait3A_834 : memref<1x100352x16xf32, #tpu.memory_space<hbm>> -> memref<100352x16xf32, #tpu.memory_space<hbm>>
    %dma_wait3A_836 = arith.constant 0 : i32
    %dma_wait3A_837 = arith.constant 0 : i32
    %dma_wait3A_838 = tpu.memref_slice %dma_wait3A_835[%dma_wait3A_836, %dma_wait3A_837] : memref<100352x16xf32, #tpu.memory_space<hbm>> -> memref<100352x16xf32, #tpu.memory_space<hbm>>
    tpu.wait_indirect_dma semaphore(%arg13 : memref<!tpu.dma_semaphore, #tpu.memory_space<semaphore_mem>>) src(%dma_wait3A_838 : memref<100352x16xf32, #tpu.memory_space<hbm>>) dst(%dma_wait3A_828 : memref<512x16xf32, #tpu.memory_space<vmem>>)
    %dma_start3A_839 = arith.constant 0 : i32
    %dma_start3A_840 = arith.constant 12 : i32
    %dma_start3A_841 = arith.constant 0 : i32
    %dma_start3A_842 = arith.constant 0 : i32
    %dma_start3A_843 = tpu.memref_slice %arg12[%dma_start3A_839, %dma_start3A_841, %dma_start3A_842] : memref<2x512x16xf32, #tpu.memory_space<vmem>> -> memref<1x512x16xf32, #tpu.memory_space<vmem>>
    %dma_start3A_844 = tpu.memref_squeeze %dma_start3A_843 : memref<1x512x16xf32, #tpu.memory_space<vmem>> -> memref<512x16xf32, #tpu.memory_space<vmem>>
    %dma_start3A_845 = arith.constant 0 : i32
    %dma_start3A_846 = tpu.memref_slice %arg9[%dma_start3A_840, %mul3A_2, %dma_start3A_845] : memref<16x16384x16xf32, #tpu.memory_space<hbm>> -> memref<1x512x16xf32, #tpu.memory_space<hbm>>
    %dma_start3A_847 = tpu.memref_squeeze %dma_start3A_846 : memref<1x512x16xf32, #tpu.memory_space<hbm>> -> memref<512x16xf32, #tpu.memory_space<hbm>>
    %dma_start3A_848 = arith.constant 0 : i32
    %dma_start3A_849 = tpu.memref_slice %arg9[%dma_start3A_840, %mul3A_2, %dma_start3A_848] : memref<16x16384x16xf32, #tpu.memory_space<hbm>> -> memref<1x512x16xf32, #tpu.memory_space<hbm>>
    %dma_start3A_850 = tpu.memref_squeeze %dma_start3A_849 : memref<1x512x16xf32, #tpu.memory_space<hbm>> -> memref<512x16xf32, #tpu.memory_space<hbm>>
    %dma_start3A_851 = arith.constant 0 : i32
    %dma_start3A_852 = arith.constant 0 : i32
    %dma_start3A_853 = tpu.memref_slice %arg12[%dma_start3A_839, %dma_start3A_851, %dma_start3A_852] : memref<2x512x16xf32, #tpu.memory_space<vmem>> -> memref<1x512x16xf32, #tpu.memory_space<vmem>>
    %dma_start3A_854 = tpu.memref_squeeze %dma_start3A_853 : memref<1x512x16xf32, #tpu.memory_space<vmem>> -> memref<512x16xf32, #tpu.memory_space<vmem>>
    tpu.enqueue_dma source(%dma_start3A_854 : memref<512x16xf32, #tpu.memory_space<vmem>>) target(%dma_start3A_850 : memref<512x16xf32, #tpu.memory_space<hbm>>) target_semaphore(%arg14 : memref<!tpu.dma_semaphore, #tpu.memory_space<semaphore_mem>>)
    %dma_wait3A_855 = arith.constant 0 : i32
    %dma_wait3A_856 = arith.constant 12 : i32
    %dma_wait3A_857 = arith.constant 0 : i32
    %dma_wait3A_858 = arith.constant 0 : i32
    %dma_wait3A_859 = tpu.memref_slice %arg12[%dma_wait3A_855, %dma_wait3A_857, %dma_wait3A_858] : memref<2x512x16xf32, #tpu.memory_space<vmem>> -> memref<1x512x16xf32, #tpu.memory_space<vmem>>
    %dma_wait3A_860 = tpu.memref_squeeze %dma_wait3A_859 : memref<1x512x16xf32, #tpu.memory_space<vmem>> -> memref<512x16xf32, #tpu.memory_space<vmem>>
    %dma_wait3A_861 = arith.constant 0 : i32
    %dma_wait3A_862 = tpu.memref_slice %arg9[%dma_wait3A_856, %mul3A_2, %dma_wait3A_861] : memref<16x16384x16xf32, #tpu.memory_space<hbm>> -> memref<1x512x16xf32, #tpu.memory_space<hbm>>
    %dma_wait3A_863 = tpu.memref_squeeze %dma_wait3A_862 : memref<1x512x16xf32, #tpu.memory_space<hbm>> -> memref<512x16xf32, #tpu.memory_space<hbm>>
    %dma_wait3A_864 = arith.constant 0 : i32
    %dma_wait3A_865 = tpu.memref_slice %arg9[%dma_wait3A_856, %mul3A_2, %dma_wait3A_864] : memref<16x16384x16xf32, #tpu.memory_space<hbm>> -> memref<1x512x16xf32, #tpu.memory_space<hbm>>
    %dma_wait3A_866 = tpu.memref_squeeze %dma_wait3A_865 : memref<1x512x16xf32, #tpu.memory_space<hbm>> -> memref<512x16xf32, #tpu.memory_space<hbm>>
    %dma_wait3A_867 = arith.constant 0 : i32
    %dma_wait3A_868 = arith.constant 0 : i32
    %dma_wait3A_869 = tpu.memref_slice %arg12[%dma_wait3A_855, %dma_wait3A_867, %dma_wait3A_868] : memref<2x512x16xf32, #tpu.memory_space<vmem>> -> memref<1x512x16xf32, #tpu.memory_space<vmem>>
    %dma_wait3A_870 = tpu.memref_squeeze %dma_wait3A_869 : memref<1x512x16xf32, #tpu.memory_space<vmem>> -> memref<512x16xf32, #tpu.memory_space<vmem>>
    tpu.wait_dma2 semaphore(%arg14 : memref<!tpu.dma_semaphore, #tpu.memory_space<semaphore_mem>>) src(%dma_wait3A_870 : memref<512x16xf32, #tpu.memory_space<vmem>>) dst(%dma_wait3A_866 : memref<512x16xf32, #tpu.memory_space<hbm>>)
    %dma_start3A_871 = arith.constant 4 : i32
    %dma_start3A_872 = arith.constant 3 : i32
    %dma_start3A_873 = arith.constant 0 : i32
    %dma_start3A_874 = arith.constant 0 : i32
    %dma_start3A_875 = arith.constant 0 : i32
    %dma_start3A_876 = tpu.memref_slice %arg12[%dma_start3A_873, %dma_start3A_874, %dma_start3A_875] : memref<2x512x16xf32, #tpu.memory_space<vmem>> -> memref<1x512x16xf32, #tpu.memory_space<vmem>>
    %dma_start3A_877 = tpu.memref_squeeze %dma_start3A_876 : memref<1x512x16xf32, #tpu.memory_space<vmem>> -> memref<512x16xf32, #tpu.memory_space<vmem>>
    %dma_start3A_878 = arith.constant 0 : i32
    %dma_start3A_879 = tpu.memref_slice %arg11[%dma_start3A_872, %dma_start3A_878] : memref<4x512xi32, #tpu.memory_space<vmem>> -> memref<1x512xi32, #tpu.memory_space<vmem>>
    %dma_start3A_880 = tpu.memref_squeeze %dma_start3A_879 : memref<1x512xi32, #tpu.memory_space<vmem>> -> memref<512xi32, #tpu.memory_space<vmem>>
    %dma_start3A_881 = arith.constant 0 : i32
    %dma_start3A_882 = arith.constant 0 : i32
    %dma_start3A_883 = tpu.memref_slice %arg8[%dma_start3A_871, %dma_start3A_881, %dma_start3A_882] : memref<6x100352x16xf32, #tpu.memory_space<hbm>> -> memref<1x100352x16xf32, #tpu.memory_space<hbm>>
    %dma_start3A_884 = tpu.memref_squeeze %dma_start3A_883 : memref<1x100352x16xf32, #tpu.memory_space<hbm>> -> memref<100352x16xf32, #tpu.memory_space<hbm>>
    %dma_start3A_885 = arith.constant 0 : i32
    %dma_start3A_886 = arith.constant 0 : i32
    %dma_start3A_887 = tpu.memref_slice %dma_start3A_884[%dma_start3A_885, %dma_start3A_886] : memref<100352x16xf32, #tpu.memory_space<hbm>> -> memref<100352x16xf32, #tpu.memory_space<hbm>>
    tpu.enqueue_indirect_dma source(%dma_start3A_887 : memref<100352x16xf32, #tpu.memory_space<hbm>>) target(%dma_start3A_877 : memref<512x16xf32, #tpu.memory_space<vmem>>) offsets(%dma_start3A_880 : memref<512xi32, #tpu.memory_space<vmem>>) semaphore(%arg13 : memref<!tpu.dma_semaphore, #tpu.memory_space<semaphore_mem>>)
    %dma_wait3A_888 = arith.constant 3 : i32
    %dma_wait3A_889 = arith.constant 2 : i32
    %dma_wait3A_890 = arith.constant 1 : i32
    %dma_wait3A_891 = arith.constant 0 : i32
    %dma_wait3A_892 = arith.constant 0 : i32
    %dma_wait3A_893 = tpu.memref_slice %arg12[%dma_wait3A_890, %dma_wait3A_891, %dma_wait3A_892] : memref<2x512x16xf32, #tpu.memory_space<vmem>> -> memref<1x512x16xf32, #tpu.memory_space<vmem>>
    %dma_wait3A_894 = tpu.memref_squeeze %dma_wait3A_893 : memref<1x512x16xf32, #tpu.memory_space<vmem>> -> memref<512x16xf32, #tpu.memory_space<vmem>>
    %dma_wait3A_895 = arith.constant 0 : i32
    %dma_wait3A_896 = tpu.memref_slice %arg11[%dma_wait3A_889, %dma_wait3A_895] : memref<4x512xi32, #tpu.memory_space<vmem>> -> memref<1x512xi32, #tpu.memory_space<vmem>>
    %dma_wait3A_897 = tpu.memref_squeeze %dma_wait3A_896 : memref<1x512xi32, #tpu.memory_space<vmem>> -> memref<512xi32, #tpu.memory_space<vmem>>
    %dma_wait3A_898 = arith.constant 0 : i32
    %dma_wait3A_899 = arith.constant 0 : i32
    %dma_wait3A_900 = tpu.memref_slice %arg8[%dma_wait3A_888, %dma_wait3A_898, %dma_wait3A_899] : memref<6x100352x16xf32, #tpu.memory_space<hbm>> -> memref<1x100352x16xf32, #tpu.memory_space<hbm>>
    %dma_wait3A_901 = tpu.memref_squeeze %dma_wait3A_900 : memref<1x100352x16xf32, #tpu.memory_space<hbm>> -> memref<100352x16xf32, #tpu.memory_space<hbm>>
    %dma_wait3A_902 = arith.constant 0 : i32
    %dma_wait3A_903 = arith.constant 0 : i32
    %dma_wait3A_904 = tpu.memref_slice %dma_wait3A_901[%dma_wait3A_902, %dma_wait3A_903] : memref<100352x16xf32, #tpu.memory_space<hbm>> -> memref<100352x16xf32, #tpu.memory_space<hbm>>
    tpu.wait_indirect_dma semaphore(%arg13 : memref<!tpu.dma_semaphore, #tpu.memory_space<semaphore_mem>>) src(%dma_wait3A_904 : memref<100352x16xf32, #tpu.memory_space<hbm>>) dst(%dma_wait3A_894 : memref<512x16xf32, #tpu.memory_space<vmem>>)
    %dma_start3A_905 = arith.constant 1 : i32
    %dma_start3A_906 = arith.constant 13 : i32
    %dma_start3A_907 = arith.constant 0 : i32
    %dma_start3A_908 = arith.constant 0 : i32
    %dma_start3A_909 = tpu.memref_slice %arg12[%dma_start3A_905, %dma_start3A_907, %dma_start3A_908] : memref<2x512x16xf32, #tpu.memory_space<vmem>> -> memref<1x512x16xf32, #tpu.memory_space<vmem>>
    %dma_start3A_910 = tpu.memref_squeeze %dma_start3A_909 : memref<1x512x16xf32, #tpu.memory_space<vmem>> -> memref<512x16xf32, #tpu.memory_space<vmem>>
    %dma_start3A_911 = arith.constant 0 : i32
    %dma_start3A_912 = tpu.memref_slice %arg9[%dma_start3A_906, %mul3A_2, %dma_start3A_911] : memref<16x16384x16xf32, #tpu.memory_space<hbm>> -> memref<1x512x16xf32, #tpu.memory_space<hbm>>
    %dma_start3A_913 = tpu.memref_squeeze %dma_start3A_912 : memref<1x512x16xf32, #tpu.memory_space<hbm>> -> memref<512x16xf32, #tpu.memory_space<hbm>>
    %dma_start3A_914 = arith.constant 0 : i32
    %dma_start3A_915 = tpu.memref_slice %arg9[%dma_start3A_906, %mul3A_2, %dma_start3A_914] : memref<16x16384x16xf32, #tpu.memory_space<hbm>> -> memref<1x512x16xf32, #tpu.memory_space<hbm>>
    %dma_start3A_916 = tpu.memref_squeeze %dma_start3A_915 : memref<1x512x16xf32, #tpu.memory_space<hbm>> -> memref<512x16xf32, #tpu.memory_space<hbm>>
    %dma_start3A_917 = arith.constant 0 : i32
    %dma_start3A_918 = arith.constant 0 : i32
    %dma_start3A_919 = tpu.memref_slice %arg12[%dma_start3A_905, %dma_start3A_917, %dma_start3A_918] : memref<2x512x16xf32, #tpu.memory_space<vmem>> -> memref<1x512x16xf32, #tpu.memory_space<vmem>>
    %dma_start3A_920 = tpu.memref_squeeze %dma_start3A_919 : memref<1x512x16xf32, #tpu.memory_space<vmem>> -> memref<512x16xf32, #tpu.memory_space<vmem>>
    tpu.enqueue_dma source(%dma_start3A_920 : memref<512x16xf32, #tpu.memory_space<vmem>>) target(%dma_start3A_916 : memref<512x16xf32, #tpu.memory_space<hbm>>) target_semaphore(%arg14 : memref<!tpu.dma_semaphore, #tpu.memory_space<semaphore_mem>>)
    %dma_wait3A_921 = arith.constant 1 : i32
    %dma_wait3A_922 = arith.constant 13 : i32
    %dma_wait3A_923 = arith.constant 0 : i32
    %dma_wait3A_924 = arith.constant 0 : i32
    %dma_wait3A_925 = tpu.memref_slice %arg12[%dma_wait3A_921, %dma_wait3A_923, %dma_wait3A_924] : memref<2x512x16xf32, #tpu.memory_space<vmem>> -> memref<1x512x16xf32, #tpu.memory_space<vmem>>
    %dma_wait3A_926 = tpu.memref_squeeze %dma_wait3A_925 : memref<1x512x16xf32, #tpu.memory_space<vmem>> -> memref<512x16xf32, #tpu.memory_space<vmem>>
    %dma_wait3A_927 = arith.constant 0 : i32
    %dma_wait3A_928 = tpu.memref_slice %arg9[%dma_wait3A_922, %mul3A_2, %dma_wait3A_927] : memref<16x16384x16xf32, #tpu.memory_space<hbm>> -> memref<1x512x16xf32, #tpu.memory_space<hbm>>
    %dma_wait3A_929 = tpu.memref_squeeze %dma_wait3A_928 : memref<1x512x16xf32, #tpu.memory_space<hbm>> -> memref<512x16xf32, #tpu.memory_space<hbm>>
    %dma_wait3A_930 = arith.constant 0 : i32
    %dma_wait3A_931 = tpu.memref_slice %arg9[%dma_wait3A_922, %mul3A_2, %dma_wait3A_930] : memref<16x16384x16xf32, #tpu.memory_space<hbm>> -> memref<1x512x16xf32, #tpu.memory_space<hbm>>
    %dma_wait3A_932 = tpu.memref_squeeze %dma_wait3A_931 : memref<1x512x16xf32, #tpu.memory_space<hbm>> -> memref<512x16xf32, #tpu.memory_space<hbm>>
    %dma_wait3A_933 = arith.constant 0 : i32
    %dma_wait3A_934 = arith.constant 0 : i32
    %dma_wait3A_935 = tpu.memref_slice %arg12[%dma_wait3A_921, %dma_wait3A_933, %dma_wait3A_934] : memref<2x512x16xf32, #tpu.memory_space<vmem>> -> memref<1x512x16xf32, #tpu.memory_space<vmem>>
    %dma_wait3A_936 = tpu.memref_squeeze %dma_wait3A_935 : memref<1x512x16xf32, #tpu.memory_space<vmem>> -> memref<512x16xf32, #tpu.memory_space<vmem>>
    tpu.wait_dma2 semaphore(%arg14 : memref<!tpu.dma_semaphore, #tpu.memory_space<semaphore_mem>>) src(%dma_wait3A_936 : memref<512x16xf32, #tpu.memory_space<vmem>>) dst(%dma_wait3A_932 : memref<512x16xf32, #tpu.memory_space<hbm>>)
    %dma_start3A_937 = arith.constant 5 : i32
    %dma_start3A_938 = arith.constant 3 : i32
    %dma_start3A_939 = arith.constant 1 : i32
    %dma_start3A_940 = arith.constant 0 : i32
    %dma_start3A_941 = arith.constant 0 : i32
    %dma_start3A_942 = tpu.memref_slice %arg12[%dma_start3A_939, %dma_start3A_940, %dma_start3A_941] : memref<2x512x16xf32, #tpu.memory_space<vmem>> -> memref<1x512x16xf32, #tpu.memory_space<vmem>>
    %dma_start3A_943 = tpu.memref_squeeze %dma_start3A_942 : memref<1x512x16xf32, #tpu.memory_space<vmem>> -> memref<512x16xf32, #tpu.memory_space<vmem>>
    %dma_start3A_944 = arith.constant 0 : i32
    %dma_start3A_945 = tpu.memref_slice %arg11[%dma_start3A_938, %dma_start3A_944] : memref<4x512xi32, #tpu.memory_space<vmem>> -> memref<1x512xi32, #tpu.memory_space<vmem>>
    %dma_start3A_946 = tpu.memref_squeeze %dma_start3A_945 : memref<1x512xi32, #tpu.memory_space<vmem>> -> memref<512xi32, #tpu.memory_space<vmem>>
    %dma_start3A_947 = arith.constant 0 : i32
    %dma_start3A_948 = arith.constant 0 : i32
    %dma_start3A_949 = tpu.memref_slice %arg8[%dma_start3A_937, %dma_start3A_947, %dma_start3A_948] : memref<6x100352x16xf32, #tpu.memory_space<hbm>> -> memref<1x100352x16xf32, #tpu.memory_space<hbm>>
    %dma_start3A_950 = tpu.memref_squeeze %dma_start3A_949 : memref<1x100352x16xf32, #tpu.memory_space<hbm>> -> memref<100352x16xf32, #tpu.memory_space<hbm>>
    %dma_start3A_951 = arith.constant 0 : i32
    %dma_start3A_952 = arith.constant 0 : i32
    %dma_start3A_953 = tpu.memref_slice %dma_start3A_950[%dma_start3A_951, %dma_start3A_952] : memref<100352x16xf32, #tpu.memory_space<hbm>> -> memref<100352x16xf32, #tpu.memory_space<hbm>>
    tpu.enqueue_indirect_dma source(%dma_start3A_953 : memref<100352x16xf32, #tpu.memory_space<hbm>>) target(%dma_start3A_943 : memref<512x16xf32, #tpu.memory_space<vmem>>) offsets(%dma_start3A_946 : memref<512xi32, #tpu.memory_space<vmem>>) semaphore(%arg13 : memref<!tpu.dma_semaphore, #tpu.memory_space<semaphore_mem>>)
    %dma_wait3A_954 = arith.constant 4 : i32
    %dma_wait3A_955 = arith.constant 3 : i32
    %dma_wait3A_956 = arith.constant 0 : i32
    %dma_wait3A_957 = arith.constant 0 : i32
    %dma_wait3A_958 = arith.constant 0 : i32
    %dma_wait3A_959 = tpu.memref_slice %arg12[%dma_wait3A_956, %dma_wait3A_957, %dma_wait3A_958] : memref<2x512x16xf32, #tpu.memory_space<vmem>> -> memref<1x512x16xf32, #tpu.memory_space<vmem>>
    %dma_wait3A_960 = tpu.memref_squeeze %dma_wait3A_959 : memref<1x512x16xf32, #tpu.memory_space<vmem>> -> memref<512x16xf32, #tpu.memory_space<vmem>>
    %dma_wait3A_961 = arith.constant 0 : i32
    %dma_wait3A_962 = tpu.memref_slice %arg11[%dma_wait3A_955, %dma_wait3A_961] : memref<4x512xi32, #tpu.memory_space<vmem>> -> memref<1x512xi32, #tpu.memory_space<vmem>>
    %dma_wait3A_963 = tpu.memref_squeeze %dma_wait3A_962 : memref<1x512xi32, #tpu.memory_space<vmem>> -> memref<512xi32, #tpu.memory_space<vmem>>
    %dma_wait3A_964 = arith.constant 0 : i32
    %dma_wait3A_965 = arith.constant 0 : i32
    %dma_wait3A_966 = tpu.memref_slice %arg8[%dma_wait3A_954, %dma_wait3A_964, %dma_wait3A_965] : memref<6x100352x16xf32, #tpu.memory_space<hbm>> -> memref<1x100352x16xf32, #tpu.memory_space<hbm>>
    %dma_wait3A_967 = tpu.memref_squeeze %dma_wait3A_966 : memref<1x100352x16xf32, #tpu.memory_space<hbm>> -> memref<100352x16xf32, #tpu.memory_space<hbm>>
    %dma_wait3A_968 = arith.constant 0 : i32
    %dma_wait3A_969 = arith.constant 0 : i32
    %dma_wait3A_970 = tpu.memref_slice %dma_wait3A_967[%dma_wait3A_968, %dma_wait3A_969] : memref<100352x16xf32, #tpu.memory_space<hbm>> -> memref<100352x16xf32, #tpu.memory_space<hbm>>
    tpu.wait_indirect_dma semaphore(%arg13 : memref<!tpu.dma_semaphore, #tpu.memory_space<semaphore_mem>>) src(%dma_wait3A_970 : memref<100352x16xf32, #tpu.memory_space<hbm>>) dst(%dma_wait3A_960 : memref<512x16xf32, #tpu.memory_space<vmem>>)
    %dma_start3A_971 = arith.constant 0 : i32
    %dma_start3A_972 = arith.constant 14 : i32
    %dma_start3A_973 = arith.constant 0 : i32
    %dma_start3A_974 = arith.constant 0 : i32
    %dma_start3A_975 = tpu.memref_slice %arg12[%dma_start3A_971, %dma_start3A_973, %dma_start3A_974] : memref<2x512x16xf32, #tpu.memory_space<vmem>> -> memref<1x512x16xf32, #tpu.memory_space<vmem>>
    %dma_start3A_976 = tpu.memref_squeeze %dma_start3A_975 : memref<1x512x16xf32, #tpu.memory_space<vmem>> -> memref<512x16xf32, #tpu.memory_space<vmem>>
    %dma_start3A_977 = arith.constant 0 : i32
    %dma_start3A_978 = tpu.memref_slice %arg9[%dma_start3A_972, %mul3A_2, %dma_start3A_977] : memref<16x16384x16xf32, #tpu.memory_space<hbm>> -> memref<1x512x16xf32, #tpu.memory_space<hbm>>
    %dma_start3A_979 = tpu.memref_squeeze %dma_start3A_978 : memref<1x512x16xf32, #tpu.memory_space<hbm>> -> memref<512x16xf32, #tpu.memory_space<hbm>>
    %dma_start3A_980 = arith.constant 0 : i32
    %dma_start3A_981 = tpu.memref_slice %arg9[%dma_start3A_972, %mul3A_2, %dma_start3A_980] : memref<16x16384x16xf32, #tpu.memory_space<hbm>> -> memref<1x512x16xf32, #tpu.memory_space<hbm>>
    %dma_start3A_982 = tpu.memref_squeeze %dma_start3A_981 : memref<1x512x16xf32, #tpu.memory_space<hbm>> -> memref<512x16xf32, #tpu.memory_space<hbm>>
    %dma_start3A_983 = arith.constant 0 : i32
    %dma_start3A_984 = arith.constant 0 : i32
    %dma_start3A_985 = tpu.memref_slice %arg12[%dma_start3A_971, %dma_start3A_983, %dma_start3A_984] : memref<2x512x16xf32, #tpu.memory_space<vmem>> -> memref<1x512x16xf32, #tpu.memory_space<vmem>>
    %dma_start3A_986 = tpu.memref_squeeze %dma_start3A_985 : memref<1x512x16xf32, #tpu.memory_space<vmem>> -> memref<512x16xf32, #tpu.memory_space<vmem>>
    tpu.enqueue_dma source(%dma_start3A_986 : memref<512x16xf32, #tpu.memory_space<vmem>>) target(%dma_start3A_982 : memref<512x16xf32, #tpu.memory_space<hbm>>) target_semaphore(%arg14 : memref<!tpu.dma_semaphore, #tpu.memory_space<semaphore_mem>>)
    %dma_wait3A_987 = arith.constant 0 : i32
    %dma_wait3A_988 = arith.constant 14 : i32
    %dma_wait3A_989 = arith.constant 0 : i32
    %dma_wait3A_990 = arith.constant 0 : i32
    %dma_wait3A_991 = tpu.memref_slice %arg12[%dma_wait3A_987, %dma_wait3A_989, %dma_wait3A_990] : memref<2x512x16xf32, #tpu.memory_space<vmem>> -> memref<1x512x16xf32, #tpu.memory_space<vmem>>
    %dma_wait3A_992 = tpu.memref_squeeze %dma_wait3A_991 : memref<1x512x16xf32, #tpu.memory_space<vmem>> -> memref<512x16xf32, #tpu.memory_space<vmem>>
    %dma_wait3A_993 = arith.constant 0 : i32
    %dma_wait3A_994 = tpu.memref_slice %arg9[%dma_wait3A_988, %mul3A_2, %dma_wait3A_993] : memref<16x16384x16xf32, #tpu.memory_space<hbm>> -> memref<1x512x16xf32, #tpu.memory_space<hbm>>
    %dma_wait3A_995 = tpu.memref_squeeze %dma_wait3A_994 : memref<1x512x16xf32, #tpu.memory_space<hbm>> -> memref<512x16xf32, #tpu.memory_space<hbm>>
    %dma_wait3A_996 = arith.constant 0 : i32
    %dma_wait3A_997 = tpu.memref_slice %arg9[%dma_wait3A_988, %mul3A_2, %dma_wait3A_996] : memref<16x16384x16xf32, #tpu.memory_space<hbm>> -> memref<1x512x16xf32, #tpu.memory_space<hbm>>
    %dma_wait3A_998 = tpu.memref_squeeze %dma_wait3A_997 : memref<1x512x16xf32, #tpu.memory_space<hbm>> -> memref<512x16xf32, #tpu.memory_space<hbm>>
    %dma_wait3A_999 = arith.constant 0 : i32
    %dma_wait3A_1000 = arith.constant 0 : i32
    %dma_wait3A_1001 = tpu.memref_slice %arg12[%dma_wait3A_987, %dma_wait3A_999, %dma_wait3A_1000] : memref<2x512x16xf32, #tpu.memory_space<vmem>> -> memref<1x512x16xf32, #tpu.memory_space<vmem>>
    %dma_wait3A_1002 = tpu.memref_squeeze %dma_wait3A_1001 : memref<1x512x16xf32, #tpu.memory_space<vmem>> -> memref<512x16xf32, #tpu.memory_space<vmem>>
    tpu.wait_dma2 semaphore(%arg14 : memref<!tpu.dma_semaphore, #tpu.memory_space<semaphore_mem>>) src(%dma_wait3A_1002 : memref<512x16xf32, #tpu.memory_space<vmem>>) dst(%dma_wait3A_998 : memref<512x16xf32, #tpu.memory_space<hbm>>)
    %dma_wait3A_1003 = arith.constant 5 : i32
    %dma_wait3A_1004 = arith.constant 3 : i32
    %dma_wait3A_1005 = arith.constant 1 : i32
    %dma_wait3A_1006 = arith.constant 0 : i32
    %dma_wait3A_1007 = arith.constant 0 : i32
    %dma_wait3A_1008 = tpu.memref_slice %arg12[%dma_wait3A_1005, %dma_wait3A_1006, %dma_wait3A_1007] : memref<2x512x16xf32, #tpu.memory_space<vmem>> -> memref<1x512x16xf32, #tpu.memory_space<vmem>>
    %dma_wait3A_1009 = tpu.memref_squeeze %dma_wait3A_1008 : memref<1x512x16xf32, #tpu.memory_space<vmem>> -> memref<512x16xf32, #tpu.memory_space<vmem>>
    %dma_wait3A_1010 = arith.constant 0 : i32
    %dma_wait3A_1011 = tpu.memref_slice %arg11[%dma_wait3A_1004, %dma_wait3A_1010] : memref<4x512xi32, #tpu.memory_space<vmem>> -> memref<1x512xi32, #tpu.memory_space<vmem>>
    %dma_wait3A_1012 = tpu.memref_squeeze %dma_wait3A_1011 : memref<1x512xi32, #tpu.memory_space<vmem>> -> memref<512xi32, #tpu.memory_space<vmem>>
    %dma_wait3A_1013 = arith.constant 0 : i32
    %dma_wait3A_1014 = arith.constant 0 : i32
    %dma_wait3A_1015 = tpu.memref_slice %arg8[%dma_wait3A_1003, %dma_wait3A_1013, %dma_wait3A_1014] : memref<6x100352x16xf32, #tpu.memory_space<hbm>> -> memref<1x100352x16xf32, #tpu.memory_space<hbm>>
    %dma_wait3A_1016 = tpu.memref_squeeze %dma_wait3A_1015 : memref<1x100352x16xf32, #tpu.memory_space<hbm>> -> memref<100352x16xf32, #tpu.memory_space<hbm>>
    %dma_wait3A_1017 = arith.constant 0 : i32
    %dma_wait3A_1018 = arith.constant 0 : i32
    %dma_wait3A_1019 = tpu.memref_slice %dma_wait3A_1016[%dma_wait3A_1017, %dma_wait3A_1018] : memref<100352x16xf32, #tpu.memory_space<hbm>> -> memref<100352x16xf32, #tpu.memory_space<hbm>>
    tpu.wait_indirect_dma semaphore(%arg13 : memref<!tpu.dma_semaphore, #tpu.memory_space<semaphore_mem>>) src(%dma_wait3A_1019 : memref<100352x16xf32, #tpu.memory_space<hbm>>) dst(%dma_wait3A_1009 : memref<512x16xf32, #tpu.memory_space<vmem>>)
    %dma_start3A_1020 = arith.constant 1 : i32
    %dma_start3A_1021 = arith.constant 15 : i32
    %dma_start3A_1022 = arith.constant 0 : i32
    %dma_start3A_1023 = arith.constant 0 : i32
    %dma_start3A_1024 = tpu.memref_slice %arg12[%dma_start3A_1020, %dma_start3A_1022, %dma_start3A_1023] : memref<2x512x16xf32, #tpu.memory_space<vmem>> -> memref<1x512x16xf32, #tpu.memory_space<vmem>>
    %dma_start3A_1025 = tpu.memref_squeeze %dma_start3A_1024 : memref<1x512x16xf32, #tpu.memory_space<vmem>> -> memref<512x16xf32, #tpu.memory_space<vmem>>
    %dma_start3A_1026 = arith.constant 0 : i32
    %dma_start3A_1027 = tpu.memref_slice %arg9[%dma_start3A_1021, %mul3A_2, %dma_start3A_1026] : memref<16x16384x16xf32, #tpu.memory_space<hbm>> -> memref<1x512x16xf32, #tpu.memory_space<hbm>>
    %dma_start3A_1028 = tpu.memref_squeeze %dma_start3A_1027 : memref<1x512x16xf32, #tpu.memory_space<hbm>> -> memref<512x16xf32, #tpu.memory_space<hbm>>
    %dma_start3A_1029 = arith.constant 0 : i32
    %dma_start3A_1030 = tpu.memref_slice %arg9[%dma_start3A_1021, %mul3A_2, %dma_start3A_1029] : memref<16x16384x16xf32, #tpu.memory_space<hbm>> -> memref<1x512x16xf32, #tpu.memory_space<hbm>>
    %dma_start3A_1031 = tpu.memref_squeeze %dma_start3A_1030 : memref<1x512x16xf32, #tpu.memory_space<hbm>> -> memref<512x16xf32, #tpu.memory_space<hbm>>
    %dma_start3A_1032 = arith.constant 0 : i32
    %dma_start3A_1033 = arith.constant 0 : i32
    %dma_start3A_1034 = tpu.memref_slice %arg12[%dma_start3A_1020, %dma_start3A_1032, %dma_start3A_1033] : memref<2x512x16xf32, #tpu.memory_space<vmem>> -> memref<1x512x16xf32, #tpu.memory_space<vmem>>
    %dma_start3A_1035 = tpu.memref_squeeze %dma_start3A_1034 : memref<1x512x16xf32, #tpu.memory_space<vmem>> -> memref<512x16xf32, #tpu.memory_space<vmem>>
    tpu.enqueue_dma source(%dma_start3A_1035 : memref<512x16xf32, #tpu.memory_space<vmem>>) target(%dma_start3A_1031 : memref<512x16xf32, #tpu.memory_space<hbm>>) target_semaphore(%arg14 : memref<!tpu.dma_semaphore, #tpu.memory_space<semaphore_mem>>)
    %dma_wait3A_1036 = arith.constant 1 : i32
    %dma_wait3A_1037 = arith.constant 15 : i32
    %dma_wait3A_1038 = arith.constant 0 : i32
    %dma_wait3A_1039 = arith.constant 0 : i32
    %dma_wait3A_1040 = tpu.memref_slice %arg12[%dma_wait3A_1036, %dma_wait3A_1038, %dma_wait3A_1039] : memref<2x512x16xf32, #tpu.memory_space<vmem>> -> memref<1x512x16xf32, #tpu.memory_space<vmem>>
    %dma_wait3A_1041 = tpu.memref_squeeze %dma_wait3A_1040 : memref<1x512x16xf32, #tpu.memory_space<vmem>> -> memref<512x16xf32, #tpu.memory_space<vmem>>
    %dma_wait3A_1042 = arith.constant 0 : i32
    %dma_wait3A_1043 = tpu.memref_slice %arg9[%dma_wait3A_1037, %mul3A_2, %dma_wait3A_1042] : memref<16x16384x16xf32, #tpu.memory_space<hbm>> -> memref<1x512x16xf32, #tpu.memory_space<hbm>>
    %dma_wait3A_1044 = tpu.memref_squeeze %dma_wait3A_1043 : memref<1x512x16xf32, #tpu.memory_space<hbm>> -> memref<512x16xf32, #tpu.memory_space<hbm>>
    %dma_wait3A_1045 = arith.constant 0 : i32
    %dma_wait3A_1046 = tpu.memref_slice %arg9[%dma_wait3A_1037, %mul3A_2, %dma_wait3A_1045] : memref<16x16384x16xf32, #tpu.memory_space<hbm>> -> memref<1x512x16xf32, #tpu.memory_space<hbm>>
    %dma_wait3A_1047 = tpu.memref_squeeze %dma_wait3A_1046 : memref<1x512x16xf32, #tpu.memory_space<hbm>> -> memref<512x16xf32, #tpu.memory_space<hbm>>
    %dma_wait3A_1048 = arith.constant 0 : i32
    %dma_wait3A_1049 = arith.constant 0 : i32
    %dma_wait3A_1050 = tpu.memref_slice %arg12[%dma_wait3A_1036, %dma_wait3A_1048, %dma_wait3A_1049] : memref<2x512x16xf32, #tpu.memory_space<vmem>> -> memref<1x512x16xf32, #tpu.memory_space<vmem>>
    %dma_wait3A_1051 = tpu.memref_squeeze %dma_wait3A_1050 : memref<1x512x16xf32, #tpu.memory_space<vmem>> -> memref<512x16xf32, #tpu.memory_space<vmem>>
    tpu.wait_dma2 semaphore(%arg14 : memref<!tpu.dma_semaphore, #tpu.memory_space<semaphore_mem>>) src(%dma_wait3A_1051 : memref<512x16xf32, #tpu.memory_space<vmem>>) dst(%dma_wait3A_1047 : memref<512x16xf32, #tpu.memory_space<hbm>>)
    return
  }
}

module attributes {stable_mosaic.version = 14 : i64} {
  func.func @_tr_body(%arg0: i32, %arg1: i32, %arg2: memref<1x16x2048xf32, #tpu.memory_space<vmem>>, %arg3: memref<1x256x128xf32, #tpu.memory_space<vmem>>) attributes {dimension_semantics = [#tpu.dimension_semantics<arbitrary>, #tpu.dimension_semantics<arbitrary>], iteration_bounds = array<i64: 1, 49>, scalar_prefetch = 0 : i64, scratch_operands = 0 : i64, tpu.core_type = #tpu.core_type<tc>, window_params = [{transform_indices = @transform_0, window_bounds = array<i64: 1, 16, 2048>}, {transform_indices = @transform_1, window_bounds = array<i64: 1, 256, 128>}]} {
    %get3A = arith.constant 0 : index
    %get3A_0 = arith.constant 0 : index
    %get3A_1 = arith.constant 0 : index
    %get3A_2 = vector.load %arg2[%get3A, %get3A_0, %get3A_1] : memref<1x16x2048xf32, #tpu.memory_space<vmem>>, vector<1x16x2048xf32>
    %get3A_3 = vector.shape_cast %get3A_2 : vector<1x16x2048xf32> to vector<16x2048xf32>
    %transpose3A = tpu.transpose %get3A_3, [1, 0] : vector<16x2048xf32> -> vector<2048x16xf32>
    %slice3A = vector.extract_strided_slice %transpose3A {offsets = [0, 0], sizes = [256, 16], strides = [1, 1]} : vector<2048x16xf32> to vector<256x16xf32>
    %slice3A_4 = vector.extract_strided_slice %transpose3A {offsets = [256, 0], sizes = [256, 16], strides = [1, 1]} : vector<2048x16xf32> to vector<256x16xf32>
    %slice3A_5 = vector.extract_strided_slice %transpose3A {offsets = [512, 0], sizes = [256, 16], strides = [1, 1]} : vector<2048x16xf32> to vector<256x16xf32>
    %slice3A_6 = vector.extract_strided_slice %transpose3A {offsets = [768, 0], sizes = [256, 16], strides = [1, 1]} : vector<2048x16xf32> to vector<256x16xf32>
    %slice3A_7 = vector.extract_strided_slice %transpose3A {offsets = [1024, 0], sizes = [256, 16], strides = [1, 1]} : vector<2048x16xf32> to vector<256x16xf32>
    %slice3A_8 = vector.extract_strided_slice %transpose3A {offsets = [1280, 0], sizes = [256, 16], strides = [1, 1]} : vector<2048x16xf32> to vector<256x16xf32>
    %slice3A_9 = vector.extract_strided_slice %transpose3A {offsets = [1536, 0], sizes = [256, 16], strides = [1, 1]} : vector<2048x16xf32> to vector<256x16xf32>
    %slice3A_10 = vector.extract_strided_slice %transpose3A {offsets = [1792, 0], sizes = [256, 16], strides = [1, 1]} : vector<2048x16xf32> to vector<256x16xf32>
    %concatenate3A = tpu.concatenate %slice3A, %slice3A_4, %slice3A_5, %slice3A_6, %slice3A_7, %slice3A_8, %slice3A_9, %slice3A_10 in 1 : vector<256x16xf32>, vector<256x16xf32>, vector<256x16xf32>, vector<256x16xf32>, vector<256x16xf32>, vector<256x16xf32>, vector<256x16xf32>, vector<256x16xf32> -> vector<256x128xf32>
    %swap3A = arith.constant 0 : index
    %swap3A_11 = arith.constant 0 : index
    %swap3A_12 = arith.constant 0 : index
    %swap3A_13 = vector.load %arg3[%swap3A, %swap3A_11, %swap3A_12] : memref<1x256x128xf32, #tpu.memory_space<vmem>>, vector<1x256x128xf32>
    %swap3A_14 = vector.shape_cast %swap3A_13 : vector<1x256x128xf32> to vector<256x128xf32>
    %swap3A_15 = vector.shape_cast %concatenate3A : vector<256x128xf32> to vector<1x256x128xf32>
    tpu.vector_store %arg3[%swap3A, %swap3A_11, %swap3A_12], %swap3A_15 {strides = array<i32>} : memref<1x256x128xf32, #tpu.memory_space<vmem>>, vector<1x256x128xf32>,
    return
  }
  func.func @transform_0(%arg0: i32, %arg1: i32) -> (i32, i32, i32) {
    %c0_i32 = arith.constant 0 : i32
    %c0_i32_0 = arith.constant 0 : i32
    return %arg0, %c0_i32, %arg1 : i32, i32, i32
  }
  func.func @transform_1(%arg0: i32, %arg1: i32) -> (i32, i32, i32) {
    %c0_i32 = arith.constant 0 : i32
    %c0_i32_0 = arith.constant 0 : i32
    return %arg0, %arg1, %c0_i32 : i32, i32, i32
  }
}

module attributes {stable_mosaic.version = 14 : i64} {
  func.func @_tr_body(%arg0: i32, %arg1: i32, %arg2: memref<1x16x2048xf32, #tpu.memory_space<vmem>>, %arg3: memref<1x256x128xf32, #tpu.memory_space<vmem>>) attributes {dimension_semantics = [#tpu.dimension_semantics<arbitrary>, #tpu.dimension_semantics<arbitrary>], iteration_bounds = array<i64: 6, 49>, scalar_prefetch = 0 : i64, scratch_operands = 0 : i64, tpu.core_type = #tpu.core_type<tc>, window_params = [{transform_indices = @transform_0, window_bounds = array<i64: 1, 16, 2048>}, {transform_indices = @transform_1, window_bounds = array<i64: 1, 256, 128>}]} {
    %get3A = arith.constant 0 : index
    %get3A_0 = arith.constant 0 : index
    %get3A_1 = arith.constant 0 : index
    %get3A_2 = vector.load %arg2[%get3A, %get3A_0, %get3A_1] : memref<1x16x2048xf32, #tpu.memory_space<vmem>>, vector<1x16x2048xf32>
    %get3A_3 = vector.shape_cast %get3A_2 : vector<1x16x2048xf32> to vector<16x2048xf32>
    %transpose3A = tpu.transpose %get3A_3, [1, 0] : vector<16x2048xf32> -> vector<2048x16xf32>
    %slice3A = vector.extract_strided_slice %transpose3A {offsets = [0, 0], sizes = [256, 16], strides = [1, 1]} : vector<2048x16xf32> to vector<256x16xf32>
    %slice3A_4 = vector.extract_strided_slice %transpose3A {offsets = [256, 0], sizes = [256, 16], strides = [1, 1]} : vector<2048x16xf32> to vector<256x16xf32>
    %slice3A_5 = vector.extract_strided_slice %transpose3A {offsets = [512, 0], sizes = [256, 16], strides = [1, 1]} : vector<2048x16xf32> to vector<256x16xf32>
    %slice3A_6 = vector.extract_strided_slice %transpose3A {offsets = [768, 0], sizes = [256, 16], strides = [1, 1]} : vector<2048x16xf32> to vector<256x16xf32>
    %slice3A_7 = vector.extract_strided_slice %transpose3A {offsets = [1024, 0], sizes = [256, 16], strides = [1, 1]} : vector<2048x16xf32> to vector<256x16xf32>
    %slice3A_8 = vector.extract_strided_slice %transpose3A {offsets = [1280, 0], sizes = [256, 16], strides = [1, 1]} : vector<2048x16xf32> to vector<256x16xf32>
    %slice3A_9 = vector.extract_strided_slice %transpose3A {offsets = [1536, 0], sizes = [256, 16], strides = [1, 1]} : vector<2048x16xf32> to vector<256x16xf32>
    %slice3A_10 = vector.extract_strided_slice %transpose3A {offsets = [1792, 0], sizes = [256, 16], strides = [1, 1]} : vector<2048x16xf32> to vector<256x16xf32>
    %concatenate3A = tpu.concatenate %slice3A, %slice3A_4, %slice3A_5, %slice3A_6, %slice3A_7, %slice3A_8, %slice3A_9, %slice3A_10 in 1 : vector<256x16xf32>, vector<256x16xf32>, vector<256x16xf32>, vector<256x16xf32>, vector<256x16xf32>, vector<256x16xf32>, vector<256x16xf32>, vector<256x16xf32> -> vector<256x128xf32>
    %swap3A = arith.constant 0 : index
    %swap3A_11 = arith.constant 0 : index
    %swap3A_12 = arith.constant 0 : index
    %swap3A_13 = vector.load %arg3[%swap3A, %swap3A_11, %swap3A_12] : memref<1x256x128xf32, #tpu.memory_space<vmem>>, vector<1x256x128xf32>
    %swap3A_14 = vector.shape_cast %swap3A_13 : vector<1x256x128xf32> to vector<256x128xf32>
    %swap3A_15 = vector.shape_cast %concatenate3A : vector<256x128xf32> to vector<1x256x128xf32>
    tpu.vector_store %arg3[%swap3A, %swap3A_11, %swap3A_12], %swap3A_15 {strides = array<i32>} : memref<1x256x128xf32, #tpu.memory_space<vmem>>, vector<1x256x128xf32>,
    return
  }
  func.func @transform_0(%arg0: i32, %arg1: i32) -> (i32, i32, i32) {
    %c0_i32 = arith.constant 0 : i32
    %c0_i32_0 = arith.constant 0 : i32
    return %arg0, %c0_i32, %arg1 : i32, i32, i32
  }
  func.func @transform_1(%arg0: i32, %arg1: i32) -> (i32, i32, i32) {
    %c0_i32 = arith.constant 0 : i32
    %c0_i32_0 = arith.constant 0 : i32
    return %arg0, %arg1, %c0_i32 : i32, i32, i32
  }
}

module attributes {stable_mosaic.version = 14 : i64} {
  func.func @_mlp_body(%arg0: i32, %arg1: memref<16x256x128xf32, #tpu.memory_space<vmem>>, %arg2: memref<10x128x320xf32, #tpu.memory_space<vmem>>, %arg3: memref<320x320xf32, #tpu.memory_space<vmem>>, %arg4: memref<1x320xf32, #tpu.memory_space<vmem>>, %arg5: memref<1x320xf32, #tpu.memory_space<vmem>>, %arg6: memref<1x320xf32, #tpu.memory_space<vmem>>, %arg7: memref<1x320xf32, #tpu.memory_space<vmem>>, %arg8: memref<320x160xf32, #tpu.memory_space<vmem>>, %arg9: memref<160x160xf32, #tpu.memory_space<vmem>>, %arg10: memref<1x160xf32, #tpu.memory_space<vmem>>, %arg11: memref<1x160xf32, #tpu.memory_space<vmem>>, %arg12: memref<1x160xf32, #tpu.memory_space<vmem>>, %arg13: memref<1x160xf32, #tpu.memory_space<vmem>>, %arg14: memref<160x8xf32, #tpu.memory_space<vmem>>, %arg15: memref<1x1xf32, #tpu.memory_space<vmem>>, %arg16: memref<256x8xf32, #tpu.memory_space<vmem>>) attributes {dimension_semantics = [#tpu.dimension_semantics<arbitrary>], iteration_bounds = array<i64: 8>, scalar_prefetch = 0 : i64, scratch_operands = 0 : i64, tpu.core_type = #tpu.core_type<tc>, window_params = [{transform_indices = @transform_0, window_bounds = array<i64: 16, 256, 128>}, {pipeline_mode = #tpu.pipeline_mode<synchronous>, transform_indices = @transform_1, window_bounds = array<i64: 10, 128, 320>}, {pipeline_mode = #tpu.pipeline_mode<synchronous>, transform_indices = @transform_2, window_bounds = array<i64: 320, 320>}, {pipeline_mode = #tpu.pipeline_mode<synchronous>, transform_indices = @transform_3, window_bounds = array<i64: 1, 320>}, {pipeline_mode = #tpu.pipeline_mode<synchronous>, transform_indices = @transform_4, window_bounds = array<i64: 1, 320>}, {pipeline_mode = #tpu.pipeline_mode<synchronous>, transform_indices = @transform_5, window_bounds = array<i64: 1, 320>}, {pipeline_mode = #tpu.pipeline_mode<synchronous>, transform_indices = @transform_6, window_bounds = array<i64: 1, 320>}, {pipeline_mode = #tpu.pipeline_mode<synchronous>, transform_indices = @transform_7, window_bounds = array<i64: 320, 160>}, {pipeline_mode = #tpu.pipeline_mode<synchronous>, transform_indices = @transform_8, window_bounds = array<i64: 160, 160>}, {pipeline_mode = #tpu.pipeline_mode<synchronous>, transform_indices = @transform_9, window_bounds = array<i64: 1, 160>}, {pipeline_mode = #tpu.pipeline_mode<synchronous>, transform_indices = @transform_10, window_bounds = array<i64: 1, 160>}, {pipeline_mode = #tpu.pipeline_mode<synchronous>, transform_indices = @transform_11, window_bounds = array<i64: 1, 160>}, {pipeline_mode = #tpu.pipeline_mode<synchronous>, transform_indices = @transform_12, window_bounds = array<i64: 1, 160>}, {pipeline_mode = #tpu.pipeline_mode<synchronous>, transform_indices = @transform_13, window_bounds = array<i64: 160, 8>}, {pipeline_mode = #tpu.pipeline_mode<synchronous>, transform_indices = @transform_14, window_bounds = array<i64: 1, 1>}, {transform_indices = @transform_15, window_bounds = array<i64: 256, 8>}]} {
    %broadcast_in_dim3A = arith.constant 0.000000e+00 : f32
    %broadcast_in_dim3A_0 = vector.broadcast %broadcast_in_dim3A : f32 to vector<256x320xf32>
    %get3A = arith.constant 0 : index
    %get3A_1 = arith.constant 0 : index
    %get3A_2 = arith.constant 0 : index
    %get3A_3 = vector.load %arg1[%get3A, %get3A_1, %get3A_2] : memref<16x256x128xf32, #tpu.memory_space<vmem>>, vector<1x256x128xf32>
    %get3A_4 = vector.shape_cast %get3A_3 : vector<1x256x128xf32> to vector<256x128xf32>
    %get3A_5 = arith.constant 0 : index
    %get3A_6 = arith.constant 0 : index
    %get3A_7 = arith.constant 0 : index
    %get3A_8 = vector.load %arg2[%get3A_5, %get3A_6, %get3A_7] : memref<10x128x320xf32, #tpu.memory_space<vmem>>, vector<1x128x320xf32>
    %get3A_9 = vector.shape_cast %get3A_8 : vector<1x128x320xf32> to vector<128x320xf32>
    %dot_general3A = arith.constant dense<0.000000e+00> : vector<256x320xf32>
    %dot_general3A_10 = tpu.matmul %get3A_4, %get3A_9, %dot_general3A {dimension_numbers = #tpu.dot_dimension_numbers<[1], [0], [0], [1], [0, 0, 1, 1], [], []>, precision = #tpu.contract_precision<fp32>, transpose_lhs_hint = false} : vector<256x128xf32>, vector<128x320xf32>, vector<256x320xf32> -> vector<256x320xf32>
    %add3A = arith.addf %broadcast_in_dim3A_0, %dot_general3A_10 : vector<256x320xf32>
    %get3A_11 = arith.constant 1 : index
    %get3A_12 = arith.constant 0 : index
    %get3A_13 = arith.constant 0 : index
    %get3A_14 = vector.load %arg1[%get3A_11, %get3A_12, %get3A_13] : memref<16x256x128xf32, #tpu.memory_space<vmem>>, vector<1x256x128xf32>
    %get3A_15 = vector.shape_cast %get3A_14 : vector<1x256x128xf32> to vector<256x128xf32>
    %get3A_16 = arith.constant 1 : index
    %get3A_17 = arith.constant 0 : index
    %get3A_18 = arith.constant 0 : index
    %get3A_19 = vector.load %arg2[%get3A_16, %get3A_17, %get3A_18] : memref<10x128x320xf32, #tpu.memory_space<vmem>>, vector<1x128x320xf32>
    %get3A_20 = vector.shape_cast %get3A_19 : vector<1x128x320xf32> to vector<128x320xf32>
    %dot_general3A_21 = arith.constant dense<0.000000e+00> : vector<256x320xf32>
    %dot_general3A_22 = tpu.matmul %get3A_15, %get3A_20, %dot_general3A_21 {dimension_numbers = #tpu.dot_dimension_numbers<[1], [0], [0], [1], [0, 0, 1, 1], [], []>, precision = #tpu.contract_precision<fp32>, transpose_lhs_hint = false} : vector<256x128xf32>, vector<128x320xf32>, vector<256x320xf32> -> vector<256x320xf32>
    %add3A_23 = arith.addf %add3A, %dot_general3A_22 : vector<256x320xf32>
    %get3A_24 = arith.constant 2 : index
    %get3A_25 = arith.constant 0 : index
    %get3A_26 = arith.constant 0 : index
    %get3A_27 = vector.load %arg1[%get3A_24, %get3A_25, %get3A_26] : memref<16x256x128xf32, #tpu.memory_space<vmem>>, vector<1x256x128xf32>
    %get3A_28 = vector.shape_cast %get3A_27 : vector<1x256x128xf32> to vector<256x128xf32>
    %get3A_29 = arith.constant 2 : index
    %get3A_30 = arith.constant 0 : index
    %get3A_31 = arith.constant 0 : index
    %get3A_32 = vector.load %arg2[%get3A_29, %get3A_30, %get3A_31] : memref<10x128x320xf32, #tpu.memory_space<vmem>>, vector<1x128x320xf32>
    %get3A_33 = vector.shape_cast %get3A_32 : vector<1x128x320xf32> to vector<128x320xf32>
    %dot_general3A_34 = arith.constant dense<0.000000e+00> : vector<256x320xf32>
    %dot_general3A_35 = tpu.matmul %get3A_28, %get3A_33, %dot_general3A_34 {dimension_numbers = #tpu.dot_dimension_numbers<[1], [0], [0], [1], [0, 0, 1, 1], [], []>, precision = #tpu.contract_precision<fp32>, transpose_lhs_hint = false} : vector<256x128xf32>, vector<128x320xf32>, vector<256x320xf32> -> vector<256x320xf32>
    %add3A_36 = arith.addf %add3A_23, %dot_general3A_35 : vector<256x320xf32>
    %get3A_37 = arith.constant 3 : index
    %get3A_38 = arith.constant 0 : index
    %get3A_39 = arith.constant 0 : index
    %get3A_40 = vector.load %arg1[%get3A_37, %get3A_38, %get3A_39] : memref<16x256x128xf32, #tpu.memory_space<vmem>>, vector<1x256x128xf32>
    %get3A_41 = vector.shape_cast %get3A_40 : vector<1x256x128xf32> to vector<256x128xf32>
    %get3A_42 = arith.constant 3 : index
    %get3A_43 = arith.constant 0 : index
    %get3A_44 = arith.constant 0 : index
    %get3A_45 = vector.load %arg2[%get3A_42, %get3A_43, %get3A_44] : memref<10x128x320xf32, #tpu.memory_space<vmem>>, vector<1x128x320xf32>
    %get3A_46 = vector.shape_cast %get3A_45 : vector<1x128x320xf32> to vector<128x320xf32>
    %dot_general3A_47 = arith.constant dense<0.000000e+00> : vector<256x320xf32>
    %dot_general3A_48 = tpu.matmul %get3A_41, %get3A_46, %dot_general3A_47 {dimension_numbers = #tpu.dot_dimension_numbers<[1], [0], [0], [1], [0, 0, 1, 1], [], []>, precision = #tpu.contract_precision<fp32>, transpose_lhs_hint = false} : vector<256x128xf32>, vector<128x320xf32>, vector<256x320xf32> -> vector<256x320xf32>
    %add3A_49 = arith.addf %add3A_36, %dot_general3A_48 : vector<256x320xf32>
    %get3A_50 = arith.constant 4 : index
    %get3A_51 = arith.constant 0 : index
    %get3A_52 = arith.constant 0 : index
    %get3A_53 = vector.load %arg1[%get3A_50, %get3A_51, %get3A_52] : memref<16x256x128xf32, #tpu.memory_space<vmem>>, vector<1x256x128xf32>
    %get3A_54 = vector.shape_cast %get3A_53 : vector<1x256x128xf32> to vector<256x128xf32>
    %get3A_55 = arith.constant 10 : index
    %get3A_56 = arith.constant 0 : index
    %get3A_57 = arith.constant 0 : index
    %get3A_58 = vector.load %arg1[%get3A_55, %get3A_56, %get3A_57] : memref<16x256x128xf32, #tpu.memory_space<vmem>>, vector<1x256x128xf32>
    %get3A_59 = vector.shape_cast %get3A_58 : vector<1x256x128xf32> to vector<256x128xf32>
    %mul3A = arith.mulf %get3A_54, %get3A_59 : vector<256x128xf32>
    %get3A_60 = arith.constant 4 : index
    %get3A_61 = arith.constant 0 : index
    %get3A_62 = arith.constant 0 : index
    %get3A_63 = vector.load %arg2[%get3A_60, %get3A_61, %get3A_62] : memref<10x128x320xf32, #tpu.memory_space<vmem>>, vector<1x128x320xf32>
    %get3A_64 = vector.shape_cast %get3A_63 : vector<1x128x320xf32> to vector<128x320xf32>
    %dot_general3A_65 = arith.constant dense<0.000000e+00> : vector<256x320xf32>
    %dot_general3A_66 = tpu.matmul %mul3A, %get3A_64, %dot_general3A_65 {dimension_numbers = #tpu.dot_dimension_numbers<[1], [0], [0], [1], [0, 0, 1, 1], [], []>, precision = #tpu.contract_precision<fp32>, transpose_lhs_hint = false} : vector<256x128xf32>, vector<128x320xf32>, vector<256x320xf32> -> vector<256x320xf32>
    %add3A_67 = arith.addf %add3A_49, %dot_general3A_66 : vector<256x320xf32>
    %get3A_68 = arith.constant 5 : index
    %get3A_69 = arith.constant 0 : index
    %get3A_70 = arith.constant 0 : index
    %get3A_71 = vector.load %arg1[%get3A_68, %get3A_69, %get3A_70] : memref<16x256x128xf32, #tpu.memory_space<vmem>>, vector<1x256x128xf32>
    %get3A_72 = vector.shape_cast %get3A_71 : vector<1x256x128xf32> to vector<256x128xf32>
    %get3A_73 = arith.constant 11 : index
    %get3A_74 = arith.constant 0 : index
    %get3A_75 = arith.constant 0 : index
    %get3A_76 = vector.load %arg1[%get3A_73, %get3A_74, %get3A_75] : memref<16x256x128xf32, #tpu.memory_space<vmem>>, vector<1x256x128xf32>
    %get3A_77 = vector.shape_cast %get3A_76 : vector<1x256x128xf32> to vector<256x128xf32>
    %mul3A_78 = arith.mulf %get3A_72, %get3A_77 : vector<256x128xf32>
    %get3A_79 = arith.constant 5 : index
    %get3A_80 = arith.constant 0 : index
    %get3A_81 = arith.constant 0 : index
    %get3A_82 = vector.load %arg2[%get3A_79, %get3A_80, %get3A_81] : memref<10x128x320xf32, #tpu.memory_space<vmem>>, vector<1x128x320xf32>
    %get3A_83 = vector.shape_cast %get3A_82 : vector<1x128x320xf32> to vector<128x320xf32>
    %dot_general3A_84 = arith.constant dense<0.000000e+00> : vector<256x320xf32>
    %dot_general3A_85 = tpu.matmul %mul3A_78, %get3A_83, %dot_general3A_84 {dimension_numbers = #tpu.dot_dimension_numbers<[1], [0], [0], [1], [0, 0, 1, 1], [], []>, precision = #tpu.contract_precision<fp32>, transpose_lhs_hint = false} : vector<256x128xf32>, vector<128x320xf32>, vector<256x320xf32> -> vector<256x320xf32>
    %add3A_86 = arith.addf %add3A_67, %dot_general3A_85 : vector<256x320xf32>
    %get3A_87 = arith.constant 6 : index
    %get3A_88 = arith.constant 0 : index
    %get3A_89 = arith.constant 0 : index
    %get3A_90 = vector.load %arg1[%get3A_87, %get3A_88, %get3A_89] : memref<16x256x128xf32, #tpu.memory_space<vmem>>, vector<1x256x128xf32>
    %get3A_91 = vector.shape_cast %get3A_90 : vector<1x256x128xf32> to vector<256x128xf32>
    %get3A_92 = arith.constant 12 : index
    %get3A_93 = arith.constant 0 : index
    %get3A_94 = arith.constant 0 : index
    %get3A_95 = vector.load %arg1[%get3A_92, %get3A_93, %get3A_94] : memref<16x256x128xf32, #tpu.memory_space<vmem>>, vector<1x256x128xf32>
    %get3A_96 = vector.shape_cast %get3A_95 : vector<1x256x128xf32> to vector<256x128xf32>
    %mul3A_97 = arith.mulf %get3A_91, %get3A_96 : vector<256x128xf32>
    %get3A_98 = arith.constant 6 : index
    %get3A_99 = arith.constant 0 : index
    %get3A_100 = arith.constant 0 : index
    %get3A_101 = vector.load %arg2[%get3A_98, %get3A_99, %get3A_100] : memref<10x128x320xf32, #tpu.memory_space<vmem>>, vector<1x128x320xf32>
    %get3A_102 = vector.shape_cast %get3A_101 : vector<1x128x320xf32> to vector<128x320xf32>
    %dot_general3A_103 = arith.constant dense<0.000000e+00> : vector<256x320xf32>
    %dot_general3A_104 = tpu.matmul %mul3A_97, %get3A_102, %dot_general3A_103 {dimension_numbers = #tpu.dot_dimension_numbers<[1], [0], [0], [1], [0, 0, 1, 1], [], []>, precision = #tpu.contract_precision<fp32>, transpose_lhs_hint = false} : vector<256x128xf32>, vector<128x320xf32>, vector<256x320xf32> -> vector<256x320xf32>
    %add3A_105 = arith.addf %add3A_86, %dot_general3A_104 : vector<256x320xf32>
    %get3A_106 = arith.constant 7 : index
    %get3A_107 = arith.constant 0 : index
    %get3A_108 = arith.constant 0 : index
    %get3A_109 = vector.load %arg1[%get3A_106, %get3A_107, %get3A_108] : memref<16x256x128xf32, #tpu.memory_space<vmem>>, vector<1x256x128xf32>
    %get3A_110 = vector.shape_cast %get3A_109 : vector<1x256x128xf32> to vector<256x128xf32>
    %get3A_111 = arith.constant 13 : index
    %get3A_112 = arith.constant 0 : index
    %get3A_113 = arith.constant 0 : index
    %get3A_114 = vector.load %arg1[%get3A_111, %get3A_112, %get3A_113] : memref<16x256x128xf32, #tpu.memory_space<vmem>>, vector<1x256x128xf32>
    %get3A_115 = vector.shape_cast %get3A_114 : vector<1x256x128xf32> to vector<256x128xf32>
    %mul3A_116 = arith.mulf %get3A_110, %get3A_115 : vector<256x128xf32>
    %get3A_117 = arith.constant 7 : index
    %get3A_118 = arith.constant 0 : index
    %get3A_119 = arith.constant 0 : index
    %get3A_120 = vector.load %arg2[%get3A_117, %get3A_118, %get3A_119] : memref<10x128x320xf32, #tpu.memory_space<vmem>>, vector<1x128x320xf32>
    %get3A_121 = vector.shape_cast %get3A_120 : vector<1x128x320xf32> to vector<128x320xf32>
    %dot_general3A_122 = arith.constant dense<0.000000e+00> : vector<256x320xf32>
    %dot_general3A_123 = tpu.matmul %mul3A_116, %get3A_121, %dot_general3A_122 {dimension_numbers = #tpu.dot_dimension_numbers<[1], [0], [0], [1], [0, 0, 1, 1], [], []>, precision = #tpu.contract_precision<fp32>, transpose_lhs_hint = false} : vector<256x128xf32>, vector<128x320xf32>, vector<256x320xf32> -> vector<256x320xf32>
    %add3A_124 = arith.addf %add3A_105, %dot_general3A_123 : vector<256x320xf32>
    %get3A_125 = arith.constant 8 : index
    %get3A_126 = arith.constant 0 : index
    %get3A_127 = arith.constant 0 : index
    %get3A_128 = vector.load %arg1[%get3A_125, %get3A_126, %get3A_127] : memref<16x256x128xf32, #tpu.memory_space<vmem>>, vector<1x256x128xf32>
    %get3A_129 = vector.shape_cast %get3A_128 : vector<1x256x128xf32> to vector<256x128xf32>
    %get3A_130 = arith.constant 14 : index
    %get3A_131 = arith.constant 0 : index
    %get3A_132 = arith.constant 0 : index
    %get3A_133 = vector.load %arg1[%get3A_130, %get3A_131, %get3A_132] : memref<16x256x128xf32, #tpu.memory_space<vmem>>, vector<1x256x128xf32>
    %get3A_134 = vector.shape_cast %get3A_133 : vector<1x256x128xf32> to vector<256x128xf32>
    %mul3A_135 = arith.mulf %get3A_129, %get3A_134 : vector<256x128xf32>
    %get3A_136 = arith.constant 8 : index
    %get3A_137 = arith.constant 0 : index
    %get3A_138 = arith.constant 0 : index
    %get3A_139 = vector.load %arg2[%get3A_136, %get3A_137, %get3A_138] : memref<10x128x320xf32, #tpu.memory_space<vmem>>, vector<1x128x320xf32>
    %get3A_140 = vector.shape_cast %get3A_139 : vector<1x128x320xf32> to vector<128x320xf32>
    %dot_general3A_141 = arith.constant dense<0.000000e+00> : vector<256x320xf32>
    %dot_general3A_142 = tpu.matmul %mul3A_135, %get3A_140, %dot_general3A_141 {dimension_numbers = #tpu.dot_dimension_numbers<[1], [0], [0], [1], [0, 0, 1, 1], [], []>, precision = #tpu.contract_precision<fp32>, transpose_lhs_hint = false} : vector<256x128xf32>, vector<128x320xf32>, vector<256x320xf32> -> vector<256x320xf32>
    %add3A_143 = arith.addf %add3A_124, %dot_general3A_142 : vector<256x320xf32>
    %get3A_144 = arith.constant 9 : index
    %get3A_145 = arith.constant 0 : index
    %get3A_146 = arith.constant 0 : index
    %get3A_147 = vector.load %arg1[%get3A_144, %get3A_145, %get3A_146] : memref<16x256x128xf32, #tpu.memory_space<vmem>>, vector<1x256x128xf32>
    %get3A_148 = vector.shape_cast %get3A_147 : vector<1x256x128xf32> to vector<256x128xf32>
    %get3A_149 = arith.constant 15 : index
    %get3A_150 = arith.constant 0 : index
    %get3A_151 = arith.constant 0 : index
    %get3A_152 = vector.load %arg1[%get3A_149, %get3A_150, %get3A_151] : memref<16x256x128xf32, #tpu.memory_space<vmem>>, vector<1x256x128xf32>
    %get3A_153 = vector.shape_cast %get3A_152 : vector<1x256x128xf32> to vector<256x128xf32>
    %mul3A_154 = arith.mulf %get3A_148, %get3A_153 : vector<256x128xf32>
    %get3A_155 = arith.constant 9 : index
    %get3A_156 = arith.constant 0 : index
    %get3A_157 = arith.constant 0 : index
    %get3A_158 = vector.load %arg2[%get3A_155, %get3A_156, %get3A_157] : memref<10x128x320xf32, #tpu.memory_space<vmem>>, vector<1x128x320xf32>
    %get3A_159 = vector.shape_cast %get3A_158 : vector<1x128x320xf32> to vector<128x320xf32>
    %dot_general3A_160 = arith.constant dense<0.000000e+00> : vector<256x320xf32>
    %dot_general3A_161 = tpu.matmul %mul3A_154, %get3A_159, %dot_general3A_160 {dimension_numbers = #tpu.dot_dimension_numbers<[1], [0], [0], [1], [0, 0, 1, 1], [], []>, precision = #tpu.contract_precision<fp32>, transpose_lhs_hint = false} : vector<256x128xf32>, vector<128x320xf32>, vector<256x320xf32> -> vector<256x320xf32>
    %add3A_162 = arith.addf %add3A_143, %dot_general3A_161 : vector<256x320xf32>
    %get3A_163 = arith.constant 0 : index
    %get3A_164 = arith.constant 0 : index
    %get3A_165 = vector.load %arg4[%get3A_163, %get3A_164] : memref<1x320xf32, #tpu.memory_space<vmem>>, vector<1x320xf32>
    %add3A_166 = vector.broadcast %get3A_165 : vector<1x320xf32> to vector<256x320xf32>
    %add3A_167 = arith.addf %add3A_162, %add3A_166 : vector<256x320xf32>
    %get3A_168 = arith.constant 0 : index
    %get3A_169 = arith.constant 0 : index
    %get3A_170 = vector.load %arg3[%get3A_168, %get3A_169] : memref<320x320xf32, #tpu.memory_space<vmem>>, vector<320x320xf32>
    %dot_general3A_171 = arith.constant dense<0.000000e+00> : vector<256x320xf32>
    %dot_general3A_172 = tpu.matmul %add3A_167, %get3A_170, %dot_general3A_171 {dimension_numbers = #tpu.dot_dimension_numbers<[1], [0], [0], [1], [0, 0, 1, 1], [], []>, precision = #tpu.contract_precision<fp32>, transpose_lhs_hint = false} : vector<256x320xf32>, vector<320x320xf32>, vector<256x320xf32> -> vector<256x320xf32>
    %sub3A = arith.subf %add3A_167, %dot_general3A_172 : vector<256x320xf32>
    %mul3A_173 = arith.mulf %sub3A, %sub3A : vector<256x320xf32>
    %get3A_174 = arith.constant 0 : index
    %get3A_175 = arith.constant 0 : index
    %get3A_176 = vector.load %arg3[%get3A_174, %get3A_175] : memref<320x320xf32, #tpu.memory_space<vmem>>, vector<320x320xf32>
    %dot_general3A_177 = arith.constant dense<0.000000e+00> : vector<256x320xf32>
    %dot_general3A_178 = tpu.matmul %mul3A_173, %get3A_176, %dot_general3A_177 {dimension_numbers = #tpu.dot_dimension_numbers<[1], [0], [0], [1], [0, 0, 1, 1], [], []>, precision = #tpu.contract_precision<fp32>, transpose_lhs_hint = false} : vector<256x320xf32>, vector<320x320xf32>, vector<256x320xf32> -> vector<256x320xf32>
    %add3A_179 = arith.constant 1.000000e-03 : f32
    %add3A_180 = vector.broadcast %add3A_179 : f32 to vector<256x320xf32>
    %add3A_181 = arith.addf %dot_general3A_178, %add3A_180 : vector<256x320xf32>
    %rsqrt3A = math.rsqrt %add3A_181 : vector<256x320xf32>
    %mul3A_182 = arith.mulf %sub3A, %rsqrt3A : vector<256x320xf32>
    %get3A_183 = arith.constant 0 : index
    %get3A_184 = arith.constant 0 : index
    %get3A_185 = vector.load %arg5[%get3A_183, %get3A_184] : memref<1x320xf32, #tpu.memory_space<vmem>>, vector<1x320xf32>
    %mul3A_186 = vector.broadcast %get3A_185 : vector<1x320xf32> to vector<256x320xf32>
    %mul3A_187 = arith.mulf %mul3A_182, %mul3A_186 : vector<256x320xf32>
    %get3A_188 = arith.constant 0 : index
    %get3A_189 = arith.constant 0 : index
    %get3A_190 = vector.load %arg6[%get3A_188, %get3A_189] : memref<1x320xf32, #tpu.memory_space<vmem>>, vector<1x320xf32>
    %add3A_191 = vector.broadcast %get3A_190 : vector<1x320xf32> to vector<256x320xf32>
    %add3A_192 = arith.addf %mul3A_187, %add3A_191 : vector<256x320xf32>
    %ge3A = arith.constant 0.000000e+00 : f32
    %ge3A_193 = vector.broadcast %ge3A : f32 to vector<256x320xf32>
    %ge3A_194 = arith.cmpf oge, %add3A_192, %ge3A_193 : vector<256x320xf32>
    %get3A_195 = arith.constant 0 : index
    %get3A_196 = arith.constant 0 : index
    %get3A_197 = vector.load %arg7[%get3A_195, %get3A_196] : memref<1x320xf32, #tpu.memory_space<vmem>>, vector<1x320xf32>
    %mul3A_198 = vector.broadcast %get3A_197 : vector<1x320xf32> to vector<256x320xf32>
    %mul3A_199 = arith.mulf %mul3A_198, %add3A_192 : vector<256x320xf32>
    %select_n3A = arith.select %ge3A_194, %add3A_192, %mul3A_199 : vector<256x320xi1>, vector<256x320xf32>
    %get3A_200 = arith.constant 0 : index
    %get3A_201 = arith.constant 0 : index
    %get3A_202 = vector.load %arg8[%get3A_200, %get3A_201] : memref<320x160xf32, #tpu.memory_space<vmem>>, vector<320x160xf32>
    %dot_general3A_203 = arith.constant dense<0.000000e+00> : vector<256x160xf32>
    %dot_general3A_204 = tpu.matmul %select_n3A, %get3A_202, %dot_general3A_203 {dimension_numbers = #tpu.dot_dimension_numbers<[1], [0], [0], [1], [0, 0, 1, 1], [], []>, precision = #tpu.contract_precision<fp32>, transpose_lhs_hint = false} : vector<256x320xf32>, vector<320x160xf32>, vector<256x160xf32> -> vector<256x160xf32>
    %get3A_205 = arith.constant 0 : index
    %get3A_206 = arith.constant 0 : index
    %get3A_207 = vector.load %arg10[%get3A_205, %get3A_206] : memref<1x160xf32, #tpu.memory_space<vmem>>, vector<1x160xf32>
    %add3A_208 = vector.broadcast %get3A_207 : vector<1x160xf32> to vector<256x160xf32>
    %add3A_209 = arith.addf %dot_general3A_204, %add3A_208 : vector<256x160xf32>
    %get3A_210 = arith.constant 0 : index
    %get3A_211 = arith.constant 0 : index
    %get3A_212 = vector.load %arg9[%get3A_210, %get3A_211] : memref<160x160xf32, #tpu.memory_space<vmem>>, vector<160x160xf32>
    %dot_general3A_213 = arith.constant dense<0.000000e+00> : vector<256x160xf32>
    %dot_general3A_214 = tpu.matmul %add3A_209, %get3A_212, %dot_general3A_213 {dimension_numbers = #tpu.dot_dimension_numbers<[1], [0], [0], [1], [0, 0, 1, 1], [], []>, precision = #tpu.contract_precision<fp32>, transpose_lhs_hint = false} : vector<256x160xf32>, vector<160x160xf32>, vector<256x160xf32> -> vector<256x160xf32>
    %sub3A_215 = arith.subf %add3A_209, %dot_general3A_214 : vector<256x160xf32>
    %mul3A_216 = arith.mulf %sub3A_215, %sub3A_215 : vector<256x160xf32>
    %get3A_217 = arith.constant 0 : index
    %get3A_218 = arith.constant 0 : index
    %get3A_219 = vector.load %arg9[%get3A_217, %get3A_218] : memref<160x160xf32, #tpu.memory_space<vmem>>, vector<160x160xf32>
    %dot_general3A_220 = arith.constant dense<0.000000e+00> : vector<256x160xf32>
    %dot_general3A_221 = tpu.matmul %mul3A_216, %get3A_219, %dot_general3A_220 {dimension_numbers = #tpu.dot_dimension_numbers<[1], [0], [0], [1], [0, 0, 1, 1], [], []>, precision = #tpu.contract_precision<fp32>, transpose_lhs_hint = false} : vector<256x160xf32>, vector<160x160xf32>, vector<256x160xf32> -> vector<256x160xf32>
    %add3A_222 = arith.constant 1.000000e-03 : f32
    %add3A_223 = vector.broadcast %add3A_222 : f32 to vector<256x160xf32>
    %add3A_224 = arith.addf %dot_general3A_221, %add3A_223 : vector<256x160xf32>
    %rsqrt3A_225 = math.rsqrt %add3A_224 : vector<256x160xf32>
    %mul3A_226 = arith.mulf %sub3A_215, %rsqrt3A_225 : vector<256x160xf32>
    %get3A_227 = arith.constant 0 : index
    %get3A_228 = arith.constant 0 : index
    %get3A_229 = vector.load %arg11[%get3A_227, %get3A_228] : memref<1x160xf32, #tpu.memory_space<vmem>>, vector<1x160xf32>
    %mul3A_230 = vector.broadcast %get3A_229 : vector<1x160xf32> to vector<256x160xf32>
    %mul3A_231 = arith.mulf %mul3A_226, %mul3A_230 : vector<256x160xf32>
    %get3A_232 = arith.constant 0 : index
    %get3A_233 = arith.constant 0 : index
    %get3A_234 = vector.load %arg12[%get3A_232, %get3A_233] : memref<1x160xf32, #tpu.memory_space<vmem>>, vector<1x160xf32>
    %add3A_235 = vector.broadcast %get3A_234 : vector<1x160xf32> to vector<256x160xf32>
    %add3A_236 = arith.addf %mul3A_231, %add3A_235 : vector<256x160xf32>
    %ge3A_237 = arith.constant 0.000000e+00 : f32
    %ge3A_238 = vector.broadcast %ge3A_237 : f32 to vector<256x160xf32>
    %ge3A_239 = arith.cmpf oge, %add3A_236, %ge3A_238 : vector<256x160xf32>
    %get3A_240 = arith.constant 0 : index
    %get3A_241 = arith.constant 0 : index
    %get3A_242 = vector.load %arg13[%get3A_240, %get3A_241] : memref<1x160xf32, #tpu.memory_space<vmem>>, vector<1x160xf32>
    %mul3A_243 = vector.broadcast %get3A_242 : vector<1x160xf32> to vector<256x160xf32>
    %mul3A_244 = arith.mulf %mul3A_243, %add3A_236 : vector<256x160xf32>
    %select_n3A_245 = arith.select %ge3A_239, %add3A_236, %mul3A_244 : vector<256x160xi1>, vector<256x160xf32>
    %get3A_246 = arith.constant 0 : index
    %get3A_247 = arith.constant 0 : index
    %get3A_248 = vector.load %arg14[%get3A_246, %get3A_247] : memref<160x8xf32, #tpu.memory_space<vmem>>, vector<160x8xf32>
    %dot_general3A_249 = arith.constant dense<0.000000e+00> : vector<256x8xf32>
    %dot_general3A_250 = tpu.matmul %select_n3A_245, %get3A_248, %dot_general3A_249 {dimension_numbers = #tpu.dot_dimension_numbers<[1], [0], [0], [1], [0, 0, 1, 1], [], []>, precision = #tpu.contract_precision<fp32>, transpose_lhs_hint = false} : vector<256x160xf32>, vector<160x8xf32>, vector<256x8xf32> -> vector<256x8xf32>
    %get3A_251 = arith.constant 0 : index
    %get3A_252 = arith.constant 0 : index
    %get3A_253 = vector.load %arg15[%get3A_251, %get3A_252] : memref<1x1xf32, #tpu.memory_space<vmem>>, vector<1x1xf32>
    %add3A_254 = vector.broadcast %get3A_253 : vector<1x1xf32> to vector<256x8xf32>
    %add3A_255 = arith.addf %dot_general3A_250, %add3A_254 : vector<256x8xf32>
    %logistic3A = arith.negf %add3A_255 : vector<256x8xf32>
    %logistic3A_256 = math.exp %logistic3A : vector<256x8xf32>
    %logistic3A_257 = arith.constant 1.000000e+00 : f32
    %logistic3A_258 = vector.broadcast %logistic3A_257 : f32 to vector<256x8xf32>
    %logistic3A_259 = arith.addf %logistic3A_258, %logistic3A_256 : vector<256x8xf32>
    %logistic3A_260 = arith.divf %logistic3A_258, %logistic3A_259 : vector<256x8xf32>
    %swap3A = arith.constant 0 : index
    %swap3A_261 = arith.constant 0 : index
    %swap3A_262 = vector.load %arg16[%swap3A, %swap3A_261] : memref<256x8xf32, #tpu.memory_space<vmem>>, vector<256x8xf32>
    tpu.vector_store %arg16[%swap3A, %swap3A_261], %logistic3A_260 {strides = array<i32>} : memref<256x8xf32, #tpu.memory_space<vmem>>, vector<256x8xf32>,
    return
  }
  func.func @transform_0(%arg0: i32) -> (i32, i32, i32) {
    %c0_i32 = arith.constant 0 : i32
    %c0_i32_0 = arith.constant 0 : i32
    %c0_i32_1 = arith.constant 0 : i32
    return %c0_i32, %arg0, %c0_i32_0 : i32, i32, i32
  }
  func.func @transform_1(%arg0: i32) -> (i32, i32, i32) {
    %c0_i32 = arith.constant 0 : i32
    %c0_i32_0 = arith.constant 0 : i32
    %c0_i32_1 = arith.constant 0 : i32
    %c0_i32_2 = arith.constant 0 : i32
    return %c0_i32, %c0_i32_0, %c0_i32_1 : i32, i32, i32
  }
  func.func @transform_2(%arg0: i32) -> (i32, i32) {
    %c0_i32 = arith.constant 0 : i32
    %c0_i32_0 = arith.constant 0 : i32
    %c0_i32_1 = arith.constant 0 : i32
    return %c0_i32, %c0_i32_0 : i32, i32
  }
  func.func @transform_3(%arg0: i32) -> (i32, i32) {
    %c0_i32 = arith.constant 0 : i32
    %c0_i32_0 = arith.constant 0 : i32
    %c0_i32_1 = arith.constant 0 : i32
    return %c0_i32, %c0_i32_0 : i32, i32
  }
  func.func @transform_4(%arg0: i32) -> (i32, i32) {
    %c0_i32 = arith.constant 0 : i32
    %c0_i32_0 = arith.constant 0 : i32
    %c0_i32_1 = arith.constant 0 : i32
    return %c0_i32, %c0_i32_0 : i32, i32
  }
  func.func @transform_5(%arg0: i32) -> (i32, i32) {
    %c0_i32 = arith.constant 0 : i32
    %c0_i32_0 = arith.constant 0 : i32
    %c0_i32_1 = arith.constant 0 : i32
    return %c0_i32, %c0_i32_0 : i32, i32
  }
  func.func @transform_6(%arg0: i32) -> (i32, i32) {
    %c0_i32 = arith.constant 0 : i32
    %c0_i32_0 = arith.constant 0 : i32
    %c0_i32_1 = arith.constant 0 : i32
    return %c0_i32, %c0_i32_0 : i32, i32
  }
  func.func @transform_7(%arg0: i32) -> (i32, i32) {
    %c0_i32 = arith.constant 0 : i32
    %c0_i32_0 = arith.constant 0 : i32
    %c0_i32_1 = arith.constant 0 : i32
    return %c0_i32, %c0_i32_0 : i32, i32
  }
  func.func @transform_8(%arg0: i32) -> (i32, i32) {
    %c0_i32 = arith.constant 0 : i32
    %c0_i32_0 = arith.constant 0 : i32
    %c0_i32_1 = arith.constant 0 : i32
    return %c0_i32, %c0_i32_0 : i32, i32
  }
  func.func @transform_9(%arg0: i32) -> (i32, i32) {
    %c0_i32 = arith.constant 0 : i32
    %c0_i32_0 = arith.constant 0 : i32
    %c0_i32_1 = arith.constant 0 : i32
    return %c0_i32, %c0_i32_0 : i32, i32
  }
  func.func @transform_10(%arg0: i32) -> (i32, i32) {
    %c0_i32 = arith.constant 0 : i32
    %c0_i32_0 = arith.constant 0 : i32
    %c0_i32_1 = arith.constant 0 : i32
    return %c0_i32, %c0_i32_0 : i32, i32
  }
  func.func @transform_11(%arg0: i32) -> (i32, i32) {
    %c0_i32 = arith.constant 0 : i32
    %c0_i32_0 = arith.constant 0 : i32
    %c0_i32_1 = arith.constant 0 : i32
    return %c0_i32, %c0_i32_0 : i32, i32
  }
  func.func @transform_12(%arg0: i32) -> (i32, i32) {
    %c0_i32 = arith.constant 0 : i32
    %c0_i32_0 = arith.constant 0 : i32
    %c0_i32_1 = arith.constant 0 : i32
    return %c0_i32, %c0_i32_0 : i32, i32
  }
  func.func @transform_13(%arg0: i32) -> (i32, i32) {
    %c0_i32 = arith.constant 0 : i32
    %c0_i32_0 = arith.constant 0 : i32
    %c0_i32_1 = arith.constant 0 : i32
    return %c0_i32, %c0_i32_0 : i32, i32
  }
  func.func @transform_14(%arg0: i32) -> (i32, i32) {
    %c0_i32 = arith.constant 0 : i32
    %c0_i32_0 = arith.constant 0 : i32
    %c0_i32_1 = arith.constant 0 : i32
    return %c0_i32, %c0_i32_0 : i32, i32
  }
  func.func @transform_15(%arg0: i32) -> (i32, i32) {
    %c0_i32 = arith.constant 0 : i32
    %c0_i32_0 = arith.constant 0 : i32
    return %arg0, %c0_i32 : i32, i32
  }
}

</mosaic_0001>

<sc_bundles>
// kernel: kernel.7.cloned.1.call-start
scs
__scs_entry_jumppad:
0x0: {  	(pc) =	sbr.rel $0x88, $3  }
0x1: {  	(tag) =	ssettag $0x0;
	lr =	simm.s32 $0x1  }
0x2: {  	[smem:$0x3F8E] =	sst lr;
	_ =	strace $0xD0000000  }
0x3: {  	_ = 	snop  }
0x4: {  	_ = 	snop  }
0x5: {  	_ = 	snop  }
0x6: {  	_ = 	snop  }
0x7: {  	_ = 	snop  }
__scs_overlays_trampoline_lowered:
0x8: {  	[smem:$0x3F9D] =	sst s0  }
0x9: {  	[smem:$0x3F9E] =	sst s1  }
0xa: {  	[smem:$0x3F9F] =	sst s2  }
0xb: {  	[smem:$0x3FA0] =	sst s3  }
0xc: {  	[smem:$0x3FA1] =	sst s4  }
0xd: {  	[smem:$0x3FA2] =	sst s5  }
0xe: {  	[smem:$0x3FA3] =	sst s6  }
0xf: {  	[smem:$0x3FA4] =	sst s7  }
0x10: {  	[smem:$0x3FA5] =	sst s8  }
0x11: {  	[smem:$0x3FA6] =	sst s9;
	s0 =	simm.s32 @!p0 $0x0  }
0x12: {  	s1 =	sld [smem:$0x3F8C];
	s0 =	simm.s32 @p0 $0x1  }
0x13: {  	[smem:$0x3FA7] =	sst s0;
	s0 =	simm.s32 @!p1 $0x0  }
0x14: {  	s2 =	sld [smem:$0x3F8B];
	s0 =	simm.s32 @p1 $0x1  }
0x15: {  	[smem:$0x3FA8] =	sst s0;
	s0 =	simm.s32 @!p2 $0x0  }
0x16: {  	s3 =	sld [smem:$0x3FDB];
	s0 =	simm.s32 @p2 $0x1  }
0x17: {  	s4 =	simm.s32 $0x1BF5;
	[smem:$0x3FAA] =	sst s0  }
0x18: {  	s0 =	sld [smem:$0x3F8D];
	_ =	swait.ge [sflag:s4], $0x0  }
0x19: {  	s7 =	sld [smem:$0x3F8E]  }
0x1a: {  	s8 =	sadd.s32 $0xFFFFE003, lr  }
0x1b: {  	s9 =	sadd.s32 $0xFFFFFEF7, lr;
	s5 =	simm.s32 $0xFFFFFFFF;
	p2 =	slt.u32 s8, $0xFFFFF086  }
0x1c: {  	p1 =	slt.u32 s9, $0xF7A;
	s5 =	simm.s32 @!p2 $0x0  }
0x1d: {  	s5 =	simm.s32 @p1 $0x1;
	p0 =	seq.s32 s7, s2  }
0x1e: {  	s7 =	smul.u32 @!p0 $0xF7A, s2;
	p2 =	seq.s32 @!p0 s5, $0x0  }
0x1f: {  	s9 =	smul.u32 $0xF7A, s1;
	s8 =	simm.s32 @!p0 $0x1BF5;
	p2 =	por !p2, p0  }
0x20: {  	[sflag:s8] =	ssyncset.s32 @!p0 $0xFFFFF086;
	s6 =	sadd.s32 @!p0 s3, s7;
	s7 =	simm.s32 @!p0 $0x108  }
0x21: {  	s3 =	sadd.s32 s3, s9;
	s6 =	sadd.s32 @!p0 $0x88, s6;
	s7 =	simm.s32 @p2 $0x1082  }
0x22: {  	[simem:s7], [sflag:s8] =	dma.local @!p0 [hbm:s6], $0xF7A  }
0x23: {  	s9 =	sor.u32 $0xD0000000, s2;
	s6 =	simm.s32 $0x108;
	_ =	swait.ge @!p0 [sflag:s8], $0x0  }
0x24: {  	s3 =	sadd.s32 $0x88, s3;
	s6 =	simm.s32 @!p1 $0x1082;
	[sflag:s4] =	ssyncset.s32 $0xFFFFF086  }
0x25: {  	[simem:s6], [sflag:s4] =	dma.local [hbm:s3], $0xF7A  }
0x26: {  	[smem:$0x3F8E] =	sst s1;
	(tag) =	ssettag s2;
	_ =	strace s9  }
0x27: {  	s1 =	sld [smem:$0x3F9E]  }
0x28: {  	s2 =	sld [smem:$0x3F9F]  }
0x29: {  	s4 =	sld [smem:$0x3FA1]  }
0x2a: {  	p0 =	seq.s32 s5, $0x0;
	s5 =	sld [smem:$0x3FA2]  }
0x2b: {  	s6 =	sld [smem:$0x3FA3]  }
0x2c: {  	s7 =	sld [smem:$0x3FA4]  }
0x2d: {  	s3 =	simm.s32 $0x108;
	s8 =	sld [smem:$0x3FA5]  }
0x2e: {  	s3 =	simm.s32 @!p0 $0x1082;
	s9 =	sld [smem:$0x3FA6]  }
0x2f: {  	lr =	sadd.s32 s0, s3;
	s0 =	sld [smem:$0x3F9D]  }
0x30: {  	s3 =	sld [smem:$0x3FA0]  }
0x31: {  	[smem:$0x3FA9] =	sst s10  }
0x32: {  	s10 =	sld [smem:$0x3FA7];
	_ =	sdelay $0x3  }
0x33: {  	p0 =	seq.s32 s10, $0x1;
	s10 =	sld [smem:$0x3FA9];
	_ =	sdelay $0x3  }
0x34: {  	[smem:$0x3FA9] =	sst s10  }
0x35: {  	s10 =	sld [smem:$0x3FA8];
	_ =	sdelay $0x3  }
0x36: {  	p1 =	seq.s32 s10, $0x1;
	s10 =	sld [smem:$0x3FA9];
	_ =	sdelay $0x3  }
0x37: {  	[smem:$0x3FA9] =	sst s10  }
0x38: {  	s10 =	sld [smem:$0x3FAA]  }
0x39: {  	_ = 	snop;
	(pc) =	sbr.ind lr, $3  }
0x3a: {  	_ = 	snop  }
0x3b: {  	_ = 	snop  }
0x3c: {  	p2 =	seq.s32 s10, $0x1;
	s10 =	sld [smem:$0x3FA9]  }
0x3d: {  	_ =	shalt  }
0x3e: {  	_ =	shalt  }
0x3f: {  	_ =	shalt  }
0x40: {  	_ =	shalt  }
0x41: {  	_ =	shalt  }
0x42: {  	_ =	shalt  }
0x43: {  	_ =	shalt  }
0x44: {  	_ =	shalt  }
0x45: {  	_ =	shalt  }
0x46: {  	_ =	shalt  }
0x47: {  	_ =	shalt  }
0x48: {  	_ =	shalt  }
0x49: {  	_ =	shalt  }
0x4a: {  	_ =	shalt  }
0x4b: {  	_ =	shalt  }
0x4c: {  	_ =	shalt  }
0x4d: {  	_ =	shalt  }
0x4e: {  	_ =	shalt  }
0x4f: {  	_ =	shalt  }
0x50: {  	_ =	shalt  }
0x51: {  	_ =	shalt  }
0x52: {  	_ =	shalt  }
0x53: {  	_ =	shalt  }
0x54: {  	_ =	shalt  }
0x55: {  	_ =	shalt  }
0x56: {  	_ =	shalt  }
0x57: {  	_ =	shalt  }
0x58: {  	_ =	shalt  }
0x59: {  	_ =	shalt  }
0x5a: {  	_ =	shalt  }
0x5b: {  	_ =	shalt  }
0x5c: {  	_ =	shalt  }
0x5d: {  	_ =	shalt  }
0x5e: {  	_ =	shalt  }
0x5f: {  	_ =	shalt  }
0x60: {  	_ =	shalt  }
0x61: {  	_ =	shalt  }
0x62: {  	_ =	shalt  }
0x63: {  	_ =	shalt  }
0x64: {  	_ =	shalt  }
0x65: {  	_ =	shalt  }
0x66: {  	_ =	shalt  }
0x67: {  	_ =	shalt  }
0x68: {  	_ =	shalt  }
0x69: {  	_ =	shalt  }
0x6a: {  	_ =	shalt  }
0x6b: {  	_ =	shalt  }
0x6c: {  	_ =	shalt  }
0x6d: {  	_ =	shalt  }
0x6e: {  	_ =	shalt  }
0x6f: {  	_ =	shalt  }
0x70: {  	_ =	shalt  }
0x71: {  	_ =	shalt  }
0x72: {  	_ =	shalt  }
0x73: {  	_ =	shalt  }
0x74: {  	_ =	shalt  }
0x75: {  	_ =	shalt  }
0x76: {  	_ =	shalt  }
0x77: {  	_ =	shalt  }
0x78: {  	_ =	shalt  }
0x79: {  	_ =	shalt  }
0x7a: {  	_ =	shalt  }
0x7b: {  	_ =	shalt  }
0x7c: {  	_ =	shalt  }
0x7d: {  	_ =	shalt  }
0x7e: {  	_ =	shalt  }
0x7f: {  	_ =	shalt  }
0x80: {  	_ =	shalt  }
0x81: {  	_ =	shalt  }
0x82: {  	_ =	shalt  }
0x83: {  	_ =	shalt  }
0x84: {  	_ =	shalt  }
0x85: {  	_ =	shalt  }
0x86: {  	_ =	shalt  }
0x87: {  	_ =	shalt  }
.Lfunc_end0:
.L_simem_size_0:
called_computation_lowered:
.L_overlay_start_0:
0x88: {  	s2 =	sld [smem:$0x3FD9]  }
0x89: {  	s3 =	sld [smem:$0x3FFE];
	_ =	sdelay $0x1  }
0x8a: {  	s1 =	srdreg.scid  }
0x8b: {  	s0 =	sand.u32 $0x1, s1  }
0x8c: {  	s16 =	sshll.u32 s0, $0xA;
	s2 =	sadd.s32 s3, s2  }
0x8d: {  	s2 =	sadd.s32 s2, s16  }
0x8e: {  	[smem:$0x3FB5] =	sst s2  }
0x8f: {  	_ = 	snop  }
0x90: {  	(tm) =	ssettm $0x1  }
0x91: {  	s17 =	sld [smem:$0x3FFB];
	_ =	sdelay $0x3  }
0x92: {  	_ =	strace s17  }
0x93: {  	s2 =	sld [smem:$0x3FFC];
	_ =	sdelay $0x3  }
0x94: {  	_ =	strace s2  }
0x95: {  	s2 =	sld [smem:$0x3FFD];
	_ =	sdelay $0x3  }
0x96: {  	_ =	strace s2  }
0x97: {  	_ =	strace $0x8FFFFFFF  }
0x98: {  	s18 =	sld [smem:$0x3FDB];
	_ =	sdelay $0x1  }
0x99: {  	s19 =	simm.s32 $_scs_section_size  }
0x9a: {  	s4 =	simm.s32 $_size__tile_overlayer_lowered;
	s5 =	simm.s32 $_tile_overlayer_lowered  }
0x9b: {  	s22 =	simm.s32 $0x1BFF;
	s21 =	sshll.u32 s5, $0x1;
	s2 =	sadd.s32 s19, s18  }
0x9c: {  	s6 =	simm.s32 $0x0;
	s20 =	sshll.u32 s4, $0x1;
	s4 =	sadd.s32 s21, s2  }
0x9d: {  	[timem:s6], [sflag:s22] =	dma.local [hbm:s4], s20  }
0x9e: {  	_ =	swait.ge [sflag:s22], s20  }
0x9f: {  	s3 =	ssub.s32 $0x0, s20;
	[sflag:s22] =	ssyncset.done $0x0  }
0xa0: {  	[sflag:s22] =	ssyncadd.s32 s3;
	_ =	sdelay $0x1  }
0xa1: {  	s23 =	simm.s32 $0x1B8B  }
0xa2: {  	_ =	swait.ge [sflag:s23], $0x1  }
0xa3: {  	[sflag:s23] =	ssyncset.done $0x0  }
0xa4: {  	s25 =	simm.s32 $0x1B8E;
	s24 =	sld [smem:$0x3FFE];
	[sflag:s23] =	ssyncadd.s32 $0xFFFFFFFF  }
0xa5: {  	s26 =	simm.s32 $execute0_lowered;
	[smem:$0x3FD2] =	sst s25  }
0xa6: {  	s4 =	sshll.u32 s26, $0x1;
	_ =	strace $0x80000046;
	[dreg:$0x1] =	wrdreg $0xFFFFFFFF  }
0xa7: {  	s28 =	simm.s32 $_size_execute0_lowered;
	s2 =	sadd.s32 s2, s4;
	[dreg:$0x0] =	wrdreg $0x0  }
0xa8: {  	s4 =	sshll.u32 s28, $0x1;
	[dreg:$0x2] =	wrdreg s2  }
0xa9: {  	[dreg:$0x3] =	wrdreg s4  }
0xaa: {  	[dreg:$0x4] =	wrdreg $0xC0  }
0xab: {  	_ =	task [dreg:s6], $0x5FFFF  }
0xac: {  	[dreg:$0x1] =	wrdreg $0xFFFFFFFF  }
0xad: {  	[dreg:$0x0] =	wrdreg $0x60  }
0xae: {  	[dreg:$0x2] =	wrdreg s24  }
0xaf: {  	[dreg:$0x3] =	wrdreg $0x9  }
0xb0: {  	_ =	task.clear_ibuf [dreg:s6], $0x4FFFF;
	_ =	strace $0x90000046  }
0xb1: {  	s29 =	simm.s32 $0x9;
	_ =	strace $0x80000048  }
0xb2: {  	_ =	swait.ge [sflag:s29], $0x1  }
0xb3: {  	[sflag:s29] =	ssyncadd.s32 $0xFFFFFFFF  }
0xb4: {  	_ =	strace $0x90000048  }
0xb5: {  	_ =	sfence  }
0xb6: {  	s30 =	sld [smem:$0x0];
	_ =	sdelay $0x2  }
0xb7: {  	s31 =	sshll.u32 s1, $0xD;
	s1 =	sshrl.u32 s1, $0x2  }
0xb8: {  	s3 =	sand.u32 $0x4000, s31;
	s1 =	sadd.s32 s1, s30  }
0xb9: {  	s0 =	sor.u32 s3, s0;
	s1 =	sshll.u32 s1, $0x11  }
0xba: {  	s0 =	sor.u32 s1, s0  }
0xbb: {  	s0 =	sadd.s32 $0x8F2B, s0  }
0xbc: {  	[sflag:s0] =	ssyncadd.remote.s32 $0x1  }
0xbd: {  	_ =	sfence.sel $0xFFFF  }
0xbe: {  	[dreg:$0x0] =	wrdreg $0xFFFFFFFF;
	(pc) =	sbr.abs _section_cstart, $3  }
0xbf: {  	[dreg:$0x1] =	wrdreg $0xFFFFFFFF  }
0xc0: {  	_ =	task.clear_ibuf [dreg:s6], $0x2FFFF;
	_ =	strace $0x9FFFFFFF  }
0xc1: {  	(tm) =	ssettm $0x7FFFFFFF  }
tec
execute0_lowered:
.L_overlay_start_1:
0x0: {  	(tag) =	ssettag $0x1  }
0x1: {  	s0 =	rddreg [dreg:$0x0];
	s2 =	simm.s32 $0x0  }
0x2: {  	[smem:$0x7FF] =	sst s2;
	s6 =	sadd.s32 $0x16A400, s0  }
0x3: {  	s26 =	sadd.s32 $0x44400, s0;
	_ =	strace $0x80000047;
	[dreg:$0x2] =	wrdreg s6  }
0x4: {  	s13 =	sadd.s32 $0x75400, s0;
	[dreg:$0x3] =	wrdreg s26  }
0x5: {  	s14 =	sadd.s32 $0xA6400, s0;
	[dreg:$0xa] =	wrdreg s13  }
0x6: {  	s15 =	sadd.s32 $0xD7400, s0;
	[dreg:$0xb] =	wrdreg s14  }
0x7: {  	s16 =	sadd.s32 $0x108400, s0;
	[dreg:$0xc] =	wrdreg s15  }
0x8: {  	s1 =	srdreg.scid;
	s18 =	sadd.s32 $0x139400, s0;
	[dreg:$0xd] =	wrdreg s16  }
0x9: {  	s3 =	stileid.u32;
	s19 =	sadd.s32 $0x19B400, s0;
	[dreg:$0xf] =	wrdreg s18  }
0xa: {  	s1 =	sand.u32 $0x1, s1;
	s20 =	sadd.s32 $0x1CC400, s0;
	[dreg:$0x10] =	wrdreg s19  }
0xb: {  	s3 =	sshll.u32 s3, $0xA;
	s21 =	sadd.s32 $0x1FD400, s0;
	[dreg:$0x11] =	wrdreg s20  }
0xc: {  	s22 =	sadd.s32 $0x22E400, s0;
	s4 =	sshll.u32 s1, $0x9;
	[dreg:$0x12] =	wrdreg s21  }
0xd: {  	[dreg:$0x14] =	wrdreg s22;
	s23 =	ssub.s32 $0x2, s1;
	s13 =	simm.s32 $0x6800  }
0xe: {  	s14 =	simm.s32 $0x1;
	s15 =	simm.s32 $0x2;
	s3 =	sor.u32 s4, s3  }
0xf: {  	s16 =	simm.s32 $0x4400;
	s18 =	simm.s32 $0x0;
	s5 =	sshll.u32 s3, $0x1  }
0x10: {  	s4 =	sadd.s32 s3, s0;
	s3 =	sadd.s32 $0x13400, s0;
	s6 =	sadd.s32 s5, s0  }
0x11: {  	s7 =	sadd.s32 $0x3400, s4;
	s11 =	sadd.s32 $0x7400, s4;
	s17 =	sadd.s32 $0xB400, s4  }
0x12: {  	s4 =	sadd.s32 $0xF400, s4;
	s0 =	sadd.s32 $0x25F400, s0;
	s8 =	sadd.s32 $0x290400, s6  }
0x13: {  	[dreg:$0x4] =	wrdreg s7;
	s9 =	sadd.s32 $0x298400, s6;
	s10 =	sadd.s32 $0x2A0400, s6  }
0x14: {  	[dreg:$0x8] =	wrdreg s11;
	s12 =	sadd.s32 $0x2A8400, s6;
	s24 =	sadd.s32 $0x2B0400, s6  }
0x15: {  	[dreg:$0xe] =	wrdreg s17;
	s25 =	sadd.s32 $0x2B8400, s6;
	s26 =	sadd.s32 $0x2C0400, s6  }
0x16: {  	[dreg:$0x13] =	wrdreg s4;
	s28 =	sadd.s32 $0x2C8400, s6;
	s29 =	sadd.s32 $0x2D0400, s6  }
0x17: {  	[dreg:$0x15] =	wrdreg s0;
	s30 =	sadd.s32 $0x2D8400, s6;
	s31 =	sadd.s32 $0x2E0400, s6  }
0x18: {  	s0 =	sadd.s32 $0x2E8400, s6;
	s7 =	sshrl.u32 s23, $0x1;
	[dreg:$0x5] =	wrdreg s8  }
0x19: {  	s1 =	sadd.s32 $0x2F0400, s6;
	s4 =	sadd.s32 $0x2F8400, s6;
	[dreg:$0x6] =	wrdreg s9  }
0x1a: {  	s5 =	sadd.s32 $0x300400, s6;
	s6 =	sadd.s32 $0x308400, s6;
	[dreg:$0x7] =	wrdreg s10  }
0x1b: {  	s11 =	simm.s32 $0x4800;
	s17 =	simm.s32 $0x4600;
	[dreg:$0x9] =	wrdreg s12  }
0x1c: {  	v0 =	vlaneseq.u32;
	s7 =	ssub.s32 s23, s7;
	s8 =	simm.s32 $0x3;
	s9 =	simm.s32 $0x200  }
0x1d: {  	v0 =	vmul.u32 $0x8, v0;
	s10 =	simm.s32 $0x4000;
	s12 =	simm.s32 $0x4200;
	s7 =	smax.u32 s7, $0x1  }
.LBB2_1:
0x1e: {  	s19 =	rddreg [dreg:$0x4]  }
0x1f: {  	[tilespmem:s2], [sflag:$0x3] =	stream.linear.gather [hbm4b:s19+s2], $0x1000, $0x38;
	[tilespmem:$0x8800] =	vst v63  }
0x20: {  	_ =	swait.ge [sflag:s8], $0x1000  }
0x21: {  	[sflag:s8] =	ssyncset.done $0x0  }
0x22: {  	s20 =	simm.s32 $0x1000;
	s21 =	rddreg [dreg:$0x8];
	[sflag:s8] =	ssyncadd.s32 $0xFFFFF000  }
0x23: {  	[tilespmem:s20], [sflag:$0x3] =	stream.linear.gather [hbm4b:s21+s2], $0x1000, $0x38;
	[tilespmem:$0x8800] =	vst v63  }
0x24: {  	_ =	swait.ge [sflag:s8], $0x1000  }
0x25: {  	[sflag:s8] =	ssyncset.done $0x0  }
0x26: {  	s23 =	simm.s32 $0x2000;
	s22 =	rddreg [dreg:$0xe];
	[sflag:s8] =	ssyncadd.s32 $0xFFFFF000  }
0x27: {  	[tilespmem:s23], [sflag:$0x3] =	stream.linear.gather [hbm4b:s22+s2], $0x1000, $0x38;
	[tilespmem:$0x8800] =	vst v63  }
0x28: {  	v1 =	vmov s2;
	_ =	swait.ge [sflag:s8], $0x1000  }
0x29: {  	v1 =	vshll.u32 v1, $0x3;
	[sflag:s8] =	ssyncset.done $0x0  }
0x2a: {  	v1 =	vor.u32 v0, v1;
	s21 =	simm.s32 $0x3000;
	s20 =	rddreg [dreg:$0x13];
	[sflag:s8] =	ssyncadd.s32 $0xFFFFF000  }
0x2b: {  	[tilespmem:s21], [sflag:$0x3] =	stream.linear.gather [hbm4b:s20+s2], $0x1000, $0x38;
	[tilespmem:$0x8800] =	vst v63  }
0x2c: {  	_ =	swait.ge [sflag:s8], $0x1000  }
0x2d: {  	[sflag:s8] =	ssyncset.done $0x0  }
0x2e: {  	[sflag:s8] =	ssyncadd.s32 $0xFFFFF000  }
0x2f: {  	v1 =	vld.idx.msk [tilespmem:v1+s2+$0x0], $0xffff;
	_ =	sdelay $0x1  }
0x30: {  	s22 =	simm.s32 $0x10  }
0x31: {  	v2 =	vmov s22  }
0x32: {  	v2 =	vshll.u32 v2, $0x3  }
0x33: {  	v2 =	vor.u32 v0, v2;
	v3 =	vshll.u32 v1, $0x3  }
0x34: {  	v4 =	vand.u32 $0xFFFFF800, v1;
	v1 =	vshrl.u32 v1, $0x8;
	v3 =	vand.u32 $0x7F8, v3  }
0x35: {  	v1 =	vand.u32 $0x7, v1;
	v3 =	vor.u32 v4, v3  }
0x36: {  	v1 =	vor.u32 v1, v3  }
0x37: {  	[tilespmem:s10+$0x0] =	vst v1  }
0x38: {  	v1 =	vld.idx.msk [tilespmem:v2+s2+$0x0], $0xffff;
	_ =	sdelay $0x1  }
0x39: {  	s23 =	simm.s32 $0x20  }
0x3a: {  	s21 =	simm.s32 $0x30;
	s20 =	simm.s32 $0x4000;
	v2 =	vmov s23  }
.LBB2_2:
0x3b: {  	p0 =	sne.s32 s21, $0x1F0;
	v2 =	vshll.u32 v2, $0x3  }
0x3c: {  	v3 =	vshll.u32 v1, $0x3;
	v2 =	vor.u32 v0, v2  }
0x3d: {  	v4 =	vand.u32 $0xFFFFF800, v1;
	v1 =	vshrl.u32 v1, $0x8;
	v3 =	vand.u32 $0x7F8, v3  }
0x3e: {  	v1 =	vand.u32 $0x7, v1;
	v3 =	vor.u32 v4, v3  }
0x3f: {  	s20 =	sadd.s32 $0x10, s20;
	v1 =	vor.u32 v1, v3  }
0x40: {  	s19 =	simm.s32 $0x0;
	[tilespmem:s20+$0x0] =	vst v1  }
.Ltmp0:
0x41: {  	v1 =	vld.idx.msk [tilespmem:v2+s19+$0x0], $0xffff;
	(pc) =	sbr.rel @p0 .LBB2_2-.Ltmp0, $2  }
0x42: {  	_ =	sdelay $0x2  }
0x43: {  	v2 =	vmov s21;
	s21 =	sadd.s32 $0x10, s21  }
0x44: {  	v2 =	vshll.u32 v2, $0x3  }
0x45: {  	v3 =	vshll.u32 v1, $0x3;
	v2 =	vor.u32 v0, v2  }
0x46: {  	v4 =	vand.u32 $0xFFFFF800, v1;
	v1 =	vshrl.u32 v1, $0x8;
	v3 =	vand.u32 $0x7F8, v3  }
0x47: {  	v1 =	vand.u32 $0x7, v1;
	v3 =	vor.u32 v4, v3  }
0x48: {  	s20 =	sadd.s32 $0x10, s20;
	v1 =	vor.u32 v1, v3  }
0x49: {  	[tilespmem:s20+$0x0] =	vst v1  }
0x4a: {  	v1 =	vld.idx.msk [tilespmem:v2+s19+$0x0], $0xffff;
	_ =	sdelay $0x3  }
0x4b: {  	p1 =	por $0x1, $0x1  }
.Ltmp1:
0x4c: {  	v2 =	vshll.u32 v1, $0x3;
	(pc) =	sbr.rel @!p1 .LBB2_9-.Ltmp1, $4  }
0x4d: {  	v3 =	vand.u32 $0xFFFFF800, v1;
	v1 =	vshrl.u32 v1, $0x8;
	v2 =	vand.u32 $0x7F8, v2  }
0x4e: {  	s21 =	simm.s32 $0x4200;
	v1 =	vand.u32 $0x7, v1;
	v2 =	vor.u32 v3, v2  }
0x4f: {  	p2 =	por $0x0, $0x0;
	p0 =	por $0x0, $0x0;
	s22 =	sadd.s32 $0x10, s20;
	v2 =	vor.u32 v1, v2;
	v1 =	vmov s19  }
0x50: {  	p3 =	por $0x0, $0x0;
	s20 =	simm.s32 $0x10;
	[tilespmem:s22+$0x0] =	vst v2;
	v3 =	vmov v1;
	s22 =	simm.s32 $0x4200  }
0x51: {  	v2 =	vshll.u32 v1, $0x3  }
0x52: {  	v2 =	vor.u32 v0, v2  }
0x53: {  	p3 =	por $0x1, $0x1;
	v2 =	vadd.s32 $0x1000, v2  }
.Ltmp2:
0x54: {  	_ = 	snop;
	(pc) =	sbr.rel @!p3 .LBB2_5-.Ltmp2, $2  }
0x55: {  	_ =	sdelay $0x2  }
0x56: {  	v3 =	vmov s20;
	s22 =	simm.s32 $0x20;
	p2 =	por $0x1, $0x1;
	v2 =	vld.idx.msk [tilespmem:v2+s19+$0x0], $0xffff  }
0x57: {  	_ =	sdelay $0x1  }
0x58: {  	v3 =	vshll.u32 v3, $0x3  }
0x59: {  	v3 =	vor.u32 v0, v3  }
0x5a: {  	v3 =	vadd.s32 $0x1000, v3;
	v4 =	vshll.u32 v2, $0x3  }
0x5b: {  	v5 =	vand.u32 $0xFFFFF800, v2;
	v2 =	vshrl.u32 v2, $0x8;
	v4 =	vand.u32 $0x7F8, v4  }
0x5c: {  	p4 =	por $0x1, $0x1;
	v2 =	vand.u32 $0x7, v2;
	v4 =	vor.u32 v5, v4  }
.Ltmp3:
0x5d: {  	v2 =	vor.u32 v2, v4;
	(pc) =	sbr.rel @!p4 .LBB2_7-.Ltmp3, $3  }
0x5e: {  	[tilespmem:s21+$0x0] =	vst v2  }
0x5f: {  	v2 =	vld.idx.msk [tilespmem:v3+s19+$0x0], $0xffff;
	_ =	sdelay $0x1  }
0x60: {  	s23 =	simm.s32 $0x30;
	p3 =	por $0x1, $0x1;
	v3 =	vmov s22;
	s22 =	simm.s32 $0x4200  }
.LBB2_8:
0x61: {  	p4 =	sne.s32 s23, $0x1F0;
	v3 =	vshll.u32 v3, $0x3  }
0x62: {  	v3 =	vor.u32 v0, v3  }
0x63: {  	v4 =	vshll.u32 v2, $0x3;
	v3 =	vadd.s32 $0x1000, v3  }
0x64: {  	v5 =	vand.u32 $0xFFFFF800, v2;
	v2 =	vshrl.u32 v2, $0x8;
	v4 =	vand.u32 $0x7F8, v4  }
0x65: {  	v2 =	vand.u32 $0x7, v2;
	v4 =	vor.u32 v5, v4  }
0x66: {  	s22 =	sadd.s32 $0x10, s22;
	v2 =	vor.u32 v2, v4  }
.Ltmp4:
0x67: {  	[tilespmem:s22+$0x0] =	vst v2;
	(pc) =	sbr.rel @p4 .LBB2_8-.Ltmp4, $2  }
0x68: {  	v2 =	vld.idx.msk [tilespmem:v3+s19+$0x0], $0xffff;
	_ =	sdelay $0x2  }
0x69: {  	v3 =	vmov s23;
	s23 =	sadd.s32 $0x10, s23  }
.LBB2_9:
0x6a: {  	v3 =	vshll.u32 v3, $0x3  }
0x6b: {  	v3 =	vor.u32 v0, v3  }
0x6c: {  	v4 =	vshll.u32 @p2 v2, $0x3;
	v3 =	vadd.s32 $0x1000, v3  }
0x6d: {  	v5 =	vand.u32 @p2 $0xFFFFF800, v2;
	v2 =	vshrl.u32 @p2 v2, $0x8;
	v4 =	vand.u32 @p2 $0x7F8, v4  }
0x6e: {  	s22 =	sadd.s32 @p3 $0x10, s22;
	s23 =	simm.s32 $0x4200;
	v2 =	vand.u32 @p2 $0x7, v2;
	v4 =	vor.u32 @p2 v5, v4  }
0x6f: {  	s23 =	smov.u32 @p3 s22;
	v2 =	vor.u32 @p2 v2, v4  }
0x70: {  	[tilespmem:s23+$0x0] =	vst @p2 v2  }
0x71: {  	v2 =	vld.idx.msk [tilespmem:v3+s19+$0x0], $0xffff;
	_ =	sdelay $0x4  }
.Ltmp5:
0x72: {  	v3 =	vshll.u32 v2, $0x3;
	(pc) =	sbr.rel @!p1 .LBB2_10-.Ltmp5, $4  }
0x73: {  	v63 =	vand.u32 $0xFFFFF800, v2;
	v2 =	vshrl.u32 v2, $0x8;
	v3 =	vand.u32 $0x7F8, v3  }
0x74: {  	s19 =	sadd.s32 @p2 $0x10, s23;
	v2 =	vand.u32 $0x7, v2;
	v3 =	vor.u32 v63, v3  }
0x75: {  	s21 =	smov.u32 @p2 s19;
	v2 =	vor.u32 v2, v3  }
0x76: {  	s19 =	simm.s32 $0x4400;
	[tilespmem:s21+$0x0] =	vst v2  }
0x77: {  	v1 =	vshll.u32 v1, $0x3  }
0x78: {  	v1 =	vor.u32 v0, v1  }
0x79: {  	p2 =	por $0x1, $0x1;
	v1 =	vadd.s32 $0x2000, v1  }
.Ltmp6:
0x7a: {  	_ = 	snop;
	(pc) =	sbr.rel @!p2 .LBB2_12-.Ltmp6, $3  }
0x7b: {  	_ =	sdelay $0x1  }
0x7c: {  	s21 =	simm.s32 $0x0  }
0x7d: {  	p1 =	por $0x1, $0x1;
	v2 =	vld.idx.msk [tilespmem:v1+s21+$0x0], $0xffff;
	v1 =	vmov s20;
	s20 =	simm.s32 $0x20  }
0x7e: {  	_ =	sdelay $0x1  }
0x7f: {  	v1 =	vshll.u32 v1, $0x3  }
0x80: {  	v1 =	vor.u32 v0, v1  }
0x81: {  	v1 =	vadd.s32 $0x2000, v1;
	v3 =	vshll.u32 v2, $0x3  }
0x82: {  	v4 =	vand.u32 $0xFFFFF800, v2;
	v2 =	vshrl.u32 v2, $0x8;
	v3 =	vand.u32 $0x7F8, v3  }
0x83: {  	p2 =	por $0x1, $0x1;
	v2 =	vand.u32 $0x7, v2;
	v3 =	vor.u32 v4, v3  }
.Ltmp7:
0x84: {  	v2 =	vor.u32 v2, v3;
	(pc) =	sbr.rel @!p2 .LBB2_14-.Ltmp7, $3  }
0x85: {  	[tilespmem:s19+$0x0] =	vst v2  }
0x86: {  	v2 =	vld.idx.msk [tilespmem:v1+s21+$0x0], $0xffff;
	_ =	sdelay $0x1  }
0x87: {  	p0 =	por $0x1, $0x1;
	v1 =	vmov s20;
	s21 =	simm.s32 $0x30;
	s20 =	simm.s32 $0x4400  }
.LBB2_15:
0x88: {  	p2 =	sne.s32 s21, $0x1F0;
	v1 =	vshll.u32 v1, $0x3  }
0x89: {  	v1 =	vor.u32 v0, v1  }
0x8a: {  	v3 =	vshll.u32 v2, $0x3;
	v1 =	vadd.s32 $0x2000, v1  }
0x8b: {  	v4 =	vand.u32 $0xFFFFF800, v2;
	v2 =	vshrl.u32 v2, $0x8;
	v3 =	vand.u32 $0x7F8, v3  }
0x8c: {  	v2 =	vand.u32 $0x7, v2;
	v3 =	vor.u32 v4, v3  }
0x8d: {  	s20 =	sadd.s32 $0x10, s20;
	v2 =	vor.u32 v2, v3  }
.Ltmp8:
0x8e: {  	s22 =	simm.s32 $0x0;
	[tilespmem:s20+$0x0] =	vst v2;
	(pc) =	sbr.rel @p2 .LBB2_15-.Ltmp8, $2  }
0x8f: {  	v2 =	vld.idx.msk [tilespmem:v1+s22+$0x0], $0xffff;
	_ =	sdelay $0x2  }
0x90: {  	v1 =	vmov s21;
	s21 =	sadd.s32 $0x10, s21  }
.LBB2_16:
0x91: {  	v1 =	vshll.u32 v1, $0x3  }
0x92: {  	v1 =	vor.u32 v0, v1  }
0x93: {  	v3 =	vshll.u32 @p1 v2, $0x3;
	v1 =	vadd.s32 $0x2000, v1  }
0x94: {  	v4 =	vand.u32 @p1 $0xFFFFF800, v2;
	v2 =	vshrl.u32 @p1 v2, $0x8;
	v3 =	vand.u32 @p1 $0x7F8, v3  }
0x95: {  	s20 =	sadd.s32 @p0 $0x10, s20;
	s21 =	simm.s32 $0x4400;
	v2 =	vand.u32 @p1 $0x7, v2;
	v3 =	vor.u32 @p1 v4, v3  }
0x96: {  	s21 =	smov.u32 @p0 s20;
	v2 =	vor.u32 @p1 v2, v3  }
0x97: {  	s22 =	simm.s32 $0x0;
	[tilespmem:s21+$0x0] =	vst @p1 v2  }
0x98: {  	v1 =	vld.idx.msk [tilespmem:v1+s22+$0x0], $0xffff;
	_ =	sdelay $0x3  }
0x99: {  	p2 =	por $0x1, $0x1  }
.Ltmp9:
0x9a: {  	v2 =	vshll.u32 v1, $0x3;
	(pc) =	sbr.rel @!p2 .LBB2_17-.Ltmp9, $4  }
0x9b: {  	v3 =	vand.u32 $0xFFFFF800, v1;
	v1 =	vshrl.u32 v1, $0x8;
	v2 =	vand.u32 $0x7F8, v2  }
0x9c: {  	s20 =	sadd.s32 @p1 $0x10, s21;
	v1 =	vand.u32 $0x7, v1;
	v2 =	vor.u32 v3, v2  }
0x9d: {  	p0 =	por $0x0, $0x0;
	s19 =	smov.u32 @p1 s20;
	v1 =	vor.u32 v1, v2  }
0x9e: {  	s20 =	simm.s32 $0x4600;
	p1 =	por $0x0, $0x0;
	v2 =	vmov s22;
	[tilespmem:s19+$0x0] =	vst v1;
	s19 =	simm.s32 $0x10  }
0x9f: {  	v1 =	vshll.u32 v2, $0x3  }
0xa0: {  	v1 =	vor.u32 v0, v1  }
0xa1: {  	p2 =	por $0x1, $0x1;
	v1 =	vadd.s32 $0x3000, v1  }
.Ltmp10:
0xa2: {  	_ = 	snop;
	(pc) =	sbr.rel @!p2 .LBB2_19-.Ltmp10, $2  }
0xa3: {  	_ =	sdelay $0x2  }
0xa4: {  	v2 =	vmov s19;
	s19 =	simm.s32 $0x20;
	p0 =	por $0x1, $0x1;
	v1 =	vld.idx.msk [tilespmem:v1+s2+$0x0], $0xffff  }
0xa5: {  	_ =	sdelay $0x1  }
0xa6: {  	v2 =	vshll.u32 v2, $0x3  }
0xa7: {  	v2 =	vor.u32 v0, v2  }
0xa8: {  	v2 =	vadd.s32 $0x3000, v2;
	v3 =	vshll.u32 v1, $0x3  }
0xa9: {  	v4 =	vand.u32 $0xFFFFF800, v1;
	v1 =	vshrl.u32 v1, $0x8;
	v3 =	vand.u32 $0x7F8, v3  }
0xaa: {  	p2 =	por $0x1, $0x1;
	v1 =	vand.u32 $0x7, v1;
	v3 =	vor.u32 v4, v3  }
.Ltmp11:
0xab: {  	v1 =	vor.u32 v1, v3;
	(pc) =	sbr.rel @!p2 .LBB2_21-.Ltmp11, $3  }
0xac: {  	[tilespmem:s20+$0x0] =	vst v1  }
0xad: {  	v1 =	vld.idx.msk [tilespmem:v2+s2+$0x0], $0xffff;
	_ =	sdelay $0x1  }
0xae: {  	s21 =	simm.s32 $0x30;
	p1 =	por $0x1, $0x1;
	v2 =	vmov s19;
	s19 =	simm.s32 $0x4600  }
.LBB2_22:
0xaf: {  	p2 =	sne.s32 s21, $0x1F0;
	v2 =	vshll.u32 v2, $0x3  }
0xb0: {  	v2 =	vor.u32 v0, v2  }
0xb1: {  	v3 =	vshll.u32 v1, $0x3;
	v2 =	vadd.s32 $0x3000, v2  }
0xb2: {  	v4 =	vand.u32 $0xFFFFF800, v1;
	v1 =	vshrl.u32 v1, $0x8;
	v3 =	vand.u32 $0x7F8, v3  }
0xb3: {  	v1 =	vand.u32 $0x7, v1;
	v3 =	vor.u32 v4, v3  }
0xb4: {  	s19 =	sadd.s32 $0x10, s19;
	v1 =	vor.u32 v1, v3  }
.Ltmp12:
0xb5: {  	[tilespmem:s19+$0x0] =	vst v1;
	(pc) =	sbr.rel @p2 .LBB2_22-.Ltmp12, $2  }
0xb6: {  	v1 =	vld.idx.msk [tilespmem:v2+s2+$0x0], $0xffff;
	_ =	sdelay $0x2  }
0xb7: {  	v2 =	vmov s21;
	s21 =	sadd.s32 $0x10, s21  }
.LBB2_23:
0xb8: {  	v2 =	vshll.u32 v2, $0x3  }
0xb9: {  	v2 =	vor.u32 v0, v2  }
0xba: {  	v3 =	vshll.u32 @p0 v1, $0x3;
	v2 =	vadd.s32 $0x3000, v2  }
0xbb: {  	v4 =	vand.u32 @p0 $0xFFFFF800, v1;
	v1 =	vshrl.u32 @p0 v1, $0x8;
	v3 =	vand.u32 @p0 $0x7F8, v3  }
0xbc: {  	s19 =	sadd.s32 @p1 $0x10, s19;
	s21 =	simm.s32 $0x4600;
	v1 =	vand.u32 @p0 $0x7, v1;
	v3 =	vor.u32 @p0 v4, v3  }
0xbd: {  	s21 =	smov.u32 @p1 s19;
	v1 =	vor.u32 @p0 v1, v3  }
0xbe: {  	[tilespmem:s21+$0x0] =	vst @p0 v1  }
0xbf: {  	v1 =	vld.idx.msk [tilespmem:v2+s2+$0x0], $0xffff;
	_ =	sdelay $0x4  }
0xc0: {  	v2 =	vshll.u32 v1, $0x3  }
0xc1: {  	v3 =	vand.u32 $0xFFFFF800, v1;
	v1 =	vshrl.u32 v1, $0x8;
	v2 =	vand.u32 $0x7F8, v2  }
0xc2: {  	s19 =	sadd.s32 @p0 $0x10, s21;
	v1 =	vand.u32 $0x7, v1;
	v2 =	vor.u32 v3, v2  }
0xc3: {  	s20 =	smov.u32 @p0 s19;
	v1 =	vor.u32 v1, v2  }
0xc4: {  	[tilespmem:s20+$0x0] =	vst v1  }
0xc5: {  	[tilespmem:s11], [sflag:$0x1] =	stream.indirect.gather [hbm4b:s3+s9], $0x10, s10, s9, $0xb8;
	[tilespmem:$0x8800] =	vst v63  }
0xc6: {  	_ = 	snop  }
0xc7: {  	[tilespmem:s13], [sflag:$0x1] =	stream.indirect.gather [hbm4b:s3+s9], $0x10, s12, s9, $0xb8;
	[tilespmem:$0x8800] =	vst v63  }
0xc8: {  	_ =	swait.ge [sflag:s14], $0x2000  }
0xc9: {  	[sflag:s14] =	ssyncset.done $0x0  }
0xca: {  	s20 =	rddreg [dreg:$0x5];
	[sflag:s14] =	ssyncadd.s32 $0xFFFFE000  }
0xcb: {  	[hbm4b:s20+s2] =	stream.linear.scatter [tilespmem:s11], [sflag:$0x2], $0x2000, $0x38;
	[tilespmem:$0x8800] =	vst v63  }
0xcc: {  	_ =	swait.ge [sflag:s15], $0x2000  }
0xcd: {  	[sflag:s15] =	ssyncset.done $0x0  }
0xce: {  	[sflag:s15] =	ssyncadd.s32 $0xFFFFE000  }
0xcf: {  	[tilespmem:s11], [sflag:$0x1] =	stream.indirect.gather [hbm4b:s3+s9], $0x10, s16, s9, $0xb8;
	[tilespmem:$0x8800] =	vst v63  }
0xd0: {  	_ =	swait.ge [sflag:s14], $0x2000  }
0xd1: {  	[sflag:s14] =	ssyncset.done $0x0  }
0xd2: {  	s21 =	rddreg [dreg:$0x6];
	[sflag:s14] =	ssyncadd.s32 $0xFFFFE000  }
0xd3: {  	[hbm4b:s21+s2] =	stream.linear.scatter [tilespmem:s13], [sflag:$0x2], $0x2000, $0x38;
	[tilespmem:$0x8800] =	vst v63  }
0xd4: {  	_ =	swait.ge [sflag:s15], $0x2000  }
0xd5: {  	[sflag:s15] =	ssyncset.done $0x0  }
0xd6: {  	[sflag:s15] =	ssyncadd.s32 $0xFFFFE000  }
0xd7: {  	[tilespmem:s13], [sflag:$0x1] =	stream.indirect.gather [hbm4b:s3+s9], $0x10, s17, s9, $0xb8;
	[tilespmem:$0x8800] =	vst v63  }
0xd8: {  	_ =	swait.ge [sflag:s14], $0x2000  }
0xd9: {  	[sflag:s14] =	ssyncset.done $0x0  }
0xda: {  	s22 =	rddreg [dreg:$0x7];
	[sflag:s14] =	ssyncadd.s32 $0xFFFFE000  }
0xdb: {  	[hbm4b:s22+s2] =	stream.linear.scatter [tilespmem:s11], [sflag:$0x2], $0x2000, $0x38;
	[tilespmem:$0x8800] =	vst v63  }
0xdc: {  	_ =	swait.ge [sflag:s15], $0x2000  }
0xdd: {  	[sflag:s15] =	ssyncset.done $0x0  }
0xde: {  	s23 =	rddreg [dreg:$0x3];
	[sflag:s15] =	ssyncadd.s32 $0xFFFFE000  }
0xdf: {  	[tilespmem:s11], [sflag:$0x1] =	stream.indirect.gather [hbm4b:s23+s9], $0x10, s10, s9, $0xb8;
	[tilespmem:$0x8800] =	vst v63  }
0xe0: {  	_ =	swait.ge [sflag:s14], $0x2000  }
0xe1: {  	[sflag:s14] =	ssyncset.done $0x0  }
0xe2: {  	s20 =	rddreg [dreg:$0x9];
	[sflag:s14] =	ssyncadd.s32 $0xFFFFE000  }
0xe3: {  	[hbm4b:s20+s2] =	stream.linear.scatter [tilespmem:s13], [sflag:$0x2], $0x2000, $0x38;
	[tilespmem:$0x8800] =	vst v63  }
0xe4: {  	_ =	swait.ge [sflag:s15], $0x2000  }
0xe5: {  	[sflag:s15] =	ssyncset.done $0x0  }
0xe6: {  	s21 =	rddreg [dreg:$0xa];
	[sflag:s15] =	ssyncadd.s32 $0xFFFFE000  }
0xe7: {  	[tilespmem:s13], [sflag:$0x1] =	stream.indirect.gather [hbm4b:s21+s9], $0x10, s10, s9, $0xb8;
	[tilespmem:$0x8800] =	vst v63  }
0xe8: {  	_ =	swait.ge [sflag:s14], $0x2000  }
0xe9: {  	[sflag:s14] =	ssyncset.done $0x0  }
0xea: {  	[sflag:s14] =	ssyncadd.s32 $0xFFFFE000  }
0xeb: {  	[hbm4b:s24+s2] =	stream.linear.scatter [tilespmem:s11], [sflag:$0x2], $0x2000, $0x38;
	[tilespmem:$0x8800] =	vst v63  }
0xec: {  	_ =	swait.ge [sflag:s15], $0x2000  }
0xed: {  	[sflag:s15] =	ssyncset.done $0x0  }
0xee: {  	s22 =	rddreg [dreg:$0xb];
	[sflag:s15] =	ssyncadd.s32 $0xFFFFE000  }
0xef: {  	[tilespmem:s11], [sflag:$0x1] =	stream.indirect.gather [hbm4b:s22+s9], $0x10, s10, s9, $0xb8;
	[tilespmem:$0x8800] =	vst v63  }
0xf0: {  	_ =	swait.ge [sflag:s14], $0x2000  }
0xf1: {  	[sflag:s14] =	ssyncset.done $0x0  }
0xf2: {  	[sflag:s14] =	ssyncadd.s32 $0xFFFFE000  }
0xf3: {  	[hbm4b:s25+s2] =	stream.linear.scatter [tilespmem:s13], [sflag:$0x2], $0x2000, $0x38;
	[tilespmem:$0x8800] =	vst v63  }
0xf4: {  	_ =	swait.ge [sflag:s15], $0x2000  }
0xf5: {  	[sflag:s15] =	ssyncset.done $0x0  }
0xf6: {  	s23 =	rddreg [dreg:$0xc];
	[sflag:s15] =	ssyncadd.s32 $0xFFFFE000  }
0xf7: {  	[tilespmem:s13], [sflag:$0x1] =	stream.indirect.gather [hbm4b:s23+s9], $0x10, s12, s9, $0xb8;
	[tilespmem:$0x8800] =	vst v63  }
0xf8: {  	_ =	swait.ge [sflag:s14], $0x2000  }
0xf9: {  	[sflag:s14] =	ssyncset.done $0x0  }
0xfa: {  	[sflag:s14] =	ssyncadd.s32 $0xFFFFE000  }
0xfb: {  	[hbm4b:s26+s2] =	stream.linear.scatter [tilespmem:s11], [sflag:$0x2], $0x2000, $0x38;
	[tilespmem:$0x8800] =	vst v63  }
0xfc: {  	_ =	swait.ge [sflag:s15], $0x2000  }
0xfd: {  	[sflag:s15] =	ssyncset.done $0x0  }
0xfe: {  	s20 =	rddreg [dreg:$0xd];
	[sflag:s15] =	ssyncadd.s32 $0xFFFFE000  }
0xff: {  	[tilespmem:s11], [sflag:$0x1] =	stream.indirect.gather [hbm4b:s20+s9], $0x10, s12, s9, $0xb8;
	[tilespmem:$0x8800] =	vst v63  }
0x100: {  	_ =	swait.ge [sflag:s14], $0x2000  }
0x101: {  	[sflag:s14] =	ssyncset.done $0x0  }
0x102: {  	[sflag:s14] =	ssyncadd.s32 $0xFFFFE000  }
0x103: {  	[hbm4b:s28+s2] =	stream.linear.scatter [tilespmem:s13], [sflag:$0x2], $0x2000, $0x38;
	[tilespmem:$0x8800] =	vst v63  }
0x104: {  	_ =	swait.ge [sflag:s15], $0x2000  }
0x105: {  	[sflag:s15] =	ssyncset.done $0x0  }
0x106: {  	s21 =	rddreg [dreg:$0xf];
	[sflag:s15] =	ssyncadd.s32 $0xFFFFE000  }
0x107: {  	[tilespmem:s13], [sflag:$0x1] =	stream.indirect.gather [hbm4b:s21+s9], $0x10, s16, s9, $0xb8;
	[tilespmem:$0x8800] =	vst v63  }
0x108: {  	_ =	swait.ge [sflag:s14], $0x2000  }
0x109: {  	[sflag:s14] =	ssyncset.done $0x0  }
0x10a: {  	[sflag:s14] =	ssyncadd.s32 $0xFFFFE000  }
0x10b: {  	[hbm4b:s29+s2] =	stream.linear.scatter [tilespmem:s11], [sflag:$0x2], $0x2000, $0x38;
	[tilespmem:$0x8800] =	vst v63  }
0x10c: {  	_ =	swait.ge [sflag:s15], $0x2000  }
0x10d: {  	[sflag:s15] =	ssyncset.done $0x0  }
0x10e: {  	s22 =	rddreg [dreg:$0x2];
	[sflag:s15] =	ssyncadd.s32 $0xFFFFE000  }
0x10f: {  	[tilespmem:s11], [sflag:$0x1] =	stream.indirect.gather [hbm4b:s22+s9], $0x10, s12, s9, $0xb8;
	[tilespmem:$0x8800] =	vst v63  }
0x110: {  	_ =	swait.ge [sflag:s14], $0x2000  }
0x111: {  	[sflag:s14] =	ssyncset.done $0x0  }
0x112: {  	[sflag:s14] =	ssyncadd.s32 $0xFFFFE000  }
0x113: {  	[hbm4b:s30+s2] =	stream.linear.scatter [tilespmem:s13], [sflag:$0x2], $0x2000, $0x38;
	[tilespmem:$0x8800] =	vst v63  }
0x114: {  	_ =	swait.ge [sflag:s15], $0x2000  }
0x115: {  	[sflag:s15] =	ssyncset.done $0x0  }
0x116: {  	s23 =	rddreg [dreg:$0x10];
	[sflag:s15] =	ssyncadd.s32 $0xFFFFE000  }
0x117: {  	[tilespmem:s13], [sflag:$0x1] =	stream.indirect.gather [hbm4b:s23+s9], $0x10, s16, s9, $0xb8;
	[tilespmem:$0x8800] =	vst v63  }
0x118: {  	_ =	swait.ge [sflag:s14], $0x2000  }
0x119: {  	[sflag:s14] =	ssyncset.done $0x0  }
0x11a: {  	[sflag:s14] =	ssyncadd.s32 $0xFFFFE000  }
0x11b: {  	[hbm4b:s31+s2] =	stream.linear.scatter [tilespmem:s11], [sflag:$0x2], $0x2000, $0x38;
	[tilespmem:$0x8800] =	vst v63  }
0x11c: {  	_ =	swait.ge [sflag:s15], $0x2000  }
0x11d: {  	[sflag:s15] =	ssyncset.done $0x0  }
0x11e: {  	s20 =	rddreg [dreg:$0x11];
	[sflag:s15] =	ssyncadd.s32 $0xFFFFE000  }
0x11f: {  	[tilespmem:s11], [sflag:$0x1] =	stream.indirect.gather [hbm4b:s20+s9], $0x10, s17, s9, $0xb8;
	[tilespmem:$0x8800] =	vst v63  }
0x120: {  	_ =	swait.ge [sflag:s14], $0x2000  }
0x121: {  	[sflag:s14] =	ssyncset.done $0x0  }
0x122: {  	[sflag:s14] =	ssyncadd.s32 $0xFFFFE000  }
0x123: {  	[hbm4b:s0+s2] =	stream.linear.scatter [tilespmem:s13], [sflag:$0x2], $0x2000, $0x38;
	[tilespmem:$0x8800] =	vst v63  }
0x124: {  	_ =	swait.ge [sflag:s15], $0x2000  }
0x125: {  	[sflag:s15] =	ssyncset.done $0x0  }
0x126: {  	s21 =	rddreg [dreg:$0x12];
	[sflag:s15] =	ssyncadd.s32 $0xFFFFE000  }
0x127: {  	[tilespmem:s13], [sflag:$0x1] =	stream.indirect.gather [hbm4b:s21+s9], $0x10, s16, s9, $0xb8;
	[tilespmem:$0x8800] =	vst v63  }
0x128: {  	_ =	swait.ge [sflag:s14], $0x2000  }
0x129: {  	[sflag:s14] =	ssyncset.done $0x0  }
0x12a: {  	[sflag:s14] =	ssyncadd.s32 $0xFFFFE000  }
0x12b: {  	[hbm4b:s1+s2] =	stream.linear.scatter [tilespmem:s11], [sflag:$0x2], $0x2000, $0x38;
	[tilespmem:$0x8800] =	vst v63  }
0x12c: {  	_ =	swait.ge [sflag:s15], $0x2000  }
0x12d: {  	[sflag:s15] =	ssyncset.done $0x0  }
0x12e: {  	s22 =	rddreg [dreg:$0x14];
	[sflag:s15] =	ssyncadd.s32 $0xFFFFE000  }
0x12f: {  	[tilespmem:s11], [sflag:$0x1] =	stream.indirect.gather [hbm4b:s22+s9], $0x10, s17, s9, $0xb8;
	[tilespmem:$0x8800] =	vst v63  }
0x130: {  	_ =	swait.ge [sflag:s14], $0x2000  }
0x131: {  	[sflag:s14] =	ssyncset.done $0x0  }
0x132: {  	[sflag:s14] =	ssyncadd.s32 $0xFFFFE000  }
0x133: {  	[hbm4b:s4+s2] =	stream.linear.scatter [tilespmem:s13], [sflag:$0x2], $0x2000, $0x38;
	[tilespmem:$0x8800] =	vst v63  }
0x134: {  	_ =	swait.ge [sflag:s15], $0x2000  }
0x135: {  	[sflag:s15] =	ssyncset.done $0x0  }
0x136: {  	s23 =	rddreg [dreg:$0x15];
	[sflag:s15] =	ssyncadd.s32 $0xFFFFE000  }
0x137: {  	[tilespmem:s13], [sflag:$0x1] =	stream.indirect.gather [hbm4b:s23+s9], $0x10, s17, s9, $0xb8;
	[tilespmem:$0x8800] =	vst v63  }
0x138: {  	_ =	swait.ge [sflag:s14], $0x2000  }
0x139: {  	[sflag:s14] =	ssyncset.done $0x0  }
0x13a: {  	[sflag:s14] =	ssyncadd.s32 $0xFFFFE000  }
0x13b: {  	[hbm4b:s5+s2] =	stream.linear.scatter [tilespmem:s11], [sflag:$0x2], $0x2000, $0x38;
	[tilespmem:$0x8800] =	vst v63  }
0x13c: {  	_ =	swait.ge [sflag:s15], $0x2000  }
0x13d: {  	[sflag:s15] =	ssyncset.done $0x0  }
0x13e: {  	[sflag:s15] =	ssyncadd.s32 $0xFFFFE000  }
0x13f: {  	_ =	swait.ge [sflag:s14], $0x2000  }
0x140: {  	s18 =	sadd.s32 $0x1, s18;
	[sflag:s14] =	ssyncset.done $0x0  }
0x141: {  	p0 =	sne.s32 s18, s7;
	[sflag:s14] =	ssyncadd.s32 $0xFFFFE000  }
0x142: {  	[hbm4b:s6+s2] =	stream.linear.scatter [tilespmem:s13], [sflag:$0x2], $0x2000, $0x38;
	[tilespmem:$0x8800] =	vst v63  }
.Ltmp13:
0x143: {  	_ = 	snop;
	(pc) =	sbr.rel @p0 .LBB2_1-.Ltmp13, $4  }
.Ltmp14:
0x144: {  	_ = 	snop;
	(pc) =	sbr.rel @!p0 .LBB2_24-.Ltmp14, $4  }
0x145: {  	_ =	swait.ge [sflag:s15], $0x2000  }
0x146: {  	[sflag:s15] =	ssyncset.done $0x0  }
0x147: {  	[sflag:s15] =	ssyncadd.s32 $0xFFFFE000  }
0x148: {  	_ = 	snop  }
.LBB2_10:
.Ltmp15:
0x149: {  	(pc) =	sbr.rel .LBB2_16-.Ltmp15, $2  }
0x14a: {  	_ =	sdelay $0x2  }
0x14b: {  	s20 =	simm.s32 $0x4400;
	p1 =	por $0x0, $0x0  }
.LBB2_17:
.Ltmp16:
0x14c: {  	(pc) =	sbr.rel .LBB2_23-.Ltmp16, $2  }
0x14d: {  	_ =	sdelay $0x2  }
0x14e: {  	s19 =	simm.s32 $0x4600  }
.LBB2_5:
.Ltmp17:
0x14f: {  	(pc) =	sbr.rel .LBB2_9-.Ltmp17, $2  }
0x150: {  	_ =	sdelay $0x2  }
0x151: {  	s22 =	simm.s32 $0x4200;
	p3 =	por $0x0, $0x0  }
.LBB2_12:
.Ltmp18:
0x152: {  	(pc) =	sbr.rel .LBB2_16-.Ltmp18, $2  }
0x153: {  	_ =	sdelay $0x2  }
0x154: {  	s20 =	simm.s32 $0x4400  }
.LBB2_19:
.Ltmp19:
0x155: {  	(pc) =	sbr.rel .LBB2_23-.Ltmp19, $2  }
0x156: {  	_ =	sdelay $0x2  }
0x157: {  	s19 =	simm.s32 $0x4600  }
.LBB2_7:
.Ltmp20:
0x158: {  	(pc) =	sbr.rel .LBB2_9-.Ltmp20, $2  }
0x159: {  	_ =	sdelay $0x2  }
0x15a: {  	s22 =	simm.s32 $0x4200  }
.LBB2_14:
.Ltmp21:
0x15b: {  	(pc) =	sbr.rel .LBB2_16-.Ltmp21, $2  }
0x15c: {  	_ =	sdelay $0x2  }
0x15d: {  	s20 =	simm.s32 $0x4400  }
.LBB2_21:
.Ltmp22:
0x15e: {  	(pc) =	sbr.rel .LBB2_23-.Ltmp22, $2  }
0x15f: {  	_ =	sdelay $0x2  }
0x160: {  	s19 =	simm.s32 $0x4600  }
.LBB2_24:
0x161: {  	_ =	sfence.sel $0x180000  }
0x162: {  	[bflag:$0x0] =	sbarrier.arrive $0xFFFF  }
0x163: {  	_ =	strace $0x90000047  }
0x164: {  	s0 =	stileid.u32;
	[bflag:$0x2] =	sbarrier.arrive $0xFFFF  }
0x165: {  	p0 =	sne.s32 s0, $0x0;
	s0 =	rddreg [dreg:$0x1]  }
0x166: {  	s0 =	sadd.s32 @!p0 $0x100000, s0  }
0x167: {  	[sflag:s0] =	ssyncadd.tile.s32 @!p0 $0x1;
	_ =	shalt  }
.Lfunc_end2:
_tile_overlayer_lowered:
.L_overlay_start_2:
0x168: {  	(tag) =	ssettag $0x2  }
0x169: {  	s0 =	rddreg [dreg:$0x0];
	s2 =	stileid.u32  }
0x16a: {  	s1 =	rddreg [dreg:$0x1];
	p0 =	sne.s32 s2, $0x0  }
0x16b: {  	s3 =	rddreg [dreg:$0x2];
	[bflag:$0x3] =	sbarrier.arrive $0xFFFF;
	s2 =	simm.s32 @!p0 $0x1C03  }
0x16c: {  	[timem:s3], [sflag:s2] =	dma.local @!p0 [hbm:s0], s1  }
0x16d: {  	s0 =	simm.s32 @!p0 $0x3  }
0x16e: {  	_ =	swait.ge @!p0 [sflag:s0], s1  }
0x16f: {  	s1 =	ssub.s32 @!p0 $0x0, s1;
	[sflag:s0] =	ssyncset.done @!p0 $0x0  }
0x170: {  	[sflag:s0] =	ssyncadd.s32 @!p0 s1  }
0x171: {  	[bflag:$0x3] =	sbarrier.arrive $0xFFFF  }
0x172: {  	_ =	shalt  }

</sc_bundles>
